<compile_context>
chip_gen: v7x
topology: tpu7x:2x2x1
jax: 0.10.2.dev20260603
libtpu: 0.0.44.dev20260713+nightly
codegen_flags: <defaults>
</compile_context>

<pallas_src>
import functools

import jax
import jax.numpy as jnp
from jax import lax
from jax.experimental import pallas as pl
from jax.experimental.pallas import tpu as pltpu
from jax.experimental.pallas import tpu_sc as plsc

THRESH = 0.7
N_MIN = 131072
IGNORE = 255

N, C, H, W = 8, 19, 512, 512
NPIX = N * H * W


_BH = 64


_KEY_07 = 0x3F333333


def _nll_pick_body(logits_ref, labels_ref, key_ref, nll_ref, cnt_ref,
                   acc_ref):
    step = pl.program_id(0) * pl.num_programs(1) + pl.program_id(1)

    @pl.when(step == 0)
    def _():
        acc_ref[0] = 0

    lb = labels_ref[0]
    invalid = lb == IGNORE
    lb0 = jnp.where(invalid, 0, lb)

    x0 = logits_ref[0, 0]
    m = x0
    for c in range(1, C):
        m = jnp.maximum(m, logits_ref[0, c])

    s = jnp.zeros_like(m)
    xl = jnp.zeros_like(m)
    for c in range(C):
        xc = logits_ref[0, c]
        s = s + jnp.exp(xc - m)
        xl = xl + jnp.where(lb0 == c, xc, 0.0)

    pick = jnp.exp(xl - m) / s
    pick = jnp.where(invalid, 1.0, pick)
    nll = m + jnp.log(s) - xl
    key = lax.bitcast_convert_type(pick, jnp.int32)
    key_ref[0] = key
    nll_ref[0] = nll
    acc_ref[0] += jnp.sum((key < _KEY_07).astype(jnp.int32))

    @pl.when(step == pl.num_programs(0) * pl.num_programs(1) - 1)
    def _():
        cnt_ref[0, 0] = acc_ref[0]


def _nll_pick(logits, labels):
    grid = (N, H // _BH)
    return pl.pallas_call(
        _nll_pick_body,
        grid=grid,
        in_specs=[
            pl.BlockSpec((1, C, _BH, W), lambda n, h: (n, 0, h, 0)),
            pl.BlockSpec((1, _BH, W), lambda n, h: (n, h, 0)),
        ],
        out_specs=[
            pl.BlockSpec((1, _BH, W), lambda n, h: (n, h, 0)),
            pl.BlockSpec((1, _BH, W), lambda n, h: (n, h, 0)),
            pl.BlockSpec(memory_space=pltpu.SMEM),
        ],
        out_shape=[
            jax.ShapeDtypeStruct((N, H, W), jnp.int32),
            jax.ShapeDtypeStruct((N, H, W), jnp.float32),
            jax.ShapeDtypeStruct((1, 1), jnp.int32),
        ],
        scratch_shapes=[pltpu.SMEM((1,), jnp.int32)],
    )(logits, labels)



_NB = 2048
_NBP = _NB + 1
_TROWS = H // 2
_CROWS = 64
_NCHUNK = _TROWS // _CROWS


def _lanes():
    return lax.iota(jnp.int32, 16)


def _shr(key, amount):
    return lax.shift_right_logical(key, jnp.full((16,), amount, jnp.int32))


def _zero_hist(hist):
    z = jnp.zeros((16,), jnp.int32)

    @plsc.parallel_loop(0, 16 * (_NB // 16), unroll=8)
    def _(i):
        hist[i >> 7, pl.ds((i & 127) * 16, 16)] = z


def _level(keys_hbm, buf, hist, mbuf, total, shared, sid, img, half, rank,
           bin_fn, mask_fn):
    lanes = _lanes()
    ones = jnp.full((16,), 1, jnp.int32)

    _zero_hist(hist)

    def chunk_body(ch, _):
        pltpu.sync_copy(
            keys_hbm.at[img, pl.ds(half * _TROWS + ch * _CROWS, _CROWS), :],
            buf)

        @plsc.parallel_loop(0, _CROWS * (W // 16), unroll=8)
        def _(i):
            key = buf[i >> 5, pl.ds((i & 31) * 16, 16)]
            plsc.addupdate_scatter(hist, [lanes, bin_fn(key)], ones,
                                   mask=mask_fn(key))

        return 0

    lax.fori_loop(0, _NCHUNK, chunk_body, 0)

    @plsc.parallel_loop(0, _NB // 16, unroll=2)
    def _(i):
        acc = hist[0, pl.ds(i * 16, 16)]
        for l in range(1, 16):
            acc = acc + hist[l, pl.ds(i * 16, 16)]
        total[pl.ds(i * 16, 16)] = acc

    pltpu.sync_copy(total, shared.at[sid])
    plsc.subcore_barrier()
    pltpu.sync_copy(shared, mbuf)
    plsc.subcore_barrier()

    def scan_body(i, carry):
        prefix, bcnt, cbef = carry
        v = mbuf[0, pl.ds(i * 16, 16)]
        for r in range(1, 16):
            v = v + mbuf[r, pl.ds(i * 16, 16)]
        cs = plsc.cumsum(v) + prefix
        le = cs <= rank
        bcnt = bcnt + jnp.sum(jnp.where(le, 1, 0))
        cbef = cbef + jnp.sum(jnp.where(le, v, 0))
        prefix = jnp.max(cs)
        return prefix, bcnt, cbef

    z = jnp.int32(0)
    _, b, cbefore = lax.fori_loop(0, _NB // 16, scan_body, (z, z, z))
    return b, rank - cbefore


def _true_mask(key):
    return jnp.full((16,), True)


def _select_body(keys_hbm, kth_hbm, buf, hist, mbuf, total, kthbuf, shared):
    cid = lax.axis_index("c")
    sid = lax.axis_index("s")
    img = sid >> 1
    half = sid & 1

    @pl.when(cid == 0)
    def _():
        b1, r1 = _level(keys_hbm, buf, hist, mbuf, total, shared, sid, img,
                        half, jnp.int32(N_MIN), lambda key: _shr(key, 21),
                        _true_mask)

        m1 = jnp.broadcast_to(b1, (16,)).astype(jnp.int32)
        b2, r2 = _level(
            keys_hbm, buf, hist, mbuf, total, shared, sid, img, half, r1,
            lambda key: jnp.bitwise_and(_shr(key, 10),
                                        jnp.full((16,), 0x7FF, jnp.int32)),
            lambda key: _shr(key, 21) == m1)

        p2 = b1 * 2048 + b2
        m2 = jnp.broadcast_to(p2, (16,)).astype(jnp.int32)
        b3, _r3 = _level(
            keys_hbm, buf, hist, mbuf, total, shared, sid, img, half, r2,
            lambda key: jnp.bitwise_and(key,
                                        jnp.full((16,), 0x3FF, jnp.int32)),
            lambda key: _shr(key, 10) == m2)

        @pl.when(sid == 0)
        def _():
            kthbuf[...] = jnp.broadcast_to(p2 * 1024 + b3,
                                           (16,)).astype(jnp.int32)
            pltpu.sync_copy(kthbuf, kth_hbm)


@functools.cache
def _sc_select():
    mesh = plsc.VectorSubcoreMesh(core_axis_name="c", subcore_axis_name="s")
    cp = pltpu.CompilerParams(needs_layout_passes=False)
    i32 = jnp.int32
    return pl.kernel(
        _select_body, mesh=mesh, compiler_params=cp,
        out_type=jax.ShapeDtypeStruct((16,), i32),
        scratch_types=[
            pltpu.VMEM((_CROWS, W), i32),
            pltpu.VMEM((16, _NBP), i32),
            pltpu.VMEM((16, _NB), i32),
            pltpu.VMEM((_NB,), i32),
            pltpu.VMEM((16,), i32),
            pltpu.VMEM_SHARED((16, _NB), i32),
        ],
    )




def _loss_body(kth_ref, key_ref, nll_ref, out_ref, acc_ref):
    step = pl.program_id(0)

    @pl.when(step == 0)
    def _():
        acc_ref[0] = 0.0
        acc_ref[1] = 0.0

    thresh_key = jnp.maximum(kth_ref[0, 0], _KEY_07)
    k = key_ref[0]
    nl = nll_ref[0]
    keep = k <= thresh_key
    acc_ref[0] += jnp.sum(jnp.where(keep, nl, 0.0))
    acc_ref[1] += jnp.sum(keep.astype(jnp.float32))

    @pl.when(step == pl.num_programs(0) - 1)
    def _():
        out_ref[0, 0] = acc_ref[0] / jnp.maximum(acc_ref[1], 1.0)


def _masked_ce(kth, keys, nll):
    return pl.pallas_call(
        _loss_body,
        grid=(N,),
        in_specs=[
            pl.BlockSpec(memory_space=pltpu.SMEM),
            pl.BlockSpec((1, H, W), lambda i: (i, 0, 0)),
            pl.BlockSpec((1, H, W), lambda i: (i, 0, 0)),
        ],
        out_specs=pl.BlockSpec(memory_space=pltpu.SMEM),
        out_shape=jax.ShapeDtypeStruct((1, 1), jnp.float32),
        scratch_shapes=[pltpu.SMEM((2,), jnp.float32)],
    )(kth, keys, nll)




def kernel(logits, labels):
    keys, nll, cnt = _nll_pick(logits, labels)
    kth = lax.cond(
        cnt[0, 0] > N_MIN,
        lambda: jnp.full((16,), _KEY_07, jnp.int32),
        lambda: _sc_select()(keys),
    )
    loss = _masked_ce(kth.reshape(1, 16), keys, nll)
    return loss.reshape(())

# --- scband reference (transcript-rebuilt; emitter-appended) ---
"""Pipeline reference for scband-ohem-celoss-45561013076180 (READ-ONLY COPY).

The authoritative reference and input builder live on the scoring server;
editing this copy changes nothing except your own understanding.
"""

import jax, jax.numpy as jnp
import numpy as np

THRESH = 0.7
N_MIN = 131072
IGNORE = 255


def setup_inputs(seed: int = 0) -> dict:
    key = jax.random.key(seed)
    k1, k2 = jax.random.split(key)
    logits = jax.random.normal(k1, (8, 19, 512, 512), dtype=jnp.float32)
    labels = jax.random.randint(k2, (8, 512, 512), 0, 19, dtype=jnp.int32)
    return {"logits": logits, "labels": labels}


def reference(logits, labels):
    N, C, H, W = logits.shape
    n_pixs = N * H * W
    lg = jnp.transpose(logits, (0, 2, 3, 1)).reshape(-1, C)
    lb = labels.reshape(-1)
    # --- OHEM selection (no-grad region) ---
    scores = jax.nn.softmax(jax.lax.stop_gradient(lg), axis=1)
    invalid = lb == IGNORE
    lb0 = jnp.where(invalid, 0, lb)
    picks = jnp.take_along_axis(scores, lb0[:, None], axis=1)[:, 0]
    picks = jnp.where(invalid, 1.0, picks)
    sorteds = jnp.sort(picks)
    kth = sorteds[N_MIN]
    thresh = jnp.where(kth < THRESH, THRESH, kth)
    lb_ohem = jnp.where(picks > thresh, IGNORE, lb0)
    # --- masked mean cross entropy (ignore_index semantics) ---
    logp = jax.nn.log_softmax(lg, axis=1)
    valid = lb_ohem != IGNORE
    safe = jnp.where(valid, lb_ohem, 0)
    nll = -jnp.take_along_axis(logp, safe[:, None], axis=1)[:, 0]
    denom = jnp.maximum(jnp.sum(valid.astype(jnp.float32)), 1.0)
    loss = jnp.sum(jnp.where(valid, nll, 0.0)) / denom
    return loss

if __name__ == "__main__":
    import jax
    _d = setup_inputs()
    print(jax.jit(kernel)(*tuple(_d.values())))

</pallas_src>

<mosaic_0001>
#map = affine_map<(d0, d1) -> (0, 0, 0)>
#map1 = affine_map<(d0, d1) -> (0)>
module attributes {stable_mosaic.version = 14 : i64} {
  func.func @_select_body(%arg0: i32, %arg1: i32, %arg2: memref<8x512x512xi32, #tpu.memory_space<hbm>>, %arg3: memref<16xi32, #tpu.memory_space<hbm>>, %arg4: memref<64x512xi32, #tpu.memory_space<vmem>>, %arg5: memref<16x2049xi32, #tpu.memory_space<vmem>>, %arg6: memref<16x2048xi32, #tpu.memory_space<vmem>>, %arg7: memref<2048xi32, #tpu.memory_space<vmem>>, %arg8: memref<16xi32, #tpu.memory_space<vmem>>, %arg9: memref<16x2048xi32, #tpu.memory_space<vmem_shared>>) attributes {dimension_semantics = [#tpu.dimension_semantics<core_parallel>, #tpu.dimension_semantics<subcore_parallel>], iteration_bounds = array<i64: 2, 16>, scalar_prefetch = 0 : i64, scratch_operands = 6 : i64, tpu.core_type = #tpu.core_type<sc_vector_subcore>, window_params = [{transform_indices = #map}, {transform_indices = #map1}]} {
    %shift_right_arithmetic3A = arith.constant 1 : i32
    %shift_right_arithmetic3A_0 = arith.shrsi %arg1, %shift_right_arithmetic3A : i32
    %and3A = arith.constant 1 : i32
    %and3A_1 = arith.andi %arg1, %and3A : i32
    %eq3A = arith.constant 0 : i32
    %eq3A_2 = arith.cmpi eq, %arg0, %eq3A : i32
    %convert_element_type3A = arith.extui %eq3A_2 : i1 to i32
    %cond3A = arith.constant 0 : i32
    %cond3A_3 = arith.cmpi ne, %convert_element_type3A, %cond3A : i32
    scf.if %cond3A_3 {
      %iota3A = tpu.iota {dimensions = array<i32: 0>} : vector<16xi32>
      %broadcast_in_dim3A = arith.constant 1 : i32
      %broadcast_in_dim3A_4 = vector.broadcast %broadcast_in_dim3A : i32 to vector<16xi32>
      %broadcast_in_dim3A_5 = arith.constant 0 : i32
      %broadcast_in_dim3A_6 = vector.broadcast %broadcast_in_dim3A_5 : i32 to vector<16xi32>
      %parallel_loop3A = arith.constant 0 : i32
      %parallel_loop3A_7 = arith.constant 2048 : i32
      %parallel_loop3A_8 = arith.constant 1 : i32
      scf.for %parallel_loop3A_98 = %parallel_loop3A to %parallel_loop3A_7 step %parallel_loop3A_8  : i32 {
        %parallel_loop3A_99 = arith.constant 7 : i32
        %parallel_loop3A_100 = arith.shrsi %parallel_loop3A_98, %parallel_loop3A_99 : i32
        %parallel_loop3A_101 = arith.constant 127 : i32
        %parallel_loop3A_102 = arith.andi %parallel_loop3A_98, %parallel_loop3A_101 : i32
        %parallel_loop3A_103 = arith.constant 16 : i32
        %parallel_loop3A_104 = arith.muli %parallel_loop3A_102, %parallel_loop3A_103 : i32
        %parallel_loop3A_105 = arith.index_cast %parallel_loop3A_100 : i32 to index
        %parallel_loop3A_106 = arith.index_cast %parallel_loop3A_104 : i32 to index
        %parallel_loop3A_107 = tpu.vector_load %arg5[%parallel_loop3A_105, %parallel_loop3A_106] {strides = array<i32>} : memref<16x2049xi32, #tpu.memory_space<vmem>>, vector<16xi32>,
        tpu.vector_store %arg5[%parallel_loop3A_105, %parallel_loop3A_106], %broadcast_in_dim3A_6 {strides = array<i32>} : memref<16x2049xi32, #tpu.memory_space<vmem>>, vector<16xi32>,
      } {sc.loop_unroll_factor = 8 : i64, sc.parallel_access}
      %scan3A = arith.constant 0 : i32
      %scan3A_9 = arith.constant 0 : i32
      %scan3A_10 = arith.constant 4 : i32
      %scan3A_11 = arith.addi %scan3A_9, %scan3A_10 : i32
      %scan3A_12 = arith.constant 1 : i32
      %scan3A_13 = scf.for %scan3A_98 = %scan3A_9 to %scan3A_11 step %scan3A_12 iter_args(%scan3A_99 = %scan3A) -> (i32)  : i32 {
        %mul3A_100 = arith.constant 256 : i32
        %mul3A_101 = arith.muli %and3A_1, %mul3A_100 : i32
        %mul3A_102 = arith.constant 64 : i32
        %mul3A_103 = arith.muli %scan3A_98, %mul3A_102 : i32
        %add3A_104 = arith.addi %mul3A_101, %mul3A_103 : i32
        "tpu.region"() ({
          %run_scoped3A = tpu.sem_alloc : memref<!tpu.dma_semaphore, #tpu.memory_space<semaphore_mem>>
          %dma_start3A = arith.constant 0 : i32
          %dma_start3A_109 = tpu.memref_slice %arg2[%shift_right_arithmetic3A_0, %add3A_104, %dma_start3A] : memref<8x512x512xi32, #tpu.memory_space<hbm>> -> memref<1x64x512xi32, #tpu.memory_space<hbm>>
          %dma_start3A_110 = tpu.memref_squeeze %dma_start3A_109 : memref<1x64x512xi32, #tpu.memory_space<hbm>> -> memref<64x512xi32, #tpu.memory_space<hbm>>
          %dma_start3A_111 = arith.constant 0 : i32
          %dma_start3A_112 = tpu.memref_slice %arg2[%shift_right_arithmetic3A_0, %add3A_104, %dma_start3A_111] : memref<8x512x512xi32, #tpu.memory_space<hbm>> -> memref<1x64x512xi32, #tpu.memory_space<hbm>>
          %dma_start3A_113 = tpu.memref_squeeze %dma_start3A_112 : memref<1x64x512xi32, #tpu.memory_space<hbm>> -> memref<64x512xi32, #tpu.memory_space<hbm>>
          tpu.enqueue_dma source(%dma_start3A_113 : memref<64x512xi32, #tpu.memory_space<hbm>>) target(%arg4 : memref<64x512xi32, #tpu.memory_space<vmem>>) target_semaphore(%run_scoped3A : memref<!tpu.dma_semaphore, #tpu.memory_space<semaphore_mem>>)
          %dma_wait3A = arith.constant 0 : i32
          %dma_wait3A_114 = tpu.memref_slice %arg2[%shift_right_arithmetic3A_0, %add3A_104, %dma_wait3A] : memref<8x512x512xi32, #tpu.memory_space<hbm>> -> memref<1x64x512xi32, #tpu.memory_space<hbm>>
          %dma_wait3A_115 = tpu.memref_squeeze %dma_wait3A_114 : memref<1x64x512xi32, #tpu.memory_space<hbm>> -> memref<64x512xi32, #tpu.memory_space<hbm>>
          %dma_wait3A_116 = arith.constant 0 : i32
          %dma_wait3A_117 = tpu.memref_slice %arg2[%shift_right_arithmetic3A_0, %add3A_104, %dma_wait3A_116] : memref<8x512x512xi32, #tpu.memory_space<hbm>> -> memref<1x64x512xi32, #tpu.memory_space<hbm>>
          %dma_wait3A_118 = tpu.memref_squeeze %dma_wait3A_117 : memref<1x64x512xi32, #tpu.memory_space<hbm>> -> memref<64x512xi32, #tpu.memory_space<hbm>>
          tpu.wait_dma2 semaphore(%run_scoped3A : memref<!tpu.dma_semaphore, #tpu.memory_space<semaphore_mem>>) src(%dma_wait3A_118 : memref<64x512xi32, #tpu.memory_space<hbm>>) dst(%arg4 : memref<64x512xi32, #tpu.memory_space<vmem>>)
          tpu.yield
        }) : () -> ()
        %parallel_loop3A_105 = arith.constant 0 : i32
        %parallel_loop3A_106 = arith.constant 2048 : i32
        %parallel_loop3A_107 = arith.constant 1 : i32
        scf.for %parallel_loop3A_109 = %parallel_loop3A_105 to %parallel_loop3A_106 step %parallel_loop3A_107  : i32 {
          %parallel_loop3A_110 = arith.constant 5 : i32
          %parallel_loop3A_111 = arith.shrsi %parallel_loop3A_109, %parallel_loop3A_110 : i32
          %parallel_loop3A_112 = arith.constant 31 : i32
          %parallel_loop3A_113 = arith.andi %parallel_loop3A_109, %parallel_loop3A_112 : i32
          %parallel_loop3A_114 = arith.constant 16 : i32
          %parallel_loop3A_115 = arith.muli %parallel_loop3A_113, %parallel_loop3A_114 : i32
          %parallel_loop3A_116 = arith.index_cast %parallel_loop3A_111 : i32 to index
          %parallel_loop3A_117 = arith.index_cast %parallel_loop3A_115 : i32 to index
          %parallel_loop3A_118 = tpu.vector_load %arg4[%parallel_loop3A_116, %parallel_loop3A_117] {strides = array<i32>} : memref<64x512xi32, #tpu.memory_space<vmem>>, vector<16xi32>,
          %parallel_loop3A_119 = arith.constant 21 : i32
          %parallel_loop3A_120 = vector.broadcast %parallel_loop3A_119 : i32 to vector<16xi32>
          %parallel_loop3A_121 = arith.shrui %parallel_loop3A_118, %parallel_loop3A_120 : vector<16xi32>
          %parallel_loop3A_122 = arith.constant true
          %parallel_loop3A_123 = vector.broadcast %parallel_loop3A_122 : i1 to vector<16xi1>
          tpu.vector_store_idx %arg5[%iota3A, %parallel_loop3A_121], %broadcast_in_dim3A_4 masked %parallel_loop3A_123 {add = true} : memref<16x2049xi32, #tpu.memory_space<vmem>>[vector<16xi32>, vector<16xi32>], vector<16xi32>, vector<16xi1>
        } {sc.loop_unroll_factor = 8 : i64, sc.parallel_access}
        %scan3A_108 = arith.constant 0 : i32
        scf.yield %scan3A_108 : i32
      }
      %scan3A_14 = arith.constant 4 : i32
      %parallel_loop3A_15 = arith.constant 0 : i32
      %parallel_loop3A_16 = arith.constant 128 : i32
      %parallel_loop3A_17 = arith.constant 1 : i32
      scf.for %parallel_loop3A_98 = %parallel_loop3A_15 to %parallel_loop3A_16 step %parallel_loop3A_17  : i32 {
        %parallel_loop3A_99 = arith.constant 16 : i32
        %parallel_loop3A_100 = arith.muli %parallel_loop3A_98, %parallel_loop3A_99 : i32
        %parallel_loop3A_101 = arith.constant 0 : i32
        %parallel_loop3A_102 = arith.index_cast %parallel_loop3A_101 : i32 to index
        %parallel_loop3A_103 = arith.index_cast %parallel_loop3A_100 : i32 to index
        %parallel_loop3A_104 = tpu.vector_load %arg5[%parallel_loop3A_102, %parallel_loop3A_103] {strides = array<i32>} : memref<16x2049xi32, #tpu.memory_space<vmem>>, vector<16xi32>,
        %parallel_loop3A_105 = arith.constant 16 : i32
        %parallel_loop3A_106 = arith.muli %parallel_loop3A_98, %parallel_loop3A_105 : i32
        %parallel_loop3A_107 = arith.constant 1 : i32
        %parallel_loop3A_108 = arith.index_cast %parallel_loop3A_107 : i32 to index
        %parallel_loop3A_109 = arith.index_cast %parallel_loop3A_106 : i32 to index
        %parallel_loop3A_110 = tpu.vector_load %arg5[%parallel_loop3A_108, %parallel_loop3A_109] {strides = array<i32>} : memref<16x2049xi32, #tpu.memory_space<vmem>>, vector<16xi32>,
        %parallel_loop3A_111 = arith.addi %parallel_loop3A_104, %parallel_loop3A_110 : vector<16xi32>
        %parallel_loop3A_112 = arith.constant 16 : i32
        %parallel_loop3A_113 = arith.muli %parallel_loop3A_98, %parallel_loop3A_112 : i32
        %parallel_loop3A_114 = arith.constant 2 : i32
        %parallel_loop3A_115 = arith.index_cast %parallel_loop3A_114 : i32 to index
        %parallel_loop3A_116 = arith.index_cast %parallel_loop3A_113 : i32 to index
        %parallel_loop3A_117 = tpu.vector_load %arg5[%parallel_loop3A_115, %parallel_loop3A_116] {strides = array<i32>} : memref<16x2049xi32, #tpu.memory_space<vmem>>, vector<16xi32>,
        %parallel_loop3A_118 = arith.addi %parallel_loop3A_111, %parallel_loop3A_117 : vector<16xi32>
        %parallel_loop3A_119 = arith.constant 16 : i32
        %parallel_loop3A_120 = arith.muli %parallel_loop3A_98, %parallel_loop3A_119 : i32
        %parallel_loop3A_121 = arith.constant 3 : i32
        %parallel_loop3A_122 = arith.index_cast %parallel_loop3A_121 : i32 to index
        %parallel_loop3A_123 = arith.index_cast %parallel_loop3A_120 : i32 to index
        %parallel_loop3A_124 = tpu.vector_load %arg5[%parallel_loop3A_122, %parallel_loop3A_123] {strides = array<i32>} : memref<16x2049xi32, #tpu.memory_space<vmem>>, vector<16xi32>,
        %parallel_loop3A_125 = arith.addi %parallel_loop3A_118, %parallel_loop3A_124 : vector<16xi32>
        %parallel_loop3A_126 = arith.constant 16 : i32
        %parallel_loop3A_127 = arith.muli %parallel_loop3A_98, %parallel_loop3A_126 : i32
        %parallel_loop3A_128 = arith.constant 4 : i32
        %parallel_loop3A_129 = arith.index_cast %parallel_loop3A_128 : i32 to index
        %parallel_loop3A_130 = arith.index_cast %parallel_loop3A_127 : i32 to index
        %parallel_loop3A_131 = tpu.vector_load %arg5[%parallel_loop3A_129, %parallel_loop3A_130] {strides = array<i32>} : memref<16x2049xi32, #tpu.memory_space<vmem>>, vector<16xi32>,
        %parallel_loop3A_132 = arith.addi %parallel_loop3A_125, %parallel_loop3A_131 : vector<16xi32>
        %parallel_loop3A_133 = arith.constant 16 : i32
        %parallel_loop3A_134 = arith.muli %parallel_loop3A_98, %parallel_loop3A_133 : i32
        %parallel_loop3A_135 = arith.constant 5 : i32
        %parallel_loop3A_136 = arith.index_cast %parallel_loop3A_135 : i32 to index
        %parallel_loop3A_137 = arith.index_cast %parallel_loop3A_134 : i32 to index
        %parallel_loop3A_138 = tpu.vector_load %arg5[%parallel_loop3A_136, %parallel_loop3A_137] {strides = array<i32>} : memref<16x2049xi32, #tpu.memory_space<vmem>>, vector<16xi32>,
        %parallel_loop3A_139 = arith.addi %parallel_loop3A_132, %parallel_loop3A_138 : vector<16xi32>
        %parallel_loop3A_140 = arith.constant 16 : i32
        %parallel_loop3A_141 = arith.muli %parallel_loop3A_98, %parallel_loop3A_140 : i32
        %parallel_loop3A_142 = arith.constant 6 : i32
        %parallel_loop3A_143 = arith.index_cast %parallel_loop3A_142 : i32 to index
        %parallel_loop3A_144 = arith.index_cast %parallel_loop3A_141 : i32 to index
        %parallel_loop3A_145 = tpu.vector_load %arg5[%parallel_loop3A_143, %parallel_loop3A_144] {strides = array<i32>} : memref<16x2049xi32, #tpu.memory_space<vmem>>, vector<16xi32>,
        %parallel_loop3A_146 = arith.addi %parallel_loop3A_139, %parallel_loop3A_145 : vector<16xi32>
        %parallel_loop3A_147 = arith.constant 16 : i32
        %parallel_loop3A_148 = arith.muli %parallel_loop3A_98, %parallel_loop3A_147 : i32
        %parallel_loop3A_149 = arith.constant 7 : i32
        %parallel_loop3A_150 = arith.index_cast %parallel_loop3A_149 : i32 to index
        %parallel_loop3A_151 = arith.index_cast %parallel_loop3A_148 : i32 to index
        %parallel_loop3A_152 = tpu.vector_load %arg5[%parallel_loop3A_150, %parallel_loop3A_151] {strides = array<i32>} : memref<16x2049xi32, #tpu.memory_space<vmem>>, vector<16xi32>,
        %parallel_loop3A_153 = arith.addi %parallel_loop3A_146, %parallel_loop3A_152 : vector<16xi32>
        %parallel_loop3A_154 = arith.constant 16 : i32
        %parallel_loop3A_155 = arith.muli %parallel_loop3A_98, %parallel_loop3A_154 : i32
        %parallel_loop3A_156 = arith.constant 8 : i32
        %parallel_loop3A_157 = arith.index_cast %parallel_loop3A_156 : i32 to index
        %parallel_loop3A_158 = arith.index_cast %parallel_loop3A_155 : i32 to index
        %parallel_loop3A_159 = tpu.vector_load %arg5[%parallel_loop3A_157, %parallel_loop3A_158] {strides = array<i32>} : memref<16x2049xi32, #tpu.memory_space<vmem>>, vector<16xi32>,
        %parallel_loop3A_160 = arith.addi %parallel_loop3A_153, %parallel_loop3A_159 : vector<16xi32>
        %parallel_loop3A_161 = arith.constant 16 : i32
        %parallel_loop3A_162 = arith.muli %parallel_loop3A_98, %parallel_loop3A_161 : i32
        %parallel_loop3A_163 = arith.constant 9 : i32
        %parallel_loop3A_164 = arith.index_cast %parallel_loop3A_163 : i32 to index
        %parallel_loop3A_165 = arith.index_cast %parallel_loop3A_162 : i32 to index
        %parallel_loop3A_166 = tpu.vector_load %arg5[%parallel_loop3A_164, %parallel_loop3A_165] {strides = array<i32>} : memref<16x2049xi32, #tpu.memory_space<vmem>>, vector<16xi32>,
        %parallel_loop3A_167 = arith.addi %parallel_loop3A_160, %parallel_loop3A_166 : vector<16xi32>
        %parallel_loop3A_168 = arith.constant 16 : i32
        %parallel_loop3A_169 = arith.muli %parallel_loop3A_98, %parallel_loop3A_168 : i32
        %parallel_loop3A_170 = arith.constant 10 : i32
        %parallel_loop3A_171 = arith.index_cast %parallel_loop3A_170 : i32 to index
        %parallel_loop3A_172 = arith.index_cast %parallel_loop3A_169 : i32 to index
        %parallel_loop3A_173 = tpu.vector_load %arg5[%parallel_loop3A_171, %parallel_loop3A_172] {strides = array<i32>} : memref<16x2049xi32, #tpu.memory_space<vmem>>, vector<16xi32>,
        %parallel_loop3A_174 = arith.addi %parallel_loop3A_167, %parallel_loop3A_173 : vector<16xi32>
        %parallel_loop3A_175 = arith.constant 16 : i32
        %parallel_loop3A_176 = arith.muli %parallel_loop3A_98, %parallel_loop3A_175 : i32
        %parallel_loop3A_177 = arith.constant 11 : i32
        %parallel_loop3A_178 = arith.index_cast %parallel_loop3A_177 : i32 to index
        %parallel_loop3A_179 = arith.index_cast %parallel_loop3A_176 : i32 to index
        %parallel_loop3A_180 = tpu.vector_load %arg5[%parallel_loop3A_178, %parallel_loop3A_179] {strides = array<i32>} : memref<16x2049xi32, #tpu.memory_space<vmem>>, vector<16xi32>,
        %parallel_loop3A_181 = arith.addi %parallel_loop3A_174, %parallel_loop3A_180 : vector<16xi32>
        %parallel_loop3A_182 = arith.constant 16 : i32
        %parallel_loop3A_183 = arith.muli %parallel_loop3A_98, %parallel_loop3A_182 : i32
        %parallel_loop3A_184 = arith.constant 12 : i32
        %parallel_loop3A_185 = arith.index_cast %parallel_loop3A_184 : i32 to index
        %parallel_loop3A_186 = arith.index_cast %parallel_loop3A_183 : i32 to index
        %parallel_loop3A_187 = tpu.vector_load %arg5[%parallel_loop3A_185, %parallel_loop3A_186] {strides = array<i32>} : memref<16x2049xi32, #tpu.memory_space<vmem>>, vector<16xi32>,
        %parallel_loop3A_188 = arith.addi %parallel_loop3A_181, %parallel_loop3A_187 : vector<16xi32>
        %parallel_loop3A_189 = arith.constant 16 : i32
        %parallel_loop3A_190 = arith.muli %parallel_loop3A_98, %parallel_loop3A_189 : i32
        %parallel_loop3A_191 = arith.constant 13 : i32
        %parallel_loop3A_192 = arith.index_cast %parallel_loop3A_191 : i32 to index
        %parallel_loop3A_193 = arith.index_cast %parallel_loop3A_190 : i32 to index
        %parallel_loop3A_194 = tpu.vector_load %arg5[%parallel_loop3A_192, %parallel_loop3A_193] {strides = array<i32>} : memref<16x2049xi32, #tpu.memory_space<vmem>>, vector<16xi32>,
        %parallel_loop3A_195 = arith.addi %parallel_loop3A_188, %parallel_loop3A_194 : vector<16xi32>
        %parallel_loop3A_196 = arith.constant 16 : i32
        %parallel_loop3A_197 = arith.muli %parallel_loop3A_98, %parallel_loop3A_196 : i32
        %parallel_loop3A_198 = arith.constant 14 : i32
        %parallel_loop3A_199 = arith.index_cast %parallel_loop3A_198 : i32 to index
        %parallel_loop3A_200 = arith.index_cast %parallel_loop3A_197 : i32 to index
        %parallel_loop3A_201 = tpu.vector_load %arg5[%parallel_loop3A_199, %parallel_loop3A_200] {strides = array<i32>} : memref<16x2049xi32, #tpu.memory_space<vmem>>, vector<16xi32>,
        %parallel_loop3A_202 = arith.addi %parallel_loop3A_195, %parallel_loop3A_201 : vector<16xi32>
        %parallel_loop3A_203 = arith.constant 16 : i32
        %parallel_loop3A_204 = arith.muli %parallel_loop3A_98, %parallel_loop3A_203 : i32
        %parallel_loop3A_205 = arith.constant 15 : i32
        %parallel_loop3A_206 = arith.index_cast %parallel_loop3A_205 : i32 to index
        %parallel_loop3A_207 = arith.index_cast %parallel_loop3A_204 : i32 to index
        %parallel_loop3A_208 = tpu.vector_load %arg5[%parallel_loop3A_206, %parallel_loop3A_207] {strides = array<i32>} : memref<16x2049xi32, #tpu.memory_space<vmem>>, vector<16xi32>,
        %parallel_loop3A_209 = arith.addi %parallel_loop3A_202, %parallel_loop3A_208 : vector<16xi32>
        %parallel_loop3A_210 = arith.constant 16 : i32
        %parallel_loop3A_211 = arith.muli %parallel_loop3A_98, %parallel_loop3A_210 : i32
        %parallel_loop3A_212 = arith.index_cast %parallel_loop3A_211 : i32 to index
        %parallel_loop3A_213 = tpu.vector_load %arg7[%parallel_loop3A_212] {strides = array<i32>} : memref<2048xi32, #tpu.memory_space<vmem>>, vector<16xi32>,
        tpu.vector_store %arg7[%parallel_loop3A_212], %parallel_loop3A_209 {strides = array<i32>} : memref<2048xi32, #tpu.memory_space<vmem>>, vector<16xi32>,
      } {sc.loop_unroll_factor = 2 : i64, sc.parallel_access}
      "tpu.region"() ({
        %run_scoped3A = tpu.sem_alloc : memref<!tpu.dma_semaphore, #tpu.memory_space<semaphore_mem>>
        %dma_start3A = arith.constant 0 : i32
        %dma_start3A_98 = tpu.memref_slice %arg9[%arg1, %dma_start3A] : memref<16x2048xi32, #tpu.memory_space<vmem_shared>> -> memref<1x2048xi32, #tpu.memory_space<vmem_shared>>
        %dma_start3A_99 = tpu.memref_squeeze %dma_start3A_98 : memref<1x2048xi32, #tpu.memory_space<vmem_shared>> -> memref<2048xi32, #tpu.memory_space<vmem_shared>>
        %dma_start3A_100 = arith.constant 0 : i32
        %dma_start3A_101 = tpu.memref_slice %arg9[%arg1, %dma_start3A_100] : memref<16x2048xi32, #tpu.memory_space<vmem_shared>> -> memref<1x2048xi32, #tpu.memory_space<vmem_shared>>
        %dma_start3A_102 = tpu.memref_squeeze %dma_start3A_101 : memref<1x2048xi32, #tpu.memory_space<vmem_shared>> -> memref<2048xi32, #tpu.memory_space<vmem_shared>>
        tpu.enqueue_dma source(%arg7 : memref<2048xi32, #tpu.memory_space<vmem>>) target(%dma_start3A_102 : memref<2048xi32, #tpu.memory_space<vmem_shared>>) target_semaphore(%run_scoped3A : memref<!tpu.dma_semaphore, #tpu.memory_space<semaphore_mem>>)
        %dma_wait3A = arith.constant 0 : i32
        %dma_wait3A_103 = tpu.memref_slice %arg9[%arg1, %dma_wait3A] : memref<16x2048xi32, #tpu.memory_space<vmem_shared>> -> memref<1x2048xi32, #tpu.memory_space<vmem_shared>>
        %dma_wait3A_104 = tpu.memref_squeeze %dma_wait3A_103 : memref<1x2048xi32, #tpu.memory_space<vmem_shared>> -> memref<2048xi32, #tpu.memory_space<vmem_shared>>
        %dma_wait3A_105 = arith.constant 0 : i32
        %dma_wait3A_106 = tpu.memref_slice %arg9[%arg1, %dma_wait3A_105] : memref<16x2048xi32, #tpu.memory_space<vmem_shared>> -> memref<1x2048xi32, #tpu.memory_space<vmem_shared>>
        %dma_wait3A_107 = tpu.memref_squeeze %dma_wait3A_106 : memref<1x2048xi32, #tpu.memory_space<vmem_shared>> -> memref<2048xi32, #tpu.memory_space<vmem_shared>>
        tpu.wait_dma2 semaphore(%run_scoped3A : memref<!tpu.dma_semaphore, #tpu.memory_space<semaphore_mem>>) src(%arg7 : memref<2048xi32, #tpu.memory_space<vmem>>) dst(%dma_wait3A_107 : memref<2048xi32, #tpu.memory_space<vmem_shared>>)
        tpu.yield
      }) : () -> ()
      %barrier3A = arith.constant 0 : index
      tpu.barrier barrier_id(%barrier3A)
      "tpu.region"() ({
        %run_scoped3A = tpu.sem_alloc : memref<!tpu.dma_semaphore, #tpu.memory_space<semaphore_mem>>
        tpu.enqueue_dma source(%arg9 : memref<16x2048xi32, #tpu.memory_space<vmem_shared>>) target(%arg6 : memref<16x2048xi32, #tpu.memory_space<vmem>>) target_semaphore(%run_scoped3A : memref<!tpu.dma_semaphore, #tpu.memory_space<semaphore_mem>>)
        tpu.wait_dma2 semaphore(%run_scoped3A : memref<!tpu.dma_semaphore, #tpu.memory_space<semaphore_mem>>) src(%arg9 : memref<16x2048xi32, #tpu.memory_space<vmem_shared>>) dst(%arg6 : memref<16x2048xi32, #tpu.memory_space<vmem>>)
        tpu.yield
      }) : () -> ()
      %barrier3A_18 = arith.constant 0 : index
      tpu.barrier barrier_id(%barrier3A_18)
      %scan3A_19 = arith.constant 131072 : i32
      %scan3A_20 = arith.constant 0 : i32
      %scan3A_21 = arith.constant 0 : i32
      %scan3A_22 = arith.constant 0 : i32
      %scan3A_23 = arith.constant 0 : i32
      %scan3A_24 = arith.constant 128 : i32
      %scan3A_25 = arith.addi %scan3A_23, %scan3A_24 : i32
      %scan3A_26 = arith.constant 1 : i32
      %scan3A_27:3 = scf.for %scan3A_98 = %scan3A_23 to %scan3A_25 step %scan3A_26 iter_args(%scan3A_99 = %scan3A_20, %scan3A_100 = %scan3A_21, %scan3A_101 = %scan3A_22) -> (i32, i32, i32)  : i32 {
        %mul3A_102 = arith.constant 16 : i32
        %mul3A_103 = arith.muli %scan3A_98, %mul3A_102 : i32
        %get3A = arith.constant 0 : i32
        %get3A_104 = arith.index_cast %get3A : i32 to index
        %get3A_105 = arith.index_cast %mul3A_103 : i32 to index
        %get3A_106 = tpu.vector_load %arg6[%get3A_104, %get3A_105] {strides = array<i32>} : memref<16x2048xi32, #tpu.memory_space<vmem>>, vector<16xi32>,
        %mul3A_107 = arith.constant 16 : i32
        %mul3A_108 = arith.muli %scan3A_98, %mul3A_107 : i32
        %get3A_109 = arith.constant 1 : i32
        %get3A_110 = arith.index_cast %get3A_109 : i32 to index
        %get3A_111 = arith.index_cast %mul3A_108 : i32 to index
        %get3A_112 = tpu.vector_load %arg6[%get3A_110, %get3A_111] {strides = array<i32>} : memref<16x2048xi32, #tpu.memory_space<vmem>>, vector<16xi32>,
        %add3A_113 = arith.addi %get3A_106, %get3A_112 : vector<16xi32>
        %mul3A_114 = arith.constant 16 : i32
        %mul3A_115 = arith.muli %scan3A_98, %mul3A_114 : i32
        %get3A_116 = arith.constant 2 : i32
        %get3A_117 = arith.index_cast %get3A_116 : i32 to index
        %get3A_118 = arith.index_cast %mul3A_115 : i32 to index
        %get3A_119 = tpu.vector_load %arg6[%get3A_117, %get3A_118] {strides = array<i32>} : memref<16x2048xi32, #tpu.memory_space<vmem>>, vector<16xi32>,
        %add3A_120 = arith.addi %add3A_113, %get3A_119 : vector<16xi32>
        %mul3A_121 = arith.constant 16 : i32
        %mul3A_122 = arith.muli %scan3A_98, %mul3A_121 : i32
        %get3A_123 = arith.constant 3 : i32
        %get3A_124 = arith.index_cast %get3A_123 : i32 to index
        %get3A_125 = arith.index_cast %mul3A_122 : i32 to index
        %get3A_126 = tpu.vector_load %arg6[%get3A_124, %get3A_125] {strides = array<i32>} : memref<16x2048xi32, #tpu.memory_space<vmem>>, vector<16xi32>,
        %add3A_127 = arith.addi %add3A_120, %get3A_126 : vector<16xi32>
        %mul3A_128 = arith.constant 16 : i32
        %mul3A_129 = arith.muli %scan3A_98, %mul3A_128 : i32
        %get3A_130 = arith.constant 4 : i32
        %get3A_131 = arith.index_cast %get3A_130 : i32 to index
        %get3A_132 = arith.index_cast %mul3A_129 : i32 to index
        %get3A_133 = tpu.vector_load %arg6[%get3A_131, %get3A_132] {strides = array<i32>} : memref<16x2048xi32, #tpu.memory_space<vmem>>, vector<16xi32>,
        %add3A_134 = arith.addi %add3A_127, %get3A_133 : vector<16xi32>
        %mul3A_135 = arith.constant 16 : i32
        %mul3A_136 = arith.muli %scan3A_98, %mul3A_135 : i32
        %get3A_137 = arith.constant 5 : i32
        %get3A_138 = arith.index_cast %get3A_137 : i32 to index
        %get3A_139 = arith.index_cast %mul3A_136 : i32 to index
        %get3A_140 = tpu.vector_load %arg6[%get3A_138, %get3A_139] {strides = array<i32>} : memref<16x2048xi32, #tpu.memory_space<vmem>>, vector<16xi32>,
        %add3A_141 = arith.addi %add3A_134, %get3A_140 : vector<16xi32>
        %mul3A_142 = arith.constant 16 : i32
        %mul3A_143 = arith.muli %scan3A_98, %mul3A_142 : i32
        %get3A_144 = arith.constant 6 : i32
        %get3A_145 = arith.index_cast %get3A_144 : i32 to index
        %get3A_146 = arith.index_cast %mul3A_143 : i32 to index
        %get3A_147 = tpu.vector_load %arg6[%get3A_145, %get3A_146] {strides = array<i32>} : memref<16x2048xi32, #tpu.memory_space<vmem>>, vector<16xi32>,
        %add3A_148 = arith.addi %add3A_141, %get3A_147 : vector<16xi32>
        %mul3A_149 = arith.constant 16 : i32
        %mul3A_150 = arith.muli %scan3A_98, %mul3A_149 : i32
        %get3A_151 = arith.constant 7 : i32
        %get3A_152 = arith.index_cast %get3A_151 : i32 to index
        %get3A_153 = arith.index_cast %mul3A_150 : i32 to index
        %get3A_154 = tpu.vector_load %arg6[%get3A_152, %get3A_153] {strides = array<i32>} : memref<16x2048xi32, #tpu.memory_space<vmem>>, vector<16xi32>,
        %add3A_155 = arith.addi %add3A_148, %get3A_154 : vector<16xi32>
        %mul3A_156 = arith.constant 16 : i32
        %mul3A_157 = arith.muli %scan3A_98, %mul3A_156 : i32
        %get3A_158 = arith.constant 8 : i32
        %get3A_159 = arith.index_cast %get3A_158 : i32 to index
        %get3A_160 = arith.index_cast %mul3A_157 : i32 to index
        %get3A_161 = tpu.vector_load %arg6[%get3A_159, %get3A_160] {strides = array<i32>} : memref<16x2048xi32, #tpu.memory_space<vmem>>, vector<16xi32>,
        %add3A_162 = arith.addi %add3A_155, %get3A_161 : vector<16xi32>
        %mul3A_163 = arith.constant 16 : i32
        %mul3A_164 = arith.muli %scan3A_98, %mul3A_163 : i32
        %get3A_165 = arith.constant 9 : i32
        %get3A_166 = arith.index_cast %get3A_165 : i32 to index
        %get3A_167 = arith.index_cast %mul3A_164 : i32 to index
        %get3A_168 = tpu.vector_load %arg6[%get3A_166, %get3A_167] {strides = array<i32>} : memref<16x2048xi32, #tpu.memory_space<vmem>>, vector<16xi32>,
        %add3A_169 = arith.addi %add3A_162, %get3A_168 : vector<16xi32>
        %mul3A_170 = arith.constant 16 : i32
        %mul3A_171 = arith.muli %scan3A_98, %mul3A_170 : i32
        %get3A_172 = arith.constant 10 : i32
        %get3A_173 = arith.index_cast %get3A_172 : i32 to index
        %get3A_174 = arith.index_cast %mul3A_171 : i32 to index
        %get3A_175 = tpu.vector_load %arg6[%get3A_173, %get3A_174] {strides = array<i32>} : memref<16x2048xi32, #tpu.memory_space<vmem>>, vector<16xi32>,
        %add3A_176 = arith.addi %add3A_169, %get3A_175 : vector<16xi32>
        %mul3A_177 = arith.constant 16 : i32
        %mul3A_178 = arith.muli %scan3A_98, %mul3A_177 : i32
        %get3A_179 = arith.constant 11 : i32
        %get3A_180 = arith.index_cast %get3A_179 : i32 to index
        %get3A_181 = arith.index_cast %mul3A_178 : i32 to index
        %get3A_182 = tpu.vector_load %arg6[%get3A_180, %get3A_181] {strides = array<i32>} : memref<16x2048xi32, #tpu.memory_space<vmem>>, vector<16xi32>,
        %add3A_183 = arith.addi %add3A_176, %get3A_182 : vector<16xi32>
        %mul3A_184 = arith.constant 16 : i32
        %mul3A_185 = arith.muli %scan3A_98, %mul3A_184 : i32
        %get3A_186 = arith.constant 12 : i32
        %get3A_187 = arith.index_cast %get3A_186 : i32 to index
        %get3A_188 = arith.index_cast %mul3A_185 : i32 to index
        %get3A_189 = tpu.vector_load %arg6[%get3A_187, %get3A_188] {strides = array<i32>} : memref<16x2048xi32, #tpu.memory_space<vmem>>, vector<16xi32>,
        %add3A_190 = arith.addi %add3A_183, %get3A_189 : vector<16xi32>
        %mul3A_191 = arith.constant 16 : i32
        %mul3A_192 = arith.muli %scan3A_98, %mul3A_191 : i32
        %get3A_193 = arith.constant 13 : i32
        %get3A_194 = arith.index_cast %get3A_193 : i32 to index
        %get3A_195 = arith.index_cast %mul3A_192 : i32 to index
        %get3A_196 = tpu.vector_load %arg6[%get3A_194, %get3A_195] {strides = array<i32>} : memref<16x2048xi32, #tpu.memory_space<vmem>>, vector<16xi32>,
        %add3A_197 = arith.addi %add3A_190, %get3A_196 : vector<16xi32>
        %mul3A_198 = arith.constant 16 : i32
        %mul3A_199 = arith.muli %scan3A_98, %mul3A_198 : i32
        %get3A_200 = arith.constant 14 : i32
        %get3A_201 = arith.index_cast %get3A_200 : i32 to index
        %get3A_202 = arith.index_cast %mul3A_199 : i32 to index
        %get3A_203 = tpu.vector_load %arg6[%get3A_201, %get3A_202] {strides = array<i32>} : memref<16x2048xi32, #tpu.memory_space<vmem>>, vector<16xi32>,
        %add3A_204 = arith.addi %add3A_197, %get3A_203 : vector<16xi32>
        %mul3A_205 = arith.constant 16 : i32
        %mul3A_206 = arith.muli %scan3A_98, %mul3A_205 : i32
        %get3A_207 = arith.constant 15 : i32
        %get3A_208 = arith.index_cast %get3A_207 : i32 to index
        %get3A_209 = arith.index_cast %mul3A_206 : i32 to index
        %get3A_210 = tpu.vector_load %arg6[%get3A_208, %get3A_209] {strides = array<i32>} : memref<16x2048xi32, #tpu.memory_space<vmem>>, vector<16xi32>,
        %add3A_211 = arith.addi %add3A_204, %get3A_210 : vector<16xi32>
        %broadcast_in_dim3A_212 = arith.constant true
        %broadcast_in_dim3A_213 = vector.broadcast %broadcast_in_dim3A_212 : i1 to vector<16xi1>
        %masked_cumsum3A = tpu.scan <sum>, %add3A_211 masked %broadcast_in_dim3A_213 : vector<16xi32>, vector<16xi1> -> vector<16xi32>
        %add3A_214 = vector.broadcast %scan3A_99 : i32 to vector<16xi32>
        %add3A_215 = arith.addi %masked_cumsum3A, %add3A_214 : vector<16xi32>
        %le3A = vector.broadcast %scan3A_19 : i32 to vector<16xi32>
        %le3A_216 = arith.cmpi sle, %add3A_215, %le3A : vector<16xi32>
        %jit3A = arith.constant 1 : i32
        %jit3A_217 = arith.constant 0 : i32
        %broadcast_in_dim3A_218 = vector.broadcast %jit3A : i32 to vector<16xi32>
        %broadcast_in_dim3A_219 = vector.broadcast %jit3A_217 : i32 to vector<16xi32>
        %select_n3A = arith.select %le3A_216, %broadcast_in_dim3A_218, %broadcast_in_dim3A_219 : vector<16xi1>, vector<16xi32>
        %reduce_sum3A = arith.constant true
        %reduce_sum3A_220 = vector.broadcast %reduce_sum3A : i1 to vector<16xi1>
        %reduce_sum3A_221 = tpu.scan <sum>, %select_n3A masked %reduce_sum3A_220 : vector<16xi32>, vector<16xi1> -> vector<16xi32>
        %reduce_sum3A_222 = vector.extract %reduce_sum3A_221[15] : i32 from vector<16xi32>
        %add3A_223 = arith.addi %scan3A_100, %reduce_sum3A_222 : i32
        %jit3A_224 = arith.constant 0 : i32
        %broadcast_in_dim3A_225 = vector.broadcast %jit3A_224 : i32 to vector<16xi32>
        %select_n3A_226 = arith.select %le3A_216, %add3A_211, %broadcast_in_dim3A_225 : vector<16xi1>, vector<16xi32>
        %reduce_sum3A_227 = arith.constant true
        %reduce_sum3A_228 = vector.broadcast %reduce_sum3A_227 : i1 to vector<16xi1>
        %reduce_sum3A_229 = tpu.scan <sum>, %select_n3A_226 masked %reduce_sum3A_228 : vector<16xi32>, vector<16xi1> -> vector<16xi32>
        %reduce_sum3A_230 = vector.extract %reduce_sum3A_229[15] : i32 from vector<16xi32>
        %add3A_231 = arith.addi %scan3A_101, %reduce_sum3A_230 : i32
        %reduce_max3A = arith.constant true
        %reduce_max3A_232 = vector.broadcast %reduce_max3A : i1 to vector<16xi1>
        %reduce_max3A_233 = arith.constant -2147483648 : i32
        %reduce_max3A_234 = vector.broadcast %reduce_max3A_233 : i32 to vector<16xi32>
        %reduce_max3A_235 = arith.xori %add3A_215, %reduce_max3A_234 : vector<16xi32>
        %reduce_max3A_236 = tpu.scan <max>, %reduce_max3A_235 masked %reduce_max3A_232 : vector<16xi32>, vector<16xi1> -> vector<16xi32>
        %reduce_max3A_237 = arith.xori %reduce_max3A_236, %reduce_max3A_234 : vector<16xi32>
        %reduce_max3A_238 = vector.extract %reduce_max3A_237[15] : i32 from vector<16xi32>
        scf.yield %reduce_max3A_238, %add3A_223, %add3A_231 : i32, i32, i32
      }
      %scan3A_28 = arith.constant 128 : i32
      %sub3A = arith.constant 131072 : i32
      %sub3A_29 = arith.subi %sub3A, %scan3A_27#2 : i32
      %broadcast_in_dim3A_30 = vector.broadcast %scan3A_27#1 : i32 to vector<16xi32>
      %iota3A_31 = tpu.iota {dimensions = array<i32: 0>} : vector<16xi32>
      %broadcast_in_dim3A_32 = arith.constant 1 : i32
      %broadcast_in_dim3A_33 = vector.broadcast %broadcast_in_dim3A_32 : i32 to vector<16xi32>
      %broadcast_in_dim3A_34 = arith.constant 0 : i32
      %broadcast_in_dim3A_35 = vector.broadcast %broadcast_in_dim3A_34 : i32 to vector<16xi32>
      %parallel_loop3A_36 = arith.constant 0 : i32
      %parallel_loop3A_37 = arith.constant 2048 : i32
      %parallel_loop3A_38 = arith.constant 1 : i32
      scf.for %parallel_loop3A_98 = %parallel_loop3A_36 to %parallel_loop3A_37 step %parallel_loop3A_38  : i32 {
        %parallel_loop3A_99 = arith.constant 7 : i32
        %parallel_loop3A_100 = arith.shrsi %parallel_loop3A_98, %parallel_loop3A_99 : i32
        %parallel_loop3A_101 = arith.constant 127 : i32
        %parallel_loop3A_102 = arith.andi %parallel_loop3A_98, %parallel_loop3A_101 : i32
        %parallel_loop3A_103 = arith.constant 16 : i32
        %parallel_loop3A_104 = arith.muli %parallel_loop3A_102, %parallel_loop3A_103 : i32
        %parallel_loop3A_105 = arith.index_cast %parallel_loop3A_100 : i32 to index
        %parallel_loop3A_106 = arith.index_cast %parallel_loop3A_104 : i32 to index
        %parallel_loop3A_107 = tpu.vector_load %arg5[%parallel_loop3A_105, %parallel_loop3A_106] {strides = array<i32>} : memref<16x2049xi32, #tpu.memory_space<vmem>>, vector<16xi32>,
        tpu.vector_store %arg5[%parallel_loop3A_105, %parallel_loop3A_106], %broadcast_in_dim3A_35 {strides = array<i32>} : memref<16x2049xi32, #tpu.memory_space<vmem>>, vector<16xi32>,
      } {sc.loop_unroll_factor = 8 : i64, sc.parallel_access}
      %scan3A_39 = arith.constant 0 : i32
      %scan3A_40 = arith.constant 0 : i32
      %scan3A_41 = arith.constant 4 : i32
      %scan3A_42 = arith.addi %scan3A_40, %scan3A_41 : i32
      %scan3A_43 = arith.constant 1 : i32
      %scan3A_44 = scf.for %scan3A_98 = %scan3A_40 to %scan3A_42 step %scan3A_43 iter_args(%scan3A_99 = %scan3A_39) -> (i32)  : i32 {
        %mul3A_100 = arith.constant 256 : i32
        %mul3A_101 = arith.muli %and3A_1, %mul3A_100 : i32
        %mul3A_102 = arith.constant 64 : i32
        %mul3A_103 = arith.muli %scan3A_98, %mul3A_102 : i32
        %add3A_104 = arith.addi %mul3A_101, %mul3A_103 : i32
        "tpu.region"() ({
          %run_scoped3A = tpu.sem_alloc : memref<!tpu.dma_semaphore, #tpu.memory_space<semaphore_mem>>
          %dma_start3A = arith.constant 0 : i32
          %dma_start3A_109 = tpu.memref_slice %arg2[%shift_right_arithmetic3A_0, %add3A_104, %dma_start3A] : memref<8x512x512xi32, #tpu.memory_space<hbm>> -> memref<1x64x512xi32, #tpu.memory_space<hbm>>
          %dma_start3A_110 = tpu.memref_squeeze %dma_start3A_109 : memref<1x64x512xi32, #tpu.memory_space<hbm>> -> memref<64x512xi32, #tpu.memory_space<hbm>>
          %dma_start3A_111 = arith.constant 0 : i32
          %dma_start3A_112 = tpu.memref_slice %arg2[%shift_right_arithmetic3A_0, %add3A_104, %dma_start3A_111] : memref<8x512x512xi32, #tpu.memory_space<hbm>> -> memref<1x64x512xi32, #tpu.memory_space<hbm>>
          %dma_start3A_113 = tpu.memref_squeeze %dma_start3A_112 : memref<1x64x512xi32, #tpu.memory_space<hbm>> -> memref<64x512xi32, #tpu.memory_space<hbm>>
          tpu.enqueue_dma source(%dma_start3A_113 : memref<64x512xi32, #tpu.memory_space<hbm>>) target(%arg4 : memref<64x512xi32, #tpu.memory_space<vmem>>) target_semaphore(%run_scoped3A : memref<!tpu.dma_semaphore, #tpu.memory_space<semaphore_mem>>)
          %dma_wait3A = arith.constant 0 : i32
          %dma_wait3A_114 = tpu.memref_slice %arg2[%shift_right_arithmetic3A_0, %add3A_104, %dma_wait3A] : memref<8x512x512xi32, #tpu.memory_space<hbm>> -> memref<1x64x512xi32, #tpu.memory_space<hbm>>
          %dma_wait3A_115 = tpu.memref_squeeze %dma_wait3A_114 : memref<1x64x512xi32, #tpu.memory_space<hbm>> -> memref<64x512xi32, #tpu.memory_space<hbm>>
          %dma_wait3A_116 = arith.constant 0 : i32
          %dma_wait3A_117 = tpu.memref_slice %arg2[%shift_right_arithmetic3A_0, %add3A_104, %dma_wait3A_116] : memref<8x512x512xi32, #tpu.memory_space<hbm>> -> memref<1x64x512xi32, #tpu.memory_space<hbm>>
          %dma_wait3A_118 = tpu.memref_squeeze %dma_wait3A_117 : memref<1x64x512xi32, #tpu.memory_space<hbm>> -> memref<64x512xi32, #tpu.memory_space<hbm>>
          tpu.wait_dma2 semaphore(%run_scoped3A : memref<!tpu.dma_semaphore, #tpu.memory_space<semaphore_mem>>) src(%dma_wait3A_118 : memref<64x512xi32, #tpu.memory_space<hbm>>) dst(%arg4 : memref<64x512xi32, #tpu.memory_space<vmem>>)
          tpu.yield
        }) : () -> ()
        %parallel_loop3A_105 = arith.constant 0 : i32
        %parallel_loop3A_106 = arith.constant 2048 : i32
        %parallel_loop3A_107 = arith.constant 1 : i32
        scf.for %parallel_loop3A_109 = %parallel_loop3A_105 to %parallel_loop3A_106 step %parallel_loop3A_107  : i32 {
          %parallel_loop3A_110 = arith.constant 5 : i32
          %parallel_loop3A_111 = arith.shrsi %parallel_loop3A_109, %parallel_loop3A_110 : i32
          %parallel_loop3A_112 = arith.constant 31 : i32
          %parallel_loop3A_113 = arith.andi %parallel_loop3A_109, %parallel_loop3A_112 : i32
          %parallel_loop3A_114 = arith.constant 16 : i32
          %parallel_loop3A_115 = arith.muli %parallel_loop3A_113, %parallel_loop3A_114 : i32
          %parallel_loop3A_116 = arith.index_cast %parallel_loop3A_111 : i32 to index
          %parallel_loop3A_117 = arith.index_cast %parallel_loop3A_115 : i32 to index
          %parallel_loop3A_118 = tpu.vector_load %arg4[%parallel_loop3A_116, %parallel_loop3A_117] {strides = array<i32>} : memref<64x512xi32, #tpu.memory_space<vmem>>, vector<16xi32>,
          %parallel_loop3A_119 = arith.constant 10 : i32
          %parallel_loop3A_120 = vector.broadcast %parallel_loop3A_119 : i32 to vector<16xi32>
          %parallel_loop3A_121 = arith.shrui %parallel_loop3A_118, %parallel_loop3A_120 : vector<16xi32>
          %parallel_loop3A_122 = arith.constant 2047 : i32
          %parallel_loop3A_123 = vector.broadcast %parallel_loop3A_122 : i32 to vector<16xi32>
          %parallel_loop3A_124 = arith.andi %parallel_loop3A_121, %parallel_loop3A_123 : vector<16xi32>
          %parallel_loop3A_125 = arith.constant 21 : i32
          %parallel_loop3A_126 = vector.broadcast %parallel_loop3A_125 : i32 to vector<16xi32>
          %parallel_loop3A_127 = arith.shrui %parallel_loop3A_118, %parallel_loop3A_126 : vector<16xi32>
          %parallel_loop3A_128 = arith.cmpi eq, %parallel_loop3A_127, %broadcast_in_dim3A_30 : vector<16xi32>
          tpu.vector_store_idx %arg5[%iota3A_31, %parallel_loop3A_124], %broadcast_in_dim3A_33 masked %parallel_loop3A_128 {add = true} : memref<16x2049xi32, #tpu.memory_space<vmem>>[vector<16xi32>, vector<16xi32>], vector<16xi32>, vector<16xi1>
        } {sc.loop_unroll_factor = 8 : i64, sc.parallel_access}
        %scan3A_108 = arith.constant 0 : i32
        scf.yield %scan3A_108 : i32
      }
      %scan3A_45 = arith.constant 4 : i32
      %parallel_loop3A_46 = arith.constant 0 : i32
      %parallel_loop3A_47 = arith.constant 128 : i32
      %parallel_loop3A_48 = arith.constant 1 : i32
      scf.for %parallel_loop3A_98 = %parallel_loop3A_46 to %parallel_loop3A_47 step %parallel_loop3A_48  : i32 {
        %parallel_loop3A_99 = arith.constant 16 : i32
        %parallel_loop3A_100 = arith.muli %parallel_loop3A_98, %parallel_loop3A_99 : i32
        %parallel_loop3A_101 = arith.constant 0 : i32
        %parallel_loop3A_102 = arith.index_cast %parallel_loop3A_101 : i32 to index
        %parallel_loop3A_103 = arith.index_cast %parallel_loop3A_100 : i32 to index
        %parallel_loop3A_104 = tpu.vector_load %arg5[%parallel_loop3A_102, %parallel_loop3A_103] {strides = array<i32>} : memref<16x2049xi32, #tpu.memory_space<vmem>>, vector<16xi32>,
        %parallel_loop3A_105 = arith.constant 16 : i32
        %parallel_loop3A_106 = arith.muli %parallel_loop3A_98, %parallel_loop3A_105 : i32
        %parallel_loop3A_107 = arith.constant 1 : i32
        %parallel_loop3A_108 = arith.index_cast %parallel_loop3A_107 : i32 to index
        %parallel_loop3A_109 = arith.index_cast %parallel_loop3A_106 : i32 to index
        %parallel_loop3A_110 = tpu.vector_load %arg5[%parallel_loop3A_108, %parallel_loop3A_109] {strides = array<i32>} : memref<16x2049xi32, #tpu.memory_space<vmem>>, vector<16xi32>,
        %parallel_loop3A_111 = arith.addi %parallel_loop3A_104, %parallel_loop3A_110 : vector<16xi32>
        %parallel_loop3A_112 = arith.constant 16 : i32
        %parallel_loop3A_113 = arith.muli %parallel_loop3A_98, %parallel_loop3A_112 : i32
        %parallel_loop3A_114 = arith.constant 2 : i32
        %parallel_loop3A_115 = arith.index_cast %parallel_loop3A_114 : i32 to index
        %parallel_loop3A_116 = arith.index_cast %parallel_loop3A_113 : i32 to index
        %parallel_loop3A_117 = tpu.vector_load %arg5[%parallel_loop3A_115, %parallel_loop3A_116] {strides = array<i32>} : memref<16x2049xi32, #tpu.memory_space<vmem>>, vector<16xi32>,
        %parallel_loop3A_118 = arith.addi %parallel_loop3A_111, %parallel_loop3A_117 : vector<16xi32>
        %parallel_loop3A_119 = arith.constant 16 : i32
        %parallel_loop3A_120 = arith.muli %parallel_loop3A_98, %parallel_loop3A_119 : i32
        %parallel_loop3A_121 = arith.constant 3 : i32
        %parallel_loop3A_122 = arith.index_cast %parallel_loop3A_121 : i32 to index
        %parallel_loop3A_123 = arith.index_cast %parallel_loop3A_120 : i32 to index
        %parallel_loop3A_124 = tpu.vector_load %arg5[%parallel_loop3A_122, %parallel_loop3A_123] {strides = array<i32>} : memref<16x2049xi32, #tpu.memory_space<vmem>>, vector<16xi32>,
        %parallel_loop3A_125 = arith.addi %parallel_loop3A_118, %parallel_loop3A_124 : vector<16xi32>
        %parallel_loop3A_126 = arith.constant 16 : i32
        %parallel_loop3A_127 = arith.muli %parallel_loop3A_98, %parallel_loop3A_126 : i32
        %parallel_loop3A_128 = arith.constant 4 : i32
        %parallel_loop3A_129 = arith.index_cast %parallel_loop3A_128 : i32 to index
        %parallel_loop3A_130 = arith.index_cast %parallel_loop3A_127 : i32 to index
        %parallel_loop3A_131 = tpu.vector_load %arg5[%parallel_loop3A_129, %parallel_loop3A_130] {strides = array<i32>} : memref<16x2049xi32, #tpu.memory_space<vmem>>, vector<16xi32>,
        %parallel_loop3A_132 = arith.addi %parallel_loop3A_125, %parallel_loop3A_131 : vector<16xi32>
        %parallel_loop3A_133 = arith.constant 16 : i32
        %parallel_loop3A_134 = arith.muli %parallel_loop3A_98, %parallel_loop3A_133 : i32
        %parallel_loop3A_135 = arith.constant 5 : i32
        %parallel_loop3A_136 = arith.index_cast %parallel_loop3A_135 : i32 to index
        %parallel_loop3A_137 = arith.index_cast %parallel_loop3A_134 : i32 to index
        %parallel_loop3A_138 = tpu.vector_load %arg5[%parallel_loop3A_136, %parallel_loop3A_137] {strides = array<i32>} : memref<16x2049xi32, #tpu.memory_space<vmem>>, vector<16xi32>,
        %parallel_loop3A_139 = arith.addi %parallel_loop3A_132, %parallel_loop3A_138 : vector<16xi32>
        %parallel_loop3A_140 = arith.constant 16 : i32
        %parallel_loop3A_141 = arith.muli %parallel_loop3A_98, %parallel_loop3A_140 : i32
        %parallel_loop3A_142 = arith.constant 6 : i32
        %parallel_loop3A_143 = arith.index_cast %parallel_loop3A_142 : i32 to index
        %parallel_loop3A_144 = arith.index_cast %parallel_loop3A_141 : i32 to index
        %parallel_loop3A_145 = tpu.vector_load %arg5[%parallel_loop3A_143, %parallel_loop3A_144] {strides = array<i32>} : memref<16x2049xi32, #tpu.memory_space<vmem>>, vector<16xi32>,
        %parallel_loop3A_146 = arith.addi %parallel_loop3A_139, %parallel_loop3A_145 : vector<16xi32>
        %parallel_loop3A_147 = arith.constant 16 : i32
        %parallel_loop3A_148 = arith.muli %parallel_loop3A_98, %parallel_loop3A_147 : i32
        %parallel_loop3A_149 = arith.constant 7 : i32
        %parallel_loop3A_150 = arith.index_cast %parallel_loop3A_149 : i32 to index
        %parallel_loop3A_151 = arith.index_cast %parallel_loop3A_148 : i32 to index
        %parallel_loop3A_152 = tpu.vector_load %arg5[%parallel_loop3A_150, %parallel_loop3A_151] {strides = array<i32>} : memref<16x2049xi32, #tpu.memory_space<vmem>>, vector<16xi32>,
        %parallel_loop3A_153 = arith.addi %parallel_loop3A_146, %parallel_loop3A_152 : vector<16xi32>
        %parallel_loop3A_154 = arith.constant 16 : i32
        %parallel_loop3A_155 = arith.muli %parallel_loop3A_98, %parallel_loop3A_154 : i32
        %parallel_loop3A_156 = arith.constant 8 : i32
        %parallel_loop3A_157 = arith.index_cast %parallel_loop3A_156 : i32 to index
        %parallel_loop3A_158 = arith.index_cast %parallel_loop3A_155 : i32 to index
        %parallel_loop3A_159 = tpu.vector_load %arg5[%parallel_loop3A_157, %parallel_loop3A_158] {strides = array<i32>} : memref<16x2049xi32, #tpu.memory_space<vmem>>, vector<16xi32>,
        %parallel_loop3A_160 = arith.addi %parallel_loop3A_153, %parallel_loop3A_159 : vector<16xi32>
        %parallel_loop3A_161 = arith.constant 16 : i32
        %parallel_loop3A_162 = arith.muli %parallel_loop3A_98, %parallel_loop3A_161 : i32
        %parallel_loop3A_163 = arith.constant 9 : i32
        %parallel_loop3A_164 = arith.index_cast %parallel_loop3A_163 : i32 to index
        %parallel_loop3A_165 = arith.index_cast %parallel_loop3A_162 : i32 to index
        %parallel_loop3A_166 = tpu.vector_load %arg5[%parallel_loop3A_164, %parallel_loop3A_165] {strides = array<i32>} : memref<16x2049xi32, #tpu.memory_space<vmem>>, vector<16xi32>,
        %parallel_loop3A_167 = arith.addi %parallel_loop3A_160, %parallel_loop3A_166 : vector<16xi32>
        %parallel_loop3A_168 = arith.constant 16 : i32
        %parallel_loop3A_169 = arith.muli %parallel_loop3A_98, %parallel_loop3A_168 : i32
        %parallel_loop3A_170 = arith.constant 10 : i32
        %parallel_loop3A_171 = arith.index_cast %parallel_loop3A_170 : i32 to index
        %parallel_loop3A_172 = arith.index_cast %parallel_loop3A_169 : i32 to index
        %parallel_loop3A_173 = tpu.vector_load %arg5[%parallel_loop3A_171, %parallel_loop3A_172] {strides = array<i32>} : memref<16x2049xi32, #tpu.memory_space<vmem>>, vector<16xi32>,
        %parallel_loop3A_174 = arith.addi %parallel_loop3A_167, %parallel_loop3A_173 : vector<16xi32>
        %parallel_loop3A_175 = arith.constant 16 : i32
        %parallel_loop3A_176 = arith.muli %parallel_loop3A_98, %parallel_loop3A_175 : i32
        %parallel_loop3A_177 = arith.constant 11 : i32
        %parallel_loop3A_178 = arith.index_cast %parallel_loop3A_177 : i32 to index
        %parallel_loop3A_179 = arith.index_cast %parallel_loop3A_176 : i32 to index
        %parallel_loop3A_180 = tpu.vector_load %arg5[%parallel_loop3A_178, %parallel_loop3A_179] {strides = array<i32>} : memref<16x2049xi32, #tpu.memory_space<vmem>>, vector<16xi32>,
        %parallel_loop3A_181 = arith.addi %parallel_loop3A_174, %parallel_loop3A_180 : vector<16xi32>
        %parallel_loop3A_182 = arith.constant 16 : i32
        %parallel_loop3A_183 = arith.muli %parallel_loop3A_98, %parallel_loop3A_182 : i32
        %parallel_loop3A_184 = arith.constant 12 : i32
        %parallel_loop3A_185 = arith.index_cast %parallel_loop3A_184 : i32 to index
        %parallel_loop3A_186 = arith.index_cast %parallel_loop3A_183 : i32 to index
        %parallel_loop3A_187 = tpu.vector_load %arg5[%parallel_loop3A_185, %parallel_loop3A_186] {strides = array<i32>} : memref<16x2049xi32, #tpu.memory_space<vmem>>, vector<16xi32>,
        %parallel_loop3A_188 = arith.addi %parallel_loop3A_181, %parallel_loop3A_187 : vector<16xi32>
        %parallel_loop3A_189 = arith.constant 16 : i32
        %parallel_loop3A_190 = arith.muli %parallel_loop3A_98, %parallel_loop3A_189 : i32
        %parallel_loop3A_191 = arith.constant 13 : i32
        %parallel_loop3A_192 = arith.index_cast %parallel_loop3A_191 : i32 to index
        %parallel_loop3A_193 = arith.index_cast %parallel_loop3A_190 : i32 to index
        %parallel_loop3A_194 = tpu.vector_load %arg5[%parallel_loop3A_192, %parallel_loop3A_193] {strides = array<i32>} : memref<16x2049xi32, #tpu.memory_space<vmem>>, vector<16xi32>,
        %parallel_loop3A_195 = arith.addi %parallel_loop3A_188, %parallel_loop3A_194 : vector<16xi32>
        %parallel_loop3A_196 = arith.constant 16 : i32
        %parallel_loop3A_197 = arith.muli %parallel_loop3A_98, %parallel_loop3A_196 : i32
        %parallel_loop3A_198 = arith.constant 14 : i32
        %parallel_loop3A_199 = arith.index_cast %parallel_loop3A_198 : i32 to index
        %parallel_loop3A_200 = arith.index_cast %parallel_loop3A_197 : i32 to index
        %parallel_loop3A_201 = tpu.vector_load %arg5[%parallel_loop3A_199, %parallel_loop3A_200] {strides = array<i32>} : memref<16x2049xi32, #tpu.memory_space<vmem>>, vector<16xi32>,
        %parallel_loop3A_202 = arith.addi %parallel_loop3A_195, %parallel_loop3A_201 : vector<16xi32>
        %parallel_loop3A_203 = arith.constant 16 : i32
        %parallel_loop3A_204 = arith.muli %parallel_loop3A_98, %parallel_loop3A_203 : i32
        %parallel_loop3A_205 = arith.constant 15 : i32
        %parallel_loop3A_206 = arith.index_cast %parallel_loop3A_205 : i32 to index
        %parallel_loop3A_207 = arith.index_cast %parallel_loop3A_204 : i32 to index
        %parallel_loop3A_208 = tpu.vector_load %arg5[%parallel_loop3A_206, %parallel_loop3A_207] {strides = array<i32>} : memref<16x2049xi32, #tpu.memory_space<vmem>>, vector<16xi32>,
        %parallel_loop3A_209 = arith.addi %parallel_loop3A_202, %parallel_loop3A_208 : vector<16xi32>
        %parallel_loop3A_210 = arith.constant 16 : i32
        %parallel_loop3A_211 = arith.muli %parallel_loop3A_98, %parallel_loop3A_210 : i32
        %parallel_loop3A_212 = arith.index_cast %parallel_loop3A_211 : i32 to index
        %parallel_loop3A_213 = tpu.vector_load %arg7[%parallel_loop3A_212] {strides = array<i32>} : memref<2048xi32, #tpu.memory_space<vmem>>, vector<16xi32>,
        tpu.vector_store %arg7[%parallel_loop3A_212], %parallel_loop3A_209 {strides = array<i32>} : memref<2048xi32, #tpu.memory_space<vmem>>, vector<16xi32>,
      } {sc.loop_unroll_factor = 2 : i64, sc.parallel_access}
      "tpu.region"() ({
        %run_scoped3A = tpu.sem_alloc : memref<!tpu.dma_semaphore, #tpu.memory_space<semaphore_mem>>
        %dma_start3A = arith.constant 0 : i32
        %dma_start3A_98 = tpu.memref_slice %arg9[%arg1, %dma_start3A] : memref<16x2048xi32, #tpu.memory_space<vmem_shared>> -> memref<1x2048xi32, #tpu.memory_space<vmem_shared>>
        %dma_start3A_99 = tpu.memref_squeeze %dma_start3A_98 : memref<1x2048xi32, #tpu.memory_space<vmem_shared>> -> memref<2048xi32, #tpu.memory_space<vmem_shared>>
        %dma_start3A_100 = arith.constant 0 : i32
        %dma_start3A_101 = tpu.memref_slice %arg9[%arg1, %dma_start3A_100] : memref<16x2048xi32, #tpu.memory_space<vmem_shared>> -> memref<1x2048xi32, #tpu.memory_space<vmem_shared>>
        %dma_start3A_102 = tpu.memref_squeeze %dma_start3A_101 : memref<1x2048xi32, #tpu.memory_space<vmem_shared>> -> memref<2048xi32, #tpu.memory_space<vmem_shared>>
        tpu.enqueue_dma source(%arg7 : memref<2048xi32, #tpu.memory_space<vmem>>) target(%dma_start3A_102 : memref<2048xi32, #tpu.memory_space<vmem_shared>>) target_semaphore(%run_scoped3A : memref<!tpu.dma_semaphore, #tpu.memory_space<semaphore_mem>>)
        %dma_wait3A = arith.constant 0 : i32
        %dma_wait3A_103 = tpu.memref_slice %arg9[%arg1, %dma_wait3A] : memref<16x2048xi32, #tpu.memory_space<vmem_shared>> -> memref<1x2048xi32, #tpu.memory_space<vmem_shared>>
        %dma_wait3A_104 = tpu.memref_squeeze %dma_wait3A_103 : memref<1x2048xi32, #tpu.memory_space<vmem_shared>> -> memref<2048xi32, #tpu.memory_space<vmem_shared>>
        %dma_wait3A_105 = arith.constant 0 : i32
        %dma_wait3A_106 = tpu.memref_slice %arg9[%arg1, %dma_wait3A_105] : memref<16x2048xi32, #tpu.memory_space<vmem_shared>> -> memref<1x2048xi32, #tpu.memory_space<vmem_shared>>
        %dma_wait3A_107 = tpu.memref_squeeze %dma_wait3A_106 : memref<1x2048xi32, #tpu.memory_space<vmem_shared>> -> memref<2048xi32, #tpu.memory_space<vmem_shared>>
        tpu.wait_dma2 semaphore(%run_scoped3A : memref<!tpu.dma_semaphore, #tpu.memory_space<semaphore_mem>>) src(%arg7 : memref<2048xi32, #tpu.memory_space<vmem>>) dst(%dma_wait3A_107 : memref<2048xi32, #tpu.memory_space<vmem_shared>>)
        tpu.yield
      }) : () -> ()
      %barrier3A_49 = arith.constant 0 : index
      tpu.barrier barrier_id(%barrier3A_49)
      "tpu.region"() ({
        %run_scoped3A = tpu.sem_alloc : memref<!tpu.dma_semaphore, #tpu.memory_space<semaphore_mem>>
        tpu.enqueue_dma source(%arg9 : memref<16x2048xi32, #tpu.memory_space<vmem_shared>>) target(%arg6 : memref<16x2048xi32, #tpu.memory_space<vmem>>) target_semaphore(%run_scoped3A : memref<!tpu.dma_semaphore, #tpu.memory_space<semaphore_mem>>)
        tpu.wait_dma2 semaphore(%run_scoped3A : memref<!tpu.dma_semaphore, #tpu.memory_space<semaphore_mem>>) src(%arg9 : memref<16x2048xi32, #tpu.memory_space<vmem_shared>>) dst(%arg6 : memref<16x2048xi32, #tpu.memory_space<vmem>>)
        tpu.yield
      }) : () -> ()
      %barrier3A_50 = arith.constant 0 : index
      tpu.barrier barrier_id(%barrier3A_50)
      %scan3A_51 = arith.constant 0 : i32
      %scan3A_52 = arith.constant 0 : i32
      %scan3A_53 = arith.constant 0 : i32
      %scan3A_54 = arith.constant 0 : i32
      %scan3A_55 = arith.constant 128 : i32
      %scan3A_56 = arith.addi %scan3A_54, %scan3A_55 : i32
      %scan3A_57 = arith.constant 1 : i32
      %scan3A_58:3 = scf.for %scan3A_98 = %scan3A_54 to %scan3A_56 step %scan3A_57 iter_args(%scan3A_99 = %scan3A_51, %scan3A_100 = %scan3A_52, %scan3A_101 = %scan3A_53) -> (i32, i32, i32)  : i32 {
        %mul3A_102 = arith.constant 16 : i32
        %mul3A_103 = arith.muli %scan3A_98, %mul3A_102 : i32
        %get3A = arith.constant 0 : i32
        %get3A_104 = arith.index_cast %get3A : i32 to index
        %get3A_105 = arith.index_cast %mul3A_103 : i32 to index
        %get3A_106 = tpu.vector_load %arg6[%get3A_104, %get3A_105] {strides = array<i32>} : memref<16x2048xi32, #tpu.memory_space<vmem>>, vector<16xi32>,
        %mul3A_107 = arith.constant 16 : i32
        %mul3A_108 = arith.muli %scan3A_98, %mul3A_107 : i32
        %get3A_109 = arith.constant 1 : i32
        %get3A_110 = arith.index_cast %get3A_109 : i32 to index
        %get3A_111 = arith.index_cast %mul3A_108 : i32 to index
        %get3A_112 = tpu.vector_load %arg6[%get3A_110, %get3A_111] {strides = array<i32>} : memref<16x2048xi32, #tpu.memory_space<vmem>>, vector<16xi32>,
        %add3A_113 = arith.addi %get3A_106, %get3A_112 : vector<16xi32>
        %mul3A_114 = arith.constant 16 : i32
        %mul3A_115 = arith.muli %scan3A_98, %mul3A_114 : i32
        %get3A_116 = arith.constant 2 : i32
        %get3A_117 = arith.index_cast %get3A_116 : i32 to index
        %get3A_118 = arith.index_cast %mul3A_115 : i32 to index
        %get3A_119 = tpu.vector_load %arg6[%get3A_117, %get3A_118] {strides = array<i32>} : memref<16x2048xi32, #tpu.memory_space<vmem>>, vector<16xi32>,
        %add3A_120 = arith.addi %add3A_113, %get3A_119 : vector<16xi32>
        %mul3A_121 = arith.constant 16 : i32
        %mul3A_122 = arith.muli %scan3A_98, %mul3A_121 : i32
        %get3A_123 = arith.constant 3 : i32
        %get3A_124 = arith.index_cast %get3A_123 : i32 to index
        %get3A_125 = arith.index_cast %mul3A_122 : i32 to index
        %get3A_126 = tpu.vector_load %arg6[%get3A_124, %get3A_125] {strides = array<i32>} : memref<16x2048xi32, #tpu.memory_space<vmem>>, vector<16xi32>,
        %add3A_127 = arith.addi %add3A_120, %get3A_126 : vector<16xi32>
        %mul3A_128 = arith.constant 16 : i32
        %mul3A_129 = arith.muli %scan3A_98, %mul3A_128 : i32
        %get3A_130 = arith.constant 4 : i32
        %get3A_131 = arith.index_cast %get3A_130 : i32 to index
        %get3A_132 = arith.index_cast %mul3A_129 : i32 to index
        %get3A_133 = tpu.vector_load %arg6[%get3A_131, %get3A_132] {strides = array<i32>} : memref<16x2048xi32, #tpu.memory_space<vmem>>, vector<16xi32>,
        %add3A_134 = arith.addi %add3A_127, %get3A_133 : vector<16xi32>
        %mul3A_135 = arith.constant 16 : i32
        %mul3A_136 = arith.muli %scan3A_98, %mul3A_135 : i32
        %get3A_137 = arith.constant 5 : i32
        %get3A_138 = arith.index_cast %get3A_137 : i32 to index
        %get3A_139 = arith.index_cast %mul3A_136 : i32 to index
        %get3A_140 = tpu.vector_load %arg6[%get3A_138, %get3A_139] {strides = array<i32>} : memref<16x2048xi32, #tpu.memory_space<vmem>>, vector<16xi32>,
        %add3A_141 = arith.addi %add3A_134, %get3A_140 : vector<16xi32>
        %mul3A_142 = arith.constant 16 : i32
        %mul3A_143 = arith.muli %scan3A_98, %mul3A_142 : i32
        %get3A_144 = arith.constant 6 : i32
        %get3A_145 = arith.index_cast %get3A_144 : i32 to index
        %get3A_146 = arith.index_cast %mul3A_143 : i32 to index
        %get3A_147 = tpu.vector_load %arg6[%get3A_145, %get3A_146] {strides = array<i32>} : memref<16x2048xi32, #tpu.memory_space<vmem>>, vector<16xi32>,
        %add3A_148 = arith.addi %add3A_141, %get3A_147 : vector<16xi32>
        %mul3A_149 = arith.constant 16 : i32
        %mul3A_150 = arith.muli %scan3A_98, %mul3A_149 : i32
        %get3A_151 = arith.constant 7 : i32
        %get3A_152 = arith.index_cast %get3A_151 : i32 to index
        %get3A_153 = arith.index_cast %mul3A_150 : i32 to index
        %get3A_154 = tpu.vector_load %arg6[%get3A_152, %get3A_153] {strides = array<i32>} : memref<16x2048xi32, #tpu.memory_space<vmem>>, vector<16xi32>,
        %add3A_155 = arith.addi %add3A_148, %get3A_154 : vector<16xi32>
        %mul3A_156 = arith.constant 16 : i32
        %mul3A_157 = arith.muli %scan3A_98, %mul3A_156 : i32
        %get3A_158 = arith.constant 8 : i32
        %get3A_159 = arith.index_cast %get3A_158 : i32 to index
        %get3A_160 = arith.index_cast %mul3A_157 : i32 to index
        %get3A_161 = tpu.vector_load %arg6[%get3A_159, %get3A_160] {strides = array<i32>} : memref<16x2048xi32, #tpu.memory_space<vmem>>, vector<16xi32>,
        %add3A_162 = arith.addi %add3A_155, %get3A_161 : vector<16xi32>
        %mul3A_163 = arith.constant 16 : i32
        %mul3A_164 = arith.muli %scan3A_98, %mul3A_163 : i32
        %get3A_165 = arith.constant 9 : i32
        %get3A_166 = arith.index_cast %get3A_165 : i32 to index
        %get3A_167 = arith.index_cast %mul3A_164 : i32 to index
        %get3A_168 = tpu.vector_load %arg6[%get3A_166, %get3A_167] {strides = array<i32>} : memref<16x2048xi32, #tpu.memory_space<vmem>>, vector<16xi32>,
        %add3A_169 = arith.addi %add3A_162, %get3A_168 : vector<16xi32>
        %mul3A_170 = arith.constant 16 : i32
        %mul3A_171 = arith.muli %scan3A_98, %mul3A_170 : i32
        %get3A_172 = arith.constant 10 : i32
        %get3A_173 = arith.index_cast %get3A_172 : i32 to index
        %get3A_174 = arith.index_cast %mul3A_171 : i32 to index
        %get3A_175 = tpu.vector_load %arg6[%get3A_173, %get3A_174] {strides = array<i32>} : memref<16x2048xi32, #tpu.memory_space<vmem>>, vector<16xi32>,
        %add3A_176 = arith.addi %add3A_169, %get3A_175 : vector<16xi32>
        %mul3A_177 = arith.constant 16 : i32
        %mul3A_178 = arith.muli %scan3A_98, %mul3A_177 : i32
        %get3A_179 = arith.constant 11 : i32
        %get3A_180 = arith.index_cast %get3A_179 : i32 to index
        %get3A_181 = arith.index_cast %mul3A_178 : i32 to index
        %get3A_182 = tpu.vector_load %arg6[%get3A_180, %get3A_181] {strides = array<i32>} : memref<16x2048xi32, #tpu.memory_space<vmem>>, vector<16xi32>,
        %add3A_183 = arith.addi %add3A_176, %get3A_182 : vector<16xi32>
        %mul3A_184 = arith.constant 16 : i32
        %mul3A_185 = arith.muli %scan3A_98, %mul3A_184 : i32
        %get3A_186 = arith.constant 12 : i32
        %get3A_187 = arith.index_cast %get3A_186 : i32 to index
        %get3A_188 = arith.index_cast %mul3A_185 : i32 to index
        %get3A_189 = tpu.vector_load %arg6[%get3A_187, %get3A_188] {strides = array<i32>} : memref<16x2048xi32, #tpu.memory_space<vmem>>, vector<16xi32>,
        %add3A_190 = arith.addi %add3A_183, %get3A_189 : vector<16xi32>
        %mul3A_191 = arith.constant 16 : i32
        %mul3A_192 = arith.muli %scan3A_98, %mul3A_191 : i32
        %get3A_193 = arith.constant 13 : i32
        %get3A_194 = arith.index_cast %get3A_193 : i32 to index
        %get3A_195 = arith.index_cast %mul3A_192 : i32 to index
        %get3A_196 = tpu.vector_load %arg6[%get3A_194, %get3A_195] {strides = array<i32>} : memref<16x2048xi32, #tpu.memory_space<vmem>>, vector<16xi32>,
        %add3A_197 = arith.addi %add3A_190, %get3A_196 : vector<16xi32>
        %mul3A_198 = arith.constant 16 : i32
        %mul3A_199 = arith.muli %scan3A_98, %mul3A_198 : i32
        %get3A_200 = arith.constant 14 : i32
        %get3A_201 = arith.index_cast %get3A_200 : i32 to index
        %get3A_202 = arith.index_cast %mul3A_199 : i32 to index
        %get3A_203 = tpu.vector_load %arg6[%get3A_201, %get3A_202] {strides = array<i32>} : memref<16x2048xi32, #tpu.memory_space<vmem>>, vector<16xi32>,
        %add3A_204 = arith.addi %add3A_197, %get3A_203 : vector<16xi32>
        %mul3A_205 = arith.constant 16 : i32
        %mul3A_206 = arith.muli %scan3A_98, %mul3A_205 : i32
        %get3A_207 = arith.constant 15 : i32
        %get3A_208 = arith.index_cast %get3A_207 : i32 to index
        %get3A_209 = arith.index_cast %mul3A_206 : i32 to index
        %get3A_210 = tpu.vector_load %arg6[%get3A_208, %get3A_209] {strides = array<i32>} : memref<16x2048xi32, #tpu.memory_space<vmem>>, vector<16xi32>,
        %add3A_211 = arith.addi %add3A_204, %get3A_210 : vector<16xi32>
        %broadcast_in_dim3A_212 = arith.constant true
        %broadcast_in_dim3A_213 = vector.broadcast %broadcast_in_dim3A_212 : i1 to vector<16xi1>
        %masked_cumsum3A = tpu.scan <sum>, %add3A_211 masked %broadcast_in_dim3A_213 : vector<16xi32>, vector<16xi1> -> vector<16xi32>
        %add3A_214 = vector.broadcast %scan3A_99 : i32 to vector<16xi32>
        %add3A_215 = arith.addi %masked_cumsum3A, %add3A_214 : vector<16xi32>
        %le3A = vector.broadcast %sub3A_29 : i32 to vector<16xi32>
        %le3A_216 = arith.cmpi sle, %add3A_215, %le3A : vector<16xi32>
        %jit3A = arith.constant 1 : i32
        %jit3A_217 = arith.constant 0 : i32
        %broadcast_in_dim3A_218 = vector.broadcast %jit3A : i32 to vector<16xi32>
        %broadcast_in_dim3A_219 = vector.broadcast %jit3A_217 : i32 to vector<16xi32>
        %select_n3A = arith.select %le3A_216, %broadcast_in_dim3A_218, %broadcast_in_dim3A_219 : vector<16xi1>, vector<16xi32>
        %reduce_sum3A = arith.constant true
        %reduce_sum3A_220 = vector.broadcast %reduce_sum3A : i1 to vector<16xi1>
        %reduce_sum3A_221 = tpu.scan <sum>, %select_n3A masked %reduce_sum3A_220 : vector<16xi32>, vector<16xi1> -> vector<16xi32>
        %reduce_sum3A_222 = vector.extract %reduce_sum3A_221[15] : i32 from vector<16xi32>
        %add3A_223 = arith.addi %scan3A_100, %reduce_sum3A_222 : i32
        %jit3A_224 = arith.constant 0 : i32
        %broadcast_in_dim3A_225 = vector.broadcast %jit3A_224 : i32 to vector<16xi32>
        %select_n3A_226 = arith.select %le3A_216, %add3A_211, %broadcast_in_dim3A_225 : vector<16xi1>, vector<16xi32>
        %reduce_sum3A_227 = arith.constant true
        %reduce_sum3A_228 = vector.broadcast %reduce_sum3A_227 : i1 to vector<16xi1>
        %reduce_sum3A_229 = tpu.scan <sum>, %select_n3A_226 masked %reduce_sum3A_228 : vector<16xi32>, vector<16xi1> -> vector<16xi32>
        %reduce_sum3A_230 = vector.extract %reduce_sum3A_229[15] : i32 from vector<16xi32>
        %add3A_231 = arith.addi %scan3A_101, %reduce_sum3A_230 : i32
        %reduce_max3A = arith.constant true
        %reduce_max3A_232 = vector.broadcast %reduce_max3A : i1 to vector<16xi1>
        %reduce_max3A_233 = arith.constant -2147483648 : i32
        %reduce_max3A_234 = vector.broadcast %reduce_max3A_233 : i32 to vector<16xi32>
        %reduce_max3A_235 = arith.xori %add3A_215, %reduce_max3A_234 : vector<16xi32>
        %reduce_max3A_236 = tpu.scan <max>, %reduce_max3A_235 masked %reduce_max3A_232 : vector<16xi32>, vector<16xi1> -> vector<16xi32>
        %reduce_max3A_237 = arith.xori %reduce_max3A_236, %reduce_max3A_234 : vector<16xi32>
        %reduce_max3A_238 = vector.extract %reduce_max3A_237[15] : i32 from vector<16xi32>
        scf.yield %reduce_max3A_238, %add3A_223, %add3A_231 : i32, i32, i32
      }
      %scan3A_59 = arith.constant 128 : i32
      %sub3A_60 = arith.subi %sub3A_29, %scan3A_58#2 : i32
      %mul3A = arith.constant 2048 : i32
      %mul3A_61 = arith.muli %scan3A_27#1, %mul3A : i32
      %add3A = arith.addi %mul3A_61, %scan3A_58#1 : i32
      %broadcast_in_dim3A_62 = vector.broadcast %add3A : i32 to vector<16xi32>
      %iota3A_63 = tpu.iota {dimensions = array<i32: 0>} : vector<16xi32>
      %broadcast_in_dim3A_64 = arith.constant 1 : i32
      %broadcast_in_dim3A_65 = vector.broadcast %broadcast_in_dim3A_64 : i32 to vector<16xi32>
      %broadcast_in_dim3A_66 = arith.constant 0 : i32
      %broadcast_in_dim3A_67 = vector.broadcast %broadcast_in_dim3A_66 : i32 to vector<16xi32>
      %parallel_loop3A_68 = arith.constant 0 : i32
      %parallel_loop3A_69 = arith.constant 2048 : i32
      %parallel_loop3A_70 = arith.constant 1 : i32
      scf.for %parallel_loop3A_98 = %parallel_loop3A_68 to %parallel_loop3A_69 step %parallel_loop3A_70  : i32 {
        %parallel_loop3A_99 = arith.constant 7 : i32
        %parallel_loop3A_100 = arith.shrsi %parallel_loop3A_98, %parallel_loop3A_99 : i32
        %parallel_loop3A_101 = arith.constant 127 : i32
        %parallel_loop3A_102 = arith.andi %parallel_loop3A_98, %parallel_loop3A_101 : i32
        %parallel_loop3A_103 = arith.constant 16 : i32
        %parallel_loop3A_104 = arith.muli %parallel_loop3A_102, %parallel_loop3A_103 : i32
        %parallel_loop3A_105 = arith.index_cast %parallel_loop3A_100 : i32 to index
        %parallel_loop3A_106 = arith.index_cast %parallel_loop3A_104 : i32 to index
        %parallel_loop3A_107 = tpu.vector_load %arg5[%parallel_loop3A_105, %parallel_loop3A_106] {strides = array<i32>} : memref<16x2049xi32, #tpu.memory_space<vmem>>, vector<16xi32>,
        tpu.vector_store %arg5[%parallel_loop3A_105, %parallel_loop3A_106], %broadcast_in_dim3A_67 {strides = array<i32>} : memref<16x2049xi32, #tpu.memory_space<vmem>>, vector<16xi32>,
      } {sc.loop_unroll_factor = 8 : i64, sc.parallel_access}
      %scan3A_71 = arith.constant 0 : i32
      %scan3A_72 = arith.constant 0 : i32
      %scan3A_73 = arith.constant 4 : i32
      %scan3A_74 = arith.addi %scan3A_72, %scan3A_73 : i32
      %scan3A_75 = arith.constant 1 : i32
      %scan3A_76 = scf.for %scan3A_98 = %scan3A_72 to %scan3A_74 step %scan3A_75 iter_args(%scan3A_99 = %scan3A_71) -> (i32)  : i32 {
        %mul3A_100 = arith.constant 256 : i32
        %mul3A_101 = arith.muli %and3A_1, %mul3A_100 : i32
        %mul3A_102 = arith.constant 64 : i32
        %mul3A_103 = arith.muli %scan3A_98, %mul3A_102 : i32
        %add3A_104 = arith.addi %mul3A_101, %mul3A_103 : i32
        "tpu.region"() ({
          %run_scoped3A = tpu.sem_alloc : memref<!tpu.dma_semaphore, #tpu.memory_space<semaphore_mem>>
          %dma_start3A = arith.constant 0 : i32
          %dma_start3A_109 = tpu.memref_slice %arg2[%shift_right_arithmetic3A_0, %add3A_104, %dma_start3A] : memref<8x512x512xi32, #tpu.memory_space<hbm>> -> memref<1x64x512xi32, #tpu.memory_space<hbm>>
          %dma_start3A_110 = tpu.memref_squeeze %dma_start3A_109 : memref<1x64x512xi32, #tpu.memory_space<hbm>> -> memref<64x512xi32, #tpu.memory_space<hbm>>
          %dma_start3A_111 = arith.constant 0 : i32
          %dma_start3A_112 = tpu.memref_slice %arg2[%shift_right_arithmetic3A_0, %add3A_104, %dma_start3A_111] : memref<8x512x512xi32, #tpu.memory_space<hbm>> -> memref<1x64x512xi32, #tpu.memory_space<hbm>>
          %dma_start3A_113 = tpu.memref_squeeze %dma_start3A_112 : memref<1x64x512xi32, #tpu.memory_space<hbm>> -> memref<64x512xi32, #tpu.memory_space<hbm>>
          tpu.enqueue_dma source(%dma_start3A_113 : memref<64x512xi32, #tpu.memory_space<hbm>>) target(%arg4 : memref<64x512xi32, #tpu.memory_space<vmem>>) target_semaphore(%run_scoped3A : memref<!tpu.dma_semaphore, #tpu.memory_space<semaphore_mem>>)
          %dma_wait3A = arith.constant 0 : i32
          %dma_wait3A_114 = tpu.memref_slice %arg2[%shift_right_arithmetic3A_0, %add3A_104, %dma_wait3A] : memref<8x512x512xi32, #tpu.memory_space<hbm>> -> memref<1x64x512xi32, #tpu.memory_space<hbm>>
          %dma_wait3A_115 = tpu.memref_squeeze %dma_wait3A_114 : memref<1x64x512xi32, #tpu.memory_space<hbm>> -> memref<64x512xi32, #tpu.memory_space<hbm>>
          %dma_wait3A_116 = arith.constant 0 : i32
          %dma_wait3A_117 = tpu.memref_slice %arg2[%shift_right_arithmetic3A_0, %add3A_104, %dma_wait3A_116] : memref<8x512x512xi32, #tpu.memory_space<hbm>> -> memref<1x64x512xi32, #tpu.memory_space<hbm>>
          %dma_wait3A_118 = tpu.memref_squeeze %dma_wait3A_117 : memref<1x64x512xi32, #tpu.memory_space<hbm>> -> memref<64x512xi32, #tpu.memory_space<hbm>>
          tpu.wait_dma2 semaphore(%run_scoped3A : memref<!tpu.dma_semaphore, #tpu.memory_space<semaphore_mem>>) src(%dma_wait3A_118 : memref<64x512xi32, #tpu.memory_space<hbm>>) dst(%arg4 : memref<64x512xi32, #tpu.memory_space<vmem>>)
          tpu.yield
        }) : () -> ()
        %parallel_loop3A_105 = arith.constant 0 : i32
        %parallel_loop3A_106 = arith.constant 2048 : i32
        %parallel_loop3A_107 = arith.constant 1 : i32
        scf.for %parallel_loop3A_109 = %parallel_loop3A_105 to %parallel_loop3A_106 step %parallel_loop3A_107  : i32 {
          %parallel_loop3A_110 = arith.constant 5 : i32
          %parallel_loop3A_111 = arith.shrsi %parallel_loop3A_109, %parallel_loop3A_110 : i32
          %parallel_loop3A_112 = arith.constant 31 : i32
          %parallel_loop3A_113 = arith.andi %parallel_loop3A_109, %parallel_loop3A_112 : i32
          %parallel_loop3A_114 = arith.constant 16 : i32
          %parallel_loop3A_115 = arith.muli %parallel_loop3A_113, %parallel_loop3A_114 : i32
          %parallel_loop3A_116 = arith.index_cast %parallel_loop3A_111 : i32 to index
          %parallel_loop3A_117 = arith.index_cast %parallel_loop3A_115 : i32 to index
          %parallel_loop3A_118 = tpu.vector_load %arg4[%parallel_loop3A_116, %parallel_loop3A_117] {strides = array<i32>} : memref<64x512xi32, #tpu.memory_space<vmem>>, vector<16xi32>,
          %parallel_loop3A_119 = arith.constant 1023 : i32
          %parallel_loop3A_120 = vector.broadcast %parallel_loop3A_119 : i32 to vector<16xi32>
          %parallel_loop3A_121 = arith.andi %parallel_loop3A_118, %parallel_loop3A_120 : vector<16xi32>
          %parallel_loop3A_122 = arith.constant 10 : i32
          %parallel_loop3A_123 = vector.broadcast %parallel_loop3A_122 : i32 to vector<16xi32>
          %parallel_loop3A_124 = arith.shrui %parallel_loop3A_118, %parallel_loop3A_123 : vector<16xi32>
          %parallel_loop3A_125 = arith.cmpi eq, %parallel_loop3A_124, %broadcast_in_dim3A_62 : vector<16xi32>
          tpu.vector_store_idx %arg5[%iota3A_63, %parallel_loop3A_121], %broadcast_in_dim3A_65 masked %parallel_loop3A_125 {add = true} : memref<16x2049xi32, #tpu.memory_space<vmem>>[vector<16xi32>, vector<16xi32>], vector<16xi32>, vector<16xi1>
        } {sc.loop_unroll_factor = 8 : i64, sc.parallel_access}
        %scan3A_108 = arith.constant 0 : i32
        scf.yield %scan3A_108 : i32
      }
      %scan3A_77 = arith.constant 4 : i32
      %parallel_loop3A_78 = arith.constant 0 : i32
      %parallel_loop3A_79 = arith.constant 128 : i32
      %parallel_loop3A_80 = arith.constant 1 : i32
      scf.for %parallel_loop3A_98 = %parallel_loop3A_78 to %parallel_loop3A_79 step %parallel_loop3A_80  : i32 {
        %parallel_loop3A_99 = arith.constant 16 : i32
        %parallel_loop3A_100 = arith.muli %parallel_loop3A_98, %parallel_loop3A_99 : i32
        %parallel_loop3A_101 = arith.constant 0 : i32
        %parallel_loop3A_102 = arith.index_cast %parallel_loop3A_101 : i32 to index
        %parallel_loop3A_103 = arith.index_cast %parallel_loop3A_100 : i32 to index
        %parallel_loop3A_104 = tpu.vector_load %arg5[%parallel_loop3A_102, %parallel_loop3A_103] {strides = array<i32>} : memref<16x2049xi32, #tpu.memory_space<vmem>>, vector<16xi32>,
        %parallel_loop3A_105 = arith.constant 16 : i32
        %parallel_loop3A_106 = arith.muli %parallel_loop3A_98, %parallel_loop3A_105 : i32
        %parallel_loop3A_107 = arith.constant 1 : i32
        %parallel_loop3A_108 = arith.index_cast %parallel_loop3A_107 : i32 to index
        %parallel_loop3A_109 = arith.index_cast %parallel_loop3A_106 : i32 to index
        %parallel_loop3A_110 = tpu.vector_load %arg5[%parallel_loop3A_108, %parallel_loop3A_109] {strides = array<i32>} : memref<16x2049xi32, #tpu.memory_space<vmem>>, vector<16xi32>,
        %parallel_loop3A_111 = arith.addi %parallel_loop3A_104, %parallel_loop3A_110 : vector<16xi32>
        %parallel_loop3A_112 = arith.constant 16 : i32
        %parallel_loop3A_113 = arith.muli %parallel_loop3A_98, %parallel_loop3A_112 : i32
        %parallel_loop3A_114 = arith.constant 2 : i32
        %parallel_loop3A_115 = arith.index_cast %parallel_loop3A_114 : i32 to index
        %parallel_loop3A_116 = arith.index_cast %parallel_loop3A_113 : i32 to index
        %parallel_loop3A_117 = tpu.vector_load %arg5[%parallel_loop3A_115, %parallel_loop3A_116] {strides = array<i32>} : memref<16x2049xi32, #tpu.memory_space<vmem>>, vector<16xi32>,
        %parallel_loop3A_118 = arith.addi %parallel_loop3A_111, %parallel_loop3A_117 : vector<16xi32>
        %parallel_loop3A_119 = arith.constant 16 : i32
        %parallel_loop3A_120 = arith.muli %parallel_loop3A_98, %parallel_loop3A_119 : i32
        %parallel_loop3A_121 = arith.constant 3 : i32
        %parallel_loop3A_122 = arith.index_cast %parallel_loop3A_121 : i32 to index
        %parallel_loop3A_123 = arith.index_cast %parallel_loop3A_120 : i32 to index
        %parallel_loop3A_124 = tpu.vector_load %arg5[%parallel_loop3A_122, %parallel_loop3A_123] {strides = array<i32>} : memref<16x2049xi32, #tpu.memory_space<vmem>>, vector<16xi32>,
        %parallel_loop3A_125 = arith.addi %parallel_loop3A_118, %parallel_loop3A_124 : vector<16xi32>
        %parallel_loop3A_126 = arith.constant 16 : i32
        %parallel_loop3A_127 = arith.muli %parallel_loop3A_98, %parallel_loop3A_126 : i32
        %parallel_loop3A_128 = arith.constant 4 : i32
        %parallel_loop3A_129 = arith.index_cast %parallel_loop3A_128 : i32 to index
        %parallel_loop3A_130 = arith.index_cast %parallel_loop3A_127 : i32 to index
        %parallel_loop3A_131 = tpu.vector_load %arg5[%parallel_loop3A_129, %parallel_loop3A_130] {strides = array<i32>} : memref<16x2049xi32, #tpu.memory_space<vmem>>, vector<16xi32>,
        %parallel_loop3A_132 = arith.addi %parallel_loop3A_125, %parallel_loop3A_131 : vector<16xi32>
        %parallel_loop3A_133 = arith.constant 16 : i32
        %parallel_loop3A_134 = arith.muli %parallel_loop3A_98, %parallel_loop3A_133 : i32
        %parallel_loop3A_135 = arith.constant 5 : i32
        %parallel_loop3A_136 = arith.index_cast %parallel_loop3A_135 : i32 to index
        %parallel_loop3A_137 = arith.index_cast %parallel_loop3A_134 : i32 to index
        %parallel_loop3A_138 = tpu.vector_load %arg5[%parallel_loop3A_136, %parallel_loop3A_137] {strides = array<i32>} : memref<16x2049xi32, #tpu.memory_space<vmem>>, vector<16xi32>,
        %parallel_loop3A_139 = arith.addi %parallel_loop3A_132, %parallel_loop3A_138 : vector<16xi32>
        %parallel_loop3A_140 = arith.constant 16 : i32
        %parallel_loop3A_141 = arith.muli %parallel_loop3A_98, %parallel_loop3A_140 : i32
        %parallel_loop3A_142 = arith.constant 6 : i32
        %parallel_loop3A_143 = arith.index_cast %parallel_loop3A_142 : i32 to index
        %parallel_loop3A_144 = arith.index_cast %parallel_loop3A_141 : i32 to index
        %parallel_loop3A_145 = tpu.vector_load %arg5[%parallel_loop3A_143, %parallel_loop3A_144] {strides = array<i32>} : memref<16x2049xi32, #tpu.memory_space<vmem>>, vector<16xi32>,
        %parallel_loop3A_146 = arith.addi %parallel_loop3A_139, %parallel_loop3A_145 : vector<16xi32>
        %parallel_loop3A_147 = arith.constant 16 : i32
        %parallel_loop3A_148 = arith.muli %parallel_loop3A_98, %parallel_loop3A_147 : i32
        %parallel_loop3A_149 = arith.constant 7 : i32
        %parallel_loop3A_150 = arith.index_cast %parallel_loop3A_149 : i32 to index
        %parallel_loop3A_151 = arith.index_cast %parallel_loop3A_148 : i32 to index
        %parallel_loop3A_152 = tpu.vector_load %arg5[%parallel_loop3A_150, %parallel_loop3A_151] {strides = array<i32>} : memref<16x2049xi32, #tpu.memory_space<vmem>>, vector<16xi32>,
        %parallel_loop3A_153 = arith.addi %parallel_loop3A_146, %parallel_loop3A_152 : vector<16xi32>
        %parallel_loop3A_154 = arith.constant 16 : i32
        %parallel_loop3A_155 = arith.muli %parallel_loop3A_98, %parallel_loop3A_154 : i32
        %parallel_loop3A_156 = arith.constant 8 : i32
        %parallel_loop3A_157 = arith.index_cast %parallel_loop3A_156 : i32 to index
        %parallel_loop3A_158 = arith.index_cast %parallel_loop3A_155 : i32 to index
        %parallel_loop3A_159 = tpu.vector_load %arg5[%parallel_loop3A_157, %parallel_loop3A_158] {strides = array<i32>} : memref<16x2049xi32, #tpu.memory_space<vmem>>, vector<16xi32>,
        %parallel_loop3A_160 = arith.addi %parallel_loop3A_153, %parallel_loop3A_159 : vector<16xi32>
        %parallel_loop3A_161 = arith.constant 16 : i32
        %parallel_loop3A_162 = arith.muli %parallel_loop3A_98, %parallel_loop3A_161 : i32
        %parallel_loop3A_163 = arith.constant 9 : i32
        %parallel_loop3A_164 = arith.index_cast %parallel_loop3A_163 : i32 to index
        %parallel_loop3A_165 = arith.index_cast %parallel_loop3A_162 : i32 to index
        %parallel_loop3A_166 = tpu.vector_load %arg5[%parallel_loop3A_164, %parallel_loop3A_165] {strides = array<i32>} : memref<16x2049xi32, #tpu.memory_space<vmem>>, vector<16xi32>,
        %parallel_loop3A_167 = arith.addi %parallel_loop3A_160, %parallel_loop3A_166 : vector<16xi32>
        %parallel_loop3A_168 = arith.constant 16 : i32
        %parallel_loop3A_169 = arith.muli %parallel_loop3A_98, %parallel_loop3A_168 : i32
        %parallel_loop3A_170 = arith.constant 10 : i32
        %parallel_loop3A_171 = arith.index_cast %parallel_loop3A_170 : i32 to index
        %parallel_loop3A_172 = arith.index_cast %parallel_loop3A_169 : i32 to index
        %parallel_loop3A_173 = tpu.vector_load %arg5[%parallel_loop3A_171, %parallel_loop3A_172] {strides = array<i32>} : memref<16x2049xi32, #tpu.memory_space<vmem>>, vector<16xi32>,
        %parallel_loop3A_174 = arith.addi %parallel_loop3A_167, %parallel_loop3A_173 : vector<16xi32>
        %parallel_loop3A_175 = arith.constant 16 : i32
        %parallel_loop3A_176 = arith.muli %parallel_loop3A_98, %parallel_loop3A_175 : i32
        %parallel_loop3A_177 = arith.constant 11 : i32
        %parallel_loop3A_178 = arith.index_cast %parallel_loop3A_177 : i32 to index
        %parallel_loop3A_179 = arith.index_cast %parallel_loop3A_176 : i32 to index
        %parallel_loop3A_180 = tpu.vector_load %arg5[%parallel_loop3A_178, %parallel_loop3A_179] {strides = array<i32>} : memref<16x2049xi32, #tpu.memory_space<vmem>>, vector<16xi32>,
        %parallel_loop3A_181 = arith.addi %parallel_loop3A_174, %parallel_loop3A_180 : vector<16xi32>
        %parallel_loop3A_182 = arith.constant 16 : i32
        %parallel_loop3A_183 = arith.muli %parallel_loop3A_98, %parallel_loop3A_182 : i32
        %parallel_loop3A_184 = arith.constant 12 : i32
        %parallel_loop3A_185 = arith.index_cast %parallel_loop3A_184 : i32 to index
        %parallel_loop3A_186 = arith.index_cast %parallel_loop3A_183 : i32 to index
        %parallel_loop3A_187 = tpu.vector_load %arg5[%parallel_loop3A_185, %parallel_loop3A_186] {strides = array<i32>} : memref<16x2049xi32, #tpu.memory_space<vmem>>, vector<16xi32>,
        %parallel_loop3A_188 = arith.addi %parallel_loop3A_181, %parallel_loop3A_187 : vector<16xi32>
        %parallel_loop3A_189 = arith.constant 16 : i32
        %parallel_loop3A_190 = arith.muli %parallel_loop3A_98, %parallel_loop3A_189 : i32
        %parallel_loop3A_191 = arith.constant 13 : i32
        %parallel_loop3A_192 = arith.index_cast %parallel_loop3A_191 : i32 to index
        %parallel_loop3A_193 = arith.index_cast %parallel_loop3A_190 : i32 to index
        %parallel_loop3A_194 = tpu.vector_load %arg5[%parallel_loop3A_192, %parallel_loop3A_193] {strides = array<i32>} : memref<16x2049xi32, #tpu.memory_space<vmem>>, vector<16xi32>,
        %parallel_loop3A_195 = arith.addi %parallel_loop3A_188, %parallel_loop3A_194 : vector<16xi32>
        %parallel_loop3A_196 = arith.constant 16 : i32
        %parallel_loop3A_197 = arith.muli %parallel_loop3A_98, %parallel_loop3A_196 : i32
        %parallel_loop3A_198 = arith.constant 14 : i32
        %parallel_loop3A_199 = arith.index_cast %parallel_loop3A_198 : i32 to index
        %parallel_loop3A_200 = arith.index_cast %parallel_loop3A_197 : i32 to index
        %parallel_loop3A_201 = tpu.vector_load %arg5[%parallel_loop3A_199, %parallel_loop3A_200] {strides = array<i32>} : memref<16x2049xi32, #tpu.memory_space<vmem>>, vector<16xi32>,
        %parallel_loop3A_202 = arith.addi %parallel_loop3A_195, %parallel_loop3A_201 : vector<16xi32>
        %parallel_loop3A_203 = arith.constant 16 : i32
        %parallel_loop3A_204 = arith.muli %parallel_loop3A_98, %parallel_loop3A_203 : i32
        %parallel_loop3A_205 = arith.constant 15 : i32
        %parallel_loop3A_206 = arith.index_cast %parallel_loop3A_205 : i32 to index
        %parallel_loop3A_207 = arith.index_cast %parallel_loop3A_204 : i32 to index
        %parallel_loop3A_208 = tpu.vector_load %arg5[%parallel_loop3A_206, %parallel_loop3A_207] {strides = array<i32>} : memref<16x2049xi32, #tpu.memory_space<vmem>>, vector<16xi32>,
        %parallel_loop3A_209 = arith.addi %parallel_loop3A_202, %parallel_loop3A_208 : vector<16xi32>
        %parallel_loop3A_210 = arith.constant 16 : i32
        %parallel_loop3A_211 = arith.muli %parallel_loop3A_98, %parallel_loop3A_210 : i32
        %parallel_loop3A_212 = arith.index_cast %parallel_loop3A_211 : i32 to index
        %parallel_loop3A_213 = tpu.vector_load %arg7[%parallel_loop3A_212] {strides = array<i32>} : memref<2048xi32, #tpu.memory_space<vmem>>, vector<16xi32>,
        tpu.vector_store %arg7[%parallel_loop3A_212], %parallel_loop3A_209 {strides = array<i32>} : memref<2048xi32, #tpu.memory_space<vmem>>, vector<16xi32>,
      } {sc.loop_unroll_factor = 2 : i64, sc.parallel_access}
      "tpu.region"() ({
        %run_scoped3A = tpu.sem_alloc : memref<!tpu.dma_semaphore, #tpu.memory_space<semaphore_mem>>
        %dma_start3A = arith.constant 0 : i32
        %dma_start3A_98 = tpu.memref_slice %arg9[%arg1, %dma_start3A] : memref<16x2048xi32, #tpu.memory_space<vmem_shared>> -> memref<1x2048xi32, #tpu.memory_space<vmem_shared>>
        %dma_start3A_99 = tpu.memref_squeeze %dma_start3A_98 : memref<1x2048xi32, #tpu.memory_space<vmem_shared>> -> memref<2048xi32, #tpu.memory_space<vmem_shared>>
        %dma_start3A_100 = arith.constant 0 : i32
        %dma_start3A_101 = tpu.memref_slice %arg9[%arg1, %dma_start3A_100] : memref<16x2048xi32, #tpu.memory_space<vmem_shared>> -> memref<1x2048xi32, #tpu.memory_space<vmem_shared>>
        %dma_start3A_102 = tpu.memref_squeeze %dma_start3A_101 : memref<1x2048xi32, #tpu.memory_space<vmem_shared>> -> memref<2048xi32, #tpu.memory_space<vmem_shared>>
        tpu.enqueue_dma source(%arg7 : memref<2048xi32, #tpu.memory_space<vmem>>) target(%dma_start3A_102 : memref<2048xi32, #tpu.memory_space<vmem_shared>>) target_semaphore(%run_scoped3A : memref<!tpu.dma_semaphore, #tpu.memory_space<semaphore_mem>>)
        %dma_wait3A = arith.constant 0 : i32
        %dma_wait3A_103 = tpu.memref_slice %arg9[%arg1, %dma_wait3A] : memref<16x2048xi32, #tpu.memory_space<vmem_shared>> -> memref<1x2048xi32, #tpu.memory_space<vmem_shared>>
        %dma_wait3A_104 = tpu.memref_squeeze %dma_wait3A_103 : memref<1x2048xi32, #tpu.memory_space<vmem_shared>> -> memref<2048xi32, #tpu.memory_space<vmem_shared>>
        %dma_wait3A_105 = arith.constant 0 : i32
        %dma_wait3A_106 = tpu.memref_slice %arg9[%arg1, %dma_wait3A_105] : memref<16x2048xi32, #tpu.memory_space<vmem_shared>> -> memref<1x2048xi32, #tpu.memory_space<vmem_shared>>
        %dma_wait3A_107 = tpu.memref_squeeze %dma_wait3A_106 : memref<1x2048xi32, #tpu.memory_space<vmem_shared>> -> memref<2048xi32, #tpu.memory_space<vmem_shared>>
        tpu.wait_dma2 semaphore(%run_scoped3A : memref<!tpu.dma_semaphore, #tpu.memory_space<semaphore_mem>>) src(%arg7 : memref<2048xi32, #tpu.memory_space<vmem>>) dst(%dma_wait3A_107 : memref<2048xi32, #tpu.memory_space<vmem_shared>>)
        tpu.yield
      }) : () -> ()
      %barrier3A_81 = arith.constant 0 : index
      tpu.barrier barrier_id(%barrier3A_81)
      "tpu.region"() ({
        %run_scoped3A = tpu.sem_alloc : memref<!tpu.dma_semaphore, #tpu.memory_space<semaphore_mem>>
        tpu.enqueue_dma source(%arg9 : memref<16x2048xi32, #tpu.memory_space<vmem_shared>>) target(%arg6 : memref<16x2048xi32, #tpu.memory_space<vmem>>) target_semaphore(%run_scoped3A : memref<!tpu.dma_semaphore, #tpu.memory_space<semaphore_mem>>)
        tpu.wait_dma2 semaphore(%run_scoped3A : memref<!tpu.dma_semaphore, #tpu.memory_space<semaphore_mem>>) src(%arg9 : memref<16x2048xi32, #tpu.memory_space<vmem_shared>>) dst(%arg6 : memref<16x2048xi32, #tpu.memory_space<vmem>>)
        tpu.yield
      }) : () -> ()
      %barrier3A_82 = arith.constant 0 : index
      tpu.barrier barrier_id(%barrier3A_82)
      %scan3A_83 = arith.constant 0 : i32
      %scan3A_84 = arith.constant 0 : i32
      %scan3A_85 = arith.constant 0 : i32
      %scan3A_86 = arith.constant 0 : i32
      %scan3A_87 = arith.constant 128 : i32
      %scan3A_88 = arith.addi %scan3A_86, %scan3A_87 : i32
      %scan3A_89 = arith.constant 1 : i32
      %scan3A_90:3 = scf.for %scan3A_98 = %scan3A_86 to %scan3A_88 step %scan3A_89 iter_args(%scan3A_99 = %scan3A_83, %scan3A_100 = %scan3A_84, %scan3A_101 = %scan3A_85) -> (i32, i32, i32)  : i32 {
        %mul3A_102 = arith.constant 16 : i32
        %mul3A_103 = arith.muli %scan3A_98, %mul3A_102 : i32
        %get3A = arith.constant 0 : i32
        %get3A_104 = arith.index_cast %get3A : i32 to index
        %get3A_105 = arith.index_cast %mul3A_103 : i32 to index
        %get3A_106 = tpu.vector_load %arg6[%get3A_104, %get3A_105] {strides = array<i32>} : memref<16x2048xi32, #tpu.memory_space<vmem>>, vector<16xi32>,
        %mul3A_107 = arith.constant 16 : i32
        %mul3A_108 = arith.muli %scan3A_98, %mul3A_107 : i32
        %get3A_109 = arith.constant 1 : i32
        %get3A_110 = arith.index_cast %get3A_109 : i32 to index
        %get3A_111 = arith.index_cast %mul3A_108 : i32 to index
        %get3A_112 = tpu.vector_load %arg6[%get3A_110, %get3A_111] {strides = array<i32>} : memref<16x2048xi32, #tpu.memory_space<vmem>>, vector<16xi32>,
        %add3A_113 = arith.addi %get3A_106, %get3A_112 : vector<16xi32>
        %mul3A_114 = arith.constant 16 : i32
        %mul3A_115 = arith.muli %scan3A_98, %mul3A_114 : i32
        %get3A_116 = arith.constant 2 : i32
        %get3A_117 = arith.index_cast %get3A_116 : i32 to index
        %get3A_118 = arith.index_cast %mul3A_115 : i32 to index
        %get3A_119 = tpu.vector_load %arg6[%get3A_117, %get3A_118] {strides = array<i32>} : memref<16x2048xi32, #tpu.memory_space<vmem>>, vector<16xi32>,
        %add3A_120 = arith.addi %add3A_113, %get3A_119 : vector<16xi32>
        %mul3A_121 = arith.constant 16 : i32
        %mul3A_122 = arith.muli %scan3A_98, %mul3A_121 : i32
        %get3A_123 = arith.constant 3 : i32
        %get3A_124 = arith.index_cast %get3A_123 : i32 to index
        %get3A_125 = arith.index_cast %mul3A_122 : i32 to index
        %get3A_126 = tpu.vector_load %arg6[%get3A_124, %get3A_125] {strides = array<i32>} : memref<16x2048xi32, #tpu.memory_space<vmem>>, vector<16xi32>,
        %add3A_127 = arith.addi %add3A_120, %get3A_126 : vector<16xi32>
        %mul3A_128 = arith.constant 16 : i32
        %mul3A_129 = arith.muli %scan3A_98, %mul3A_128 : i32
        %get3A_130 = arith.constant 4 : i32
        %get3A_131 = arith.index_cast %get3A_130 : i32 to index
        %get3A_132 = arith.index_cast %mul3A_129 : i32 to index
        %get3A_133 = tpu.vector_load %arg6[%get3A_131, %get3A_132] {strides = array<i32>} : memref<16x2048xi32, #tpu.memory_space<vmem>>, vector<16xi32>,
        %add3A_134 = arith.addi %add3A_127, %get3A_133 : vector<16xi32>
        %mul3A_135 = arith.constant 16 : i32
        %mul3A_136 = arith.muli %scan3A_98, %mul3A_135 : i32
        %get3A_137 = arith.constant 5 : i32
        %get3A_138 = arith.index_cast %get3A_137 : i32 to index
        %get3A_139 = arith.index_cast %mul3A_136 : i32 to index
        %get3A_140 = tpu.vector_load %arg6[%get3A_138, %get3A_139] {strides = array<i32>} : memref<16x2048xi32, #tpu.memory_space<vmem>>, vector<16xi32>,
        %add3A_141 = arith.addi %add3A_134, %get3A_140 : vector<16xi32>
        %mul3A_142 = arith.constant 16 : i32
        %mul3A_143 = arith.muli %scan3A_98, %mul3A_142 : i32
        %get3A_144 = arith.constant 6 : i32
        %get3A_145 = arith.index_cast %get3A_144 : i32 to index
        %get3A_146 = arith.index_cast %mul3A_143 : i32 to index
        %get3A_147 = tpu.vector_load %arg6[%get3A_145, %get3A_146] {strides = array<i32>} : memref<16x2048xi32, #tpu.memory_space<vmem>>, vector<16xi32>,
        %add3A_148 = arith.addi %add3A_141, %get3A_147 : vector<16xi32>
        %mul3A_149 = arith.constant 16 : i32
        %mul3A_150 = arith.muli %scan3A_98, %mul3A_149 : i32
        %get3A_151 = arith.constant 7 : i32
        %get3A_152 = arith.index_cast %get3A_151 : i32 to index
        %get3A_153 = arith.index_cast %mul3A_150 : i32 to index
        %get3A_154 = tpu.vector_load %arg6[%get3A_152, %get3A_153] {strides = array<i32>} : memref<16x2048xi32, #tpu.memory_space<vmem>>, vector<16xi32>,
        %add3A_155 = arith.addi %add3A_148, %get3A_154 : vector<16xi32>
        %mul3A_156 = arith.constant 16 : i32
        %mul3A_157 = arith.muli %scan3A_98, %mul3A_156 : i32
        %get3A_158 = arith.constant 8 : i32
        %get3A_159 = arith.index_cast %get3A_158 : i32 to index
        %get3A_160 = arith.index_cast %mul3A_157 : i32 to index
        %get3A_161 = tpu.vector_load %arg6[%get3A_159, %get3A_160] {strides = array<i32>} : memref<16x2048xi32, #tpu.memory_space<vmem>>, vector<16xi32>,
        %add3A_162 = arith.addi %add3A_155, %get3A_161 : vector<16xi32>
        %mul3A_163 = arith.constant 16 : i32
        %mul3A_164 = arith.muli %scan3A_98, %mul3A_163 : i32
        %get3A_165 = arith.constant 9 : i32
        %get3A_166 = arith.index_cast %get3A_165 : i32 to index
        %get3A_167 = arith.index_cast %mul3A_164 : i32 to index
        %get3A_168 = tpu.vector_load %arg6[%get3A_166, %get3A_167] {strides = array<i32>} : memref<16x2048xi32, #tpu.memory_space<vmem>>, vector<16xi32>,
        %add3A_169 = arith.addi %add3A_162, %get3A_168 : vector<16xi32>
        %mul3A_170 = arith.constant 16 : i32
        %mul3A_171 = arith.muli %scan3A_98, %mul3A_170 : i32
        %get3A_172 = arith.constant 10 : i32
        %get3A_173 = arith.index_cast %get3A_172 : i32 to index
        %get3A_174 = arith.index_cast %mul3A_171 : i32 to index
        %get3A_175 = tpu.vector_load %arg6[%get3A_173, %get3A_174] {strides = array<i32>} : memref<16x2048xi32, #tpu.memory_space<vmem>>, vector<16xi32>,
        %add3A_176 = arith.addi %add3A_169, %get3A_175 : vector<16xi32>
        %mul3A_177 = arith.constant 16 : i32
        %mul3A_178 = arith.muli %scan3A_98, %mul3A_177 : i32
        %get3A_179 = arith.constant 11 : i32
        %get3A_180 = arith.index_cast %get3A_179 : i32 to index
        %get3A_181 = arith.index_cast %mul3A_178 : i32 to index
        %get3A_182 = tpu.vector_load %arg6[%get3A_180, %get3A_181] {strides = array<i32>} : memref<16x2048xi32, #tpu.memory_space<vmem>>, vector<16xi32>,
        %add3A_183 = arith.addi %add3A_176, %get3A_182 : vector<16xi32>
        %mul3A_184 = arith.constant 16 : i32
        %mul3A_185 = arith.muli %scan3A_98, %mul3A_184 : i32
        %get3A_186 = arith.constant 12 : i32
        %get3A_187 = arith.index_cast %get3A_186 : i32 to index
        %get3A_188 = arith.index_cast %mul3A_185 : i32 to index
        %get3A_189 = tpu.vector_load %arg6[%get3A_187, %get3A_188] {strides = array<i32>} : memref<16x2048xi32, #tpu.memory_space<vmem>>, vector<16xi32>,
        %add3A_190 = arith.addi %add3A_183, %get3A_189 : vector<16xi32>
        %mul3A_191 = arith.constant 16 : i32
        %mul3A_192 = arith.muli %scan3A_98, %mul3A_191 : i32
        %get3A_193 = arith.constant 13 : i32
        %get3A_194 = arith.index_cast %get3A_193 : i32 to index
        %get3A_195 = arith.index_cast %mul3A_192 : i32 to index
        %get3A_196 = tpu.vector_load %arg6[%get3A_194, %get3A_195] {strides = array<i32>} : memref<16x2048xi32, #tpu.memory_space<vmem>>, vector<16xi32>,
        %add3A_197 = arith.addi %add3A_190, %get3A_196 : vector<16xi32>
        %mul3A_198 = arith.constant 16 : i32
        %mul3A_199 = arith.muli %scan3A_98, %mul3A_198 : i32
        %get3A_200 = arith.constant 14 : i32
        %get3A_201 = arith.index_cast %get3A_200 : i32 to index
        %get3A_202 = arith.index_cast %mul3A_199 : i32 to index
        %get3A_203 = tpu.vector_load %arg6[%get3A_201, %get3A_202] {strides = array<i32>} : memref<16x2048xi32, #tpu.memory_space<vmem>>, vector<16xi32>,
        %add3A_204 = arith.addi %add3A_197, %get3A_203 : vector<16xi32>
        %mul3A_205 = arith.constant 16 : i32
        %mul3A_206 = arith.muli %scan3A_98, %mul3A_205 : i32
        %get3A_207 = arith.constant 15 : i32
        %get3A_208 = arith.index_cast %get3A_207 : i32 to index
        %get3A_209 = arith.index_cast %mul3A_206 : i32 to index
        %get3A_210 = tpu.vector_load %arg6[%get3A_208, %get3A_209] {strides = array<i32>} : memref<16x2048xi32, #tpu.memory_space<vmem>>, vector<16xi32>,
        %add3A_211 = arith.addi %add3A_204, %get3A_210 : vector<16xi32>
        %broadcast_in_dim3A_212 = arith.constant true
        %broadcast_in_dim3A_213 = vector.broadcast %broadcast_in_dim3A_212 : i1 to vector<16xi1>
        %masked_cumsum3A = tpu.scan <sum>, %add3A_211 masked %broadcast_in_dim3A_213 : vector<16xi32>, vector<16xi1> -> vector<16xi32>
        %add3A_214 = vector.broadcast %scan3A_99 : i32 to vector<16xi32>
        %add3A_215 = arith.addi %masked_cumsum3A, %add3A_214 : vector<16xi32>
        %le3A = vector.broadcast %sub3A_60 : i32 to vector<16xi32>
        %le3A_216 = arith.cmpi sle, %add3A_215, %le3A : vector<16xi32>
        %jit3A = arith.constant 1 : i32
        %jit3A_217 = arith.constant 0 : i32
        %broadcast_in_dim3A_218 = vector.broadcast %jit3A : i32 to vector<16xi32>
        %broadcast_in_dim3A_219 = vector.broadcast %jit3A_217 : i32 to vector<16xi32>
        %select_n3A = arith.select %le3A_216, %broadcast_in_dim3A_218, %broadcast_in_dim3A_219 : vector<16xi1>, vector<16xi32>
        %reduce_sum3A = arith.constant true
        %reduce_sum3A_220 = vector.broadcast %reduce_sum3A : i1 to vector<16xi1>
        %reduce_sum3A_221 = tpu.scan <sum>, %select_n3A masked %reduce_sum3A_220 : vector<16xi32>, vector<16xi1> -> vector<16xi32>
        %reduce_sum3A_222 = vector.extract %reduce_sum3A_221[15] : i32 from vector<16xi32>
        %add3A_223 = arith.addi %scan3A_100, %reduce_sum3A_222 : i32
        %jit3A_224 = arith.constant 0 : i32
        %broadcast_in_dim3A_225 = vector.broadcast %jit3A_224 : i32 to vector<16xi32>
        %select_n3A_226 = arith.select %le3A_216, %add3A_211, %broadcast_in_dim3A_225 : vector<16xi1>, vector<16xi32>
        %reduce_sum3A_227 = arith.constant true
        %reduce_sum3A_228 = vector.broadcast %reduce_sum3A_227 : i1 to vector<16xi1>
        %reduce_sum3A_229 = tpu.scan <sum>, %select_n3A_226 masked %reduce_sum3A_228 : vector<16xi32>, vector<16xi1> -> vector<16xi32>
        %reduce_sum3A_230 = vector.extract %reduce_sum3A_229[15] : i32 from vector<16xi32>
        %add3A_231 = arith.addi %scan3A_101, %reduce_sum3A_230 : i32
        %reduce_max3A = arith.constant true
        %reduce_max3A_232 = vector.broadcast %reduce_max3A : i1 to vector<16xi1>
        %reduce_max3A_233 = arith.constant -2147483648 : i32
        %reduce_max3A_234 = vector.broadcast %reduce_max3A_233 : i32 to vector<16xi32>
        %reduce_max3A_235 = arith.xori %add3A_215, %reduce_max3A_234 : vector<16xi32>
        %reduce_max3A_236 = tpu.scan <max>, %reduce_max3A_235 masked %reduce_max3A_232 : vector<16xi32>, vector<16xi1> -> vector<16xi32>
        %reduce_max3A_237 = arith.xori %reduce_max3A_236, %reduce_max3A_234 : vector<16xi32>
        %reduce_max3A_238 = vector.extract %reduce_max3A_237[15] : i32 from vector<16xi32>
        scf.yield %reduce_max3A_238, %add3A_223, %add3A_231 : i32, i32, i32
      }
      %scan3A_91 = arith.constant 128 : i32
      %sub3A_92 = arith.subi %sub3A_60, %scan3A_90#2 : i32
      %eq3A_93 = arith.constant 0 : i32
      %eq3A_94 = arith.cmpi eq, %arg1, %eq3A_93 : i32
      %convert_element_type3A_95 = arith.extui %eq3A_94 : i1 to i32
      %cond3A_96 = arith.constant 0 : i32
      %cond3A_97 = arith.cmpi ne, %convert_element_type3A_95, %cond3A_96 : i32
      scf.if %cond3A_97 {
        %mul3A_98 = arith.constant 1024 : i32
        %mul3A_99 = arith.muli %add3A, %mul3A_98 : i32
        %add3A_100 = arith.addi %mul3A_99, %scan3A_90#1 : i32
        %broadcast_in_dim3A_101 = vector.broadcast %add3A_100 : i32 to vector<16xi32>
        %swap3A = arith.constant 0 : index
        %swap3A_102 = tpu.vector_load %arg8[%swap3A] {strides = array<i32>} : memref<16xi32, #tpu.memory_space<vmem>>, vector<16xi32>,
        tpu.vector_store %arg8[%swap3A], %broadcast_in_dim3A_101 {strides = array<i32>} : memref<16xi32, #tpu.memory_space<vmem>>, vector<16xi32>,
        "tpu.region"() ({
          %run_scoped3A = tpu.sem_alloc : memref<!tpu.dma_semaphore, #tpu.memory_space<semaphore_mem>>
          tpu.enqueue_dma source(%arg8 : memref<16xi32, #tpu.memory_space<vmem>>) target(%arg3 : memref<16xi32, #tpu.memory_space<hbm>>) target_semaphore(%run_scoped3A : memref<!tpu.dma_semaphore, #tpu.memory_space<semaphore_mem>>)
          tpu.wait_dma2 semaphore(%run_scoped3A : memref<!tpu.dma_semaphore, #tpu.memory_space<semaphore_mem>>) src(%arg8 : memref<16xi32, #tpu.memory_space<vmem>>) dst(%arg3 : memref<16xi32, #tpu.memory_space<hbm>>)
          tpu.yield
        }) : () -> ()
      } else {
      }
    } else {
    }
    return
  }
}

module attributes {stable_mosaic.version = 14 : i64} {
  func.func @_loss_body(%arg0: i32, %arg1: memref<1x16xi32, #tpu.memory_space<smem>>, %arg2: memref<1x512x512xi32, #tpu.memory_space<vmem>>, %arg3: memref<1x512x512xf32, #tpu.memory_space<vmem>>, %arg4: memref<1x1xf32, #tpu.memory_space<smem>>, %arg5: memref<2xf32, #tpu.memory_space<smem>>) attributes {dimension_semantics = [#tpu.dimension_semantics<arbitrary>], iteration_bounds = array<i64: 8>, scalar_prefetch = 0 : i64, scratch_operands = 1 : i64, tpu.core_type = #tpu.core_type<tc>, window_params = [{transform_indices = @transform_0, window_bounds = array<i64: 1, 16>}, {transform_indices = @transform_1, window_bounds = array<i64: 1, 512, 512>}, {transform_indices = @transform_2, window_bounds = array<i64: 1, 512, 512>}, {transform_indices = @transform_3, window_bounds = array<i64: 1, 1>}]} {
    %eq3A = arith.constant 0 : i32
    %eq3A_0 = arith.cmpi eq, %arg0, %eq3A : i32
    %convert_element_type3A = arith.extui %eq3A_0 : i1 to i32
    %cond3A = arith.constant 0 : i32
    %cond3A_1 = arith.cmpi ne, %convert_element_type3A, %cond3A : i32
    scf.if %cond3A_1 {
      %swap3A_40 = arith.constant 0.000000e+00 : f32
      %swap3A_41 = arith.constant 0 : index
      %swap3A_42 = memref.load %arg5[%swap3A_41] : memref<2xf32, #tpu.memory_space<smem>>
      memref.store %swap3A_40, %arg5[%swap3A_41] : memref<2xf32, #tpu.memory_space<smem>>
      %swap3A_43 = arith.constant 0.000000e+00 : f32
      %swap3A_44 = arith.constant 1 : index
      %swap3A_45 = memref.load %arg5[%swap3A_44] : memref<2xf32, #tpu.memory_space<smem>>
      memref.store %swap3A_43, %arg5[%swap3A_44] : memref<2xf32, #tpu.memory_space<smem>>
    } else {
    }
    %get3A = arith.constant 0 : index
    %get3A_2 = arith.constant 0 : index
    %get3A_3 = memref.load %arg1[%get3A, %get3A_2] : memref<1x16xi32, #tpu.memory_space<smem>>
    %max3A = arith.constant 1060320051 : i32
    %max3A_4 = arith.maxsi %get3A_3, %max3A : i32
    %get3A_5 = arith.constant 0 : index
    %get3A_6 = arith.constant 0 : index
    %get3A_7 = arith.constant 0 : index
    %get3A_8 = vector.load %arg2[%get3A_5, %get3A_6, %get3A_7] : memref<1x512x512xi32, #tpu.memory_space<vmem>>, vector<1x512x512xi32>
    %get3A_9 = vector.shape_cast %get3A_8 : vector<1x512x512xi32> to vector<512x512xi32>
    %get3A_10 = arith.constant 0 : index
    %get3A_11 = arith.constant 0 : index
    %get3A_12 = arith.constant 0 : index
    %get3A_13 = vector.load %arg3[%get3A_10, %get3A_11, %get3A_12] : memref<1x512x512xf32, #tpu.memory_space<vmem>>, vector<1x512x512xf32>
    %get3A_14 = vector.shape_cast %get3A_13 : vector<1x512x512xf32> to vector<512x512xf32>
    %le3A = vector.broadcast %max3A_4 : i32 to vector<512x512xi32>
    %le3A_15 = arith.cmpi sle, %get3A_9, %le3A : vector<512x512xi32>
    %get3A_16 = arith.constant 0 : index
    %get3A_17 = memref.load %arg5[%get3A_16] : memref<2xf32, #tpu.memory_space<smem>>
    %jit3A = arith.constant 0.000000e+00 : f32
    %broadcast_in_dim3A = vector.broadcast %jit3A : f32 to vector<512x512xf32>
    %select_n3A = arith.select %le3A_15, %get3A_14, %broadcast_in_dim3A : vector<512x512xi1>, vector<512x512xf32>
    %reduce_sum3A = vector.shape_cast %select_n3A : vector<512x512xf32> to vector<1x512x512xf32>
    %reduce_sum3A_18 = arith.constant dense<0.000000e+00> : vector<1xf32>
    %reduce_sum3A_19 = vector.multi_reduction <add>, %reduce_sum3A, %reduce_sum3A_18 [1, 2] : vector<1x512x512xf32> to vector<1xf32>
    %reduce_sum3A_20 = vector.shape_cast %reduce_sum3A_19 : vector<1xf32> to vector<1x1x1xf32>
    %reduce_sum3A_21 = vector.extract %reduce_sum3A_20[0, 0, 0] : f32 from vector<1x1x1xf32>
    %add3A = arith.addf %get3A_17, %reduce_sum3A_21 : f32
    %swap3A = arith.constant 0 : index
    %swap3A_22 = memref.load %arg5[%swap3A] : memref<2xf32, #tpu.memory_space<smem>>
    memref.store %add3A, %arg5[%swap3A] : memref<2xf32, #tpu.memory_space<smem>>
    %get3A_23 = arith.constant 1 : index
    %get3A_24 = memref.load %arg5[%get3A_23] : memref<2xf32, #tpu.memory_space<smem>>
    %convert_element_type3A_25 = arith.extui %le3A_15 : vector<512x512xi1> to vector<512x512xi32>
    %convert_element_type3A_26 = arith.sitofp %convert_element_type3A_25 : vector<512x512xi32> to vector<512x512xf32>
    %reduce_sum3A_27 = vector.shape_cast %convert_element_type3A_26 : vector<512x512xf32> to vector<1x512x512xf32>
    %reduce_sum3A_28 = arith.constant dense<0.000000e+00> : vector<1xf32>
    %reduce_sum3A_29 = vector.multi_reduction <add>, %reduce_sum3A_27, %reduce_sum3A_28 [1, 2] : vector<1x512x512xf32> to vector<1xf32>
    %reduce_sum3A_30 = vector.shape_cast %reduce_sum3A_29 : vector<1xf32> to vector<1x1x1xf32>
    %reduce_sum3A_31 = vector.extract %reduce_sum3A_30[0, 0, 0] : f32 from vector<1x1x1xf32>
    %add3A_32 = arith.addf %get3A_24, %reduce_sum3A_31 : f32
    %swap3A_33 = arith.constant 1 : index
    %swap3A_34 = memref.load %arg5[%swap3A_33] : memref<2xf32, #tpu.memory_space<smem>>
    memref.store %add3A_32, %arg5[%swap3A_33] : memref<2xf32, #tpu.memory_space<smem>>
    %eq3A_35 = arith.constant 7 : i32
    %eq3A_36 = arith.cmpi eq, %arg0, %eq3A_35 : i32
    %convert_element_type3A_37 = arith.extui %eq3A_36 : i1 to i32
    %cond3A_38 = arith.constant 0 : i32
    %cond3A_39 = arith.cmpi ne, %convert_element_type3A_37, %cond3A_38 : i32
    scf.if %cond3A_39 {
      %get3A_40 = arith.constant 0 : index
      %get3A_41 = memref.load %arg5[%get3A_40] : memref<2xf32, #tpu.memory_space<smem>>
      %get3A_42 = arith.constant 1 : index
      %get3A_43 = memref.load %arg5[%get3A_42] : memref<2xf32, #tpu.memory_space<smem>>
      %max3A_44 = arith.constant 1.000000e+00 : f32
      %max3A_45 = arith.maximumf %get3A_43, %max3A_44 : f32
      %div3A = arith.divf %get3A_41, %max3A_45 : f32
      %swap3A_46 = arith.constant 0 : index
      %swap3A_47 = arith.constant 0 : index
      %swap3A_48 = memref.load %arg4[%swap3A_46, %swap3A_47] : memref<1x1xf32, #tpu.memory_space<smem>>
      memref.store %div3A, %arg4[%swap3A_46, %swap3A_47] : memref<1x1xf32, #tpu.memory_space<smem>>
    } else {
    }
    return
  }
  func.func @transform_0(%arg0: i32) -> (i32, i32) {
    %c0_i32 = arith.constant 0 : i32
    %c0_i32_0 = arith.constant 0 : i32
    %c0_i32_1 = arith.constant 0 : i32
    return %c0_i32, %c0_i32_0 : i32, i32
  }
  func.func @transform_1(%arg0: i32) -> (i32, i32, i32) {
    %c0_i32 = arith.constant 0 : i32
    %c0_i32_0 = arith.constant 0 : i32
    %c0_i32_1 = arith.constant 0 : i32
    return %arg0, %c0_i32, %c0_i32_0 : i32, i32, i32
  }
  func.func @transform_2(%arg0: i32) -> (i32, i32, i32) {
    %c0_i32 = arith.constant 0 : i32
    %c0_i32_0 = arith.constant 0 : i32
    %c0_i32_1 = arith.constant 0 : i32
    return %arg0, %c0_i32, %c0_i32_0 : i32, i32, i32
  }
  func.func @transform_3(%arg0: i32) -> (i32, i32) {
    %c0_i32 = arith.constant 0 : i32
    %c0_i32_0 = arith.constant 0 : i32
    %c0_i32_1 = arith.constant 0 : i32
    return %c0_i32, %c0_i32_0 : i32, i32
  }
}

module attributes {stable_mosaic.version = 14 : i64} {
  func.func @_nll_pick_body(%arg0: i32, %arg1: i32, %arg2: memref<1x19x64x512xf32, #tpu.memory_space<vmem>>, %arg3: memref<1x64x512xi32, #tpu.memory_space<vmem>>, %arg4: memref<1x64x512xi32, #tpu.memory_space<vmem>>, %arg5: memref<1x64x512xf32, #tpu.memory_space<vmem>>, %arg6: memref<1x1xi32, #tpu.memory_space<smem>>, %arg7: memref<1xi32, #tpu.memory_space<smem>>) attributes {dimension_semantics = [#tpu.dimension_semantics<arbitrary>, #tpu.dimension_semantics<arbitrary>], iteration_bounds = array<i64: 8, 8>, scalar_prefetch = 0 : i64, scratch_operands = 1 : i64, tpu.core_type = #tpu.core_type<tc>, window_params = [{transform_indices = @transform_0, window_bounds = array<i64: 1, 19, 64, 512>}, {transform_indices = @transform_1, window_bounds = array<i64: 1, 64, 512>}, {transform_indices = @transform_2, window_bounds = array<i64: 1, 64, 512>}, {transform_indices = @transform_3, window_bounds = array<i64: 1, 64, 512>}, {transform_indices = @transform_4, window_bounds = array<i64: 1, 1>}]} {
    %mul3A = arith.constant 8 : i32
    %mul3A_0 = arith.muli %arg0, %mul3A : i32
    %add3A = arith.addi %mul3A_0, %arg1 : i32
    %eq3A = arith.constant 0 : i32
    %eq3A_1 = arith.cmpi eq, %add3A, %eq3A : i32
    %convert_element_type3A = arith.extui %eq3A_1 : i1 to i32
    %cond3A = arith.constant 0 : i32
    %cond3A_2 = arith.cmpi ne, %convert_element_type3A, %cond3A : i32
    scf.if %cond3A_2 {
      %swap3A_482 = arith.constant 0 : i32
      %swap3A_483 = arith.constant 0 : index
      %swap3A_484 = memref.load %arg7[%swap3A_483] : memref<1xi32, #tpu.memory_space<smem>>
      memref.store %swap3A_482, %arg7[%swap3A_483] : memref<1xi32, #tpu.memory_space<smem>>
    } else {
    }
    %get3A = arith.constant 0 : index
    %get3A_3 = arith.constant 0 : index
    %get3A_4 = arith.constant 0 : index
    %get3A_5 = vector.load %arg3[%get3A, %get3A_3, %get3A_4] : memref<1x64x512xi32, #tpu.memory_space<vmem>>, vector<1x64x512xi32>
    %get3A_6 = vector.shape_cast %get3A_5 : vector<1x64x512xi32> to vector<64x512xi32>
    %eq3A_7 = arith.constant 255 : i32
    %eq3A_8 = vector.broadcast %eq3A_7 : i32 to vector<64x512xi32>
    %eq3A_9 = arith.cmpi eq, %get3A_6, %eq3A_8 : vector<64x512xi32>
    %jit3A = arith.constant 0 : i32
    %broadcast_in_dim3A = vector.broadcast %jit3A : i32 to vector<64x512xi32>
    %select_n3A = arith.select %eq3A_9, %broadcast_in_dim3A, %get3A_6 : vector<64x512xi1>, vector<64x512xi32>
    %get3A_10 = arith.constant 0 : index
    %get3A_11 = arith.constant 0 : index
    %get3A_12 = arith.constant 0 : index
    %get3A_13 = arith.constant 0 : index
    %get3A_14 = vector.load %arg2[%get3A_10, %get3A_11, %get3A_12, %get3A_13] : memref<1x19x64x512xf32, #tpu.memory_space<vmem>>, vector<1x1x64x512xf32>
    %get3A_15 = vector.shape_cast %get3A_14 : vector<1x1x64x512xf32> to vector<64x512xf32>
    %get3A_16 = arith.constant 0 : index
    %get3A_17 = arith.constant 1 : index
    %get3A_18 = arith.constant 0 : index
    %get3A_19 = arith.constant 0 : index
    %get3A_20 = vector.load %arg2[%get3A_16, %get3A_17, %get3A_18, %get3A_19] : memref<1x19x64x512xf32, #tpu.memory_space<vmem>>, vector<1x1x64x512xf32>
    %get3A_21 = vector.shape_cast %get3A_20 : vector<1x1x64x512xf32> to vector<64x512xf32>
    %max3A = arith.maximumf %get3A_15, %get3A_21 : vector<64x512xf32>
    %get3A_22 = arith.constant 0 : index
    %get3A_23 = arith.constant 2 : index
    %get3A_24 = arith.constant 0 : index
    %get3A_25 = arith.constant 0 : index
    %get3A_26 = vector.load %arg2[%get3A_22, %get3A_23, %get3A_24, %get3A_25] : memref<1x19x64x512xf32, #tpu.memory_space<vmem>>, vector<1x1x64x512xf32>
    %get3A_27 = vector.shape_cast %get3A_26 : vector<1x1x64x512xf32> to vector<64x512xf32>
    %max3A_28 = arith.maximumf %max3A, %get3A_27 : vector<64x512xf32>
    %get3A_29 = arith.constant 0 : index
    %get3A_30 = arith.constant 3 : index
    %get3A_31 = arith.constant 0 : index
    %get3A_32 = arith.constant 0 : index
    %get3A_33 = vector.load %arg2[%get3A_29, %get3A_30, %get3A_31, %get3A_32] : memref<1x19x64x512xf32, #tpu.memory_space<vmem>>, vector<1x1x64x512xf32>
    %get3A_34 = vector.shape_cast %get3A_33 : vector<1x1x64x512xf32> to vector<64x512xf32>
    %max3A_35 = arith.maximumf %max3A_28, %get3A_34 : vector<64x512xf32>
    %get3A_36 = arith.constant 0 : index
    %get3A_37 = arith.constant 4 : index
    %get3A_38 = arith.constant 0 : index
    %get3A_39 = arith.constant 0 : index
    %get3A_40 = vector.load %arg2[%get3A_36, %get3A_37, %get3A_38, %get3A_39] : memref<1x19x64x512xf32, #tpu.memory_space<vmem>>, vector<1x1x64x512xf32>
    %get3A_41 = vector.shape_cast %get3A_40 : vector<1x1x64x512xf32> to vector<64x512xf32>
    %max3A_42 = arith.maximumf %max3A_35, %get3A_41 : vector<64x512xf32>
    %get3A_43 = arith.constant 0 : index
    %get3A_44 = arith.constant 5 : index
    %get3A_45 = arith.constant 0 : index
    %get3A_46 = arith.constant 0 : index
    %get3A_47 = vector.load %arg2[%get3A_43, %get3A_44, %get3A_45, %get3A_46] : memref<1x19x64x512xf32, #tpu.memory_space<vmem>>, vector<1x1x64x512xf32>
    %get3A_48 = vector.shape_cast %get3A_47 : vector<1x1x64x512xf32> to vector<64x512xf32>
    %max3A_49 = arith.maximumf %max3A_42, %get3A_48 : vector<64x512xf32>
    %get3A_50 = arith.constant 0 : index
    %get3A_51 = arith.constant 6 : index
    %get3A_52 = arith.constant 0 : index
    %get3A_53 = arith.constant 0 : index
    %get3A_54 = vector.load %arg2[%get3A_50, %get3A_51, %get3A_52, %get3A_53] : memref<1x19x64x512xf32, #tpu.memory_space<vmem>>, vector<1x1x64x512xf32>
    %get3A_55 = vector.shape_cast %get3A_54 : vector<1x1x64x512xf32> to vector<64x512xf32>
    %max3A_56 = arith.maximumf %max3A_49, %get3A_55 : vector<64x512xf32>
    %get3A_57 = arith.constant 0 : index
    %get3A_58 = arith.constant 7 : index
    %get3A_59 = arith.constant 0 : index
    %get3A_60 = arith.constant 0 : index
    %get3A_61 = vector.load %arg2[%get3A_57, %get3A_58, %get3A_59, %get3A_60] : memref<1x19x64x512xf32, #tpu.memory_space<vmem>>, vector<1x1x64x512xf32>
    %get3A_62 = vector.shape_cast %get3A_61 : vector<1x1x64x512xf32> to vector<64x512xf32>
    %max3A_63 = arith.maximumf %max3A_56, %get3A_62 : vector<64x512xf32>
    %get3A_64 = arith.constant 0 : index
    %get3A_65 = arith.constant 8 : index
    %get3A_66 = arith.constant 0 : index
    %get3A_67 = arith.constant 0 : index
    %get3A_68 = vector.load %arg2[%get3A_64, %get3A_65, %get3A_66, %get3A_67] : memref<1x19x64x512xf32, #tpu.memory_space<vmem>>, vector<1x1x64x512xf32>
    %get3A_69 = vector.shape_cast %get3A_68 : vector<1x1x64x512xf32> to vector<64x512xf32>
    %max3A_70 = arith.maximumf %max3A_63, %get3A_69 : vector<64x512xf32>
    %get3A_71 = arith.constant 0 : index
    %get3A_72 = arith.constant 9 : index
    %get3A_73 = arith.constant 0 : index
    %get3A_74 = arith.constant 0 : index
    %get3A_75 = vector.load %arg2[%get3A_71, %get3A_72, %get3A_73, %get3A_74] : memref<1x19x64x512xf32, #tpu.memory_space<vmem>>, vector<1x1x64x512xf32>
    %get3A_76 = vector.shape_cast %get3A_75 : vector<1x1x64x512xf32> to vector<64x512xf32>
    %max3A_77 = arith.maximumf %max3A_70, %get3A_76 : vector<64x512xf32>
    %get3A_78 = arith.constant 0 : index
    %get3A_79 = arith.constant 10 : index
    %get3A_80 = arith.constant 0 : index
    %get3A_81 = arith.constant 0 : index
    %get3A_82 = vector.load %arg2[%get3A_78, %get3A_79, %get3A_80, %get3A_81] : memref<1x19x64x512xf32, #tpu.memory_space<vmem>>, vector<1x1x64x512xf32>
    %get3A_83 = vector.shape_cast %get3A_82 : vector<1x1x64x512xf32> to vector<64x512xf32>
    %max3A_84 = arith.maximumf %max3A_77, %get3A_83 : vector<64x512xf32>
    %get3A_85 = arith.constant 0 : index
    %get3A_86 = arith.constant 11 : index
    %get3A_87 = arith.constant 0 : index
    %get3A_88 = arith.constant 0 : index
    %get3A_89 = vector.load %arg2[%get3A_85, %get3A_86, %get3A_87, %get3A_88] : memref<1x19x64x512xf32, #tpu.memory_space<vmem>>, vector<1x1x64x512xf32>
    %get3A_90 = vector.shape_cast %get3A_89 : vector<1x1x64x512xf32> to vector<64x512xf32>
    %max3A_91 = arith.maximumf %max3A_84, %get3A_90 : vector<64x512xf32>
    %get3A_92 = arith.constant 0 : index
    %get3A_93 = arith.constant 12 : index
    %get3A_94 = arith.constant 0 : index
    %get3A_95 = arith.constant 0 : index
    %get3A_96 = vector.load %arg2[%get3A_92, %get3A_93, %get3A_94, %get3A_95] : memref<1x19x64x512xf32, #tpu.memory_space<vmem>>, vector<1x1x64x512xf32>
    %get3A_97 = vector.shape_cast %get3A_96 : vector<1x1x64x512xf32> to vector<64x512xf32>
    %max3A_98 = arith.maximumf %max3A_91, %get3A_97 : vector<64x512xf32>
    %get3A_99 = arith.constant 0 : index
    %get3A_100 = arith.constant 13 : index
    %get3A_101 = arith.constant 0 : index
    %get3A_102 = arith.constant 0 : index
    %get3A_103 = vector.load %arg2[%get3A_99, %get3A_100, %get3A_101, %get3A_102] : memref<1x19x64x512xf32, #tpu.memory_space<vmem>>, vector<1x1x64x512xf32>
    %get3A_104 = vector.shape_cast %get3A_103 : vector<1x1x64x512xf32> to vector<64x512xf32>
    %max3A_105 = arith.maximumf %max3A_98, %get3A_104 : vector<64x512xf32>
    %get3A_106 = arith.constant 0 : index
    %get3A_107 = arith.constant 14 : index
    %get3A_108 = arith.constant 0 : index
    %get3A_109 = arith.constant 0 : index
    %get3A_110 = vector.load %arg2[%get3A_106, %get3A_107, %get3A_108, %get3A_109] : memref<1x19x64x512xf32, #tpu.memory_space<vmem>>, vector<1x1x64x512xf32>
    %get3A_111 = vector.shape_cast %get3A_110 : vector<1x1x64x512xf32> to vector<64x512xf32>
    %max3A_112 = arith.maximumf %max3A_105, %get3A_111 : vector<64x512xf32>
    %get3A_113 = arith.constant 0 : index
    %get3A_114 = arith.constant 15 : index
    %get3A_115 = arith.constant 0 : index
    %get3A_116 = arith.constant 0 : index
    %get3A_117 = vector.load %arg2[%get3A_113, %get3A_114, %get3A_115, %get3A_116] : memref<1x19x64x512xf32, #tpu.memory_space<vmem>>, vector<1x1x64x512xf32>
    %get3A_118 = vector.shape_cast %get3A_117 : vector<1x1x64x512xf32> to vector<64x512xf32>
    %max3A_119 = arith.maximumf %max3A_112, %get3A_118 : vector<64x512xf32>
    %get3A_120 = arith.constant 0 : index
    %get3A_121 = arith.constant 16 : index
    %get3A_122 = arith.constant 0 : index
    %get3A_123 = arith.constant 0 : index
    %get3A_124 = vector.load %arg2[%get3A_120, %get3A_121, %get3A_122, %get3A_123] : memref<1x19x64x512xf32, #tpu.memory_space<vmem>>, vector<1x1x64x512xf32>
    %get3A_125 = vector.shape_cast %get3A_124 : vector<1x1x64x512xf32> to vector<64x512xf32>
    %max3A_126 = arith.maximumf %max3A_119, %get3A_125 : vector<64x512xf32>
    %get3A_127 = arith.constant 0 : index
    %get3A_128 = arith.constant 17 : index
    %get3A_129 = arith.constant 0 : index
    %get3A_130 = arith.constant 0 : index
    %get3A_131 = vector.load %arg2[%get3A_127, %get3A_128, %get3A_129, %get3A_130] : memref<1x19x64x512xf32, #tpu.memory_space<vmem>>, vector<1x1x64x512xf32>
    %get3A_132 = vector.shape_cast %get3A_131 : vector<1x1x64x512xf32> to vector<64x512xf32>
    %max3A_133 = arith.maximumf %max3A_126, %get3A_132 : vector<64x512xf32>
    %get3A_134 = arith.constant 0 : index
    %get3A_135 = arith.constant 18 : index
    %get3A_136 = arith.constant 0 : index
    %get3A_137 = arith.constant 0 : index
    %get3A_138 = vector.load %arg2[%get3A_134, %get3A_135, %get3A_136, %get3A_137] : memref<1x19x64x512xf32, #tpu.memory_space<vmem>>, vector<1x1x64x512xf32>
    %get3A_139 = vector.shape_cast %get3A_138 : vector<1x1x64x512xf32> to vector<64x512xf32>
    %max3A_140 = arith.maximumf %max3A_133, %get3A_139 : vector<64x512xf32>
    %broadcast_in_dim3A_141 = arith.constant 0.000000e+00 : f32
    %broadcast_in_dim3A_142 = vector.broadcast %broadcast_in_dim3A_141 : f32 to vector<64x512xf32>
    %broadcast_in_dim3A_143 = arith.constant 0.000000e+00 : f32
    %broadcast_in_dim3A_144 = vector.broadcast %broadcast_in_dim3A_143 : f32 to vector<64x512xf32>
    %get3A_145 = arith.constant 0 : index
    %get3A_146 = arith.constant 0 : index
    %get3A_147 = arith.constant 0 : index
    %get3A_148 = arith.constant 0 : index
    %get3A_149 = vector.load %arg2[%get3A_145, %get3A_146, %get3A_147, %get3A_148] : memref<1x19x64x512xf32, #tpu.memory_space<vmem>>, vector<1x1x64x512xf32>
    %get3A_150 = vector.shape_cast %get3A_149 : vector<1x1x64x512xf32> to vector<64x512xf32>
    %sub3A = arith.subf %get3A_150, %max3A_140 : vector<64x512xf32>
    %exp3A = math.exp %sub3A : vector<64x512xf32>
    %add3A_151 = arith.addf %broadcast_in_dim3A_142, %exp3A : vector<64x512xf32>
    %eq3A_152 = arith.constant 0 : i32
    %eq3A_153 = vector.broadcast %eq3A_152 : i32 to vector<64x512xi32>
    %eq3A_154 = arith.cmpi eq, %select_n3A, %eq3A_153 : vector<64x512xi32>
    %jit3A_155 = arith.constant 0.000000e+00 : f32
    %broadcast_in_dim3A_156 = vector.broadcast %jit3A_155 : f32 to vector<64x512xf32>
    %select_n3A_157 = arith.select %eq3A_154, %get3A_150, %broadcast_in_dim3A_156 : vector<64x512xi1>, vector<64x512xf32>
    %add3A_158 = arith.addf %broadcast_in_dim3A_144, %select_n3A_157 : vector<64x512xf32>
    %get3A_159 = arith.constant 0 : index
    %get3A_160 = arith.constant 1 : index
    %get3A_161 = arith.constant 0 : index
    %get3A_162 = arith.constant 0 : index
    %get3A_163 = vector.load %arg2[%get3A_159, %get3A_160, %get3A_161, %get3A_162] : memref<1x19x64x512xf32, #tpu.memory_space<vmem>>, vector<1x1x64x512xf32>
    %get3A_164 = vector.shape_cast %get3A_163 : vector<1x1x64x512xf32> to vector<64x512xf32>
    %sub3A_165 = arith.subf %get3A_164, %max3A_140 : vector<64x512xf32>
    %exp3A_166 = math.exp %sub3A_165 : vector<64x512xf32>
    %add3A_167 = arith.addf %add3A_151, %exp3A_166 : vector<64x512xf32>
    %eq3A_168 = arith.constant 1 : i32
    %eq3A_169 = vector.broadcast %eq3A_168 : i32 to vector<64x512xi32>
    %eq3A_170 = arith.cmpi eq, %select_n3A, %eq3A_169 : vector<64x512xi32>
    %jit3A_171 = arith.constant 0.000000e+00 : f32
    %broadcast_in_dim3A_172 = vector.broadcast %jit3A_171 : f32 to vector<64x512xf32>
    %select_n3A_173 = arith.select %eq3A_170, %get3A_164, %broadcast_in_dim3A_172 : vector<64x512xi1>, vector<64x512xf32>
    %add3A_174 = arith.addf %add3A_158, %select_n3A_173 : vector<64x512xf32>
    %get3A_175 = arith.constant 0 : index
    %get3A_176 = arith.constant 2 : index
    %get3A_177 = arith.constant 0 : index
    %get3A_178 = arith.constant 0 : index
    %get3A_179 = vector.load %arg2[%get3A_175, %get3A_176, %get3A_177, %get3A_178] : memref<1x19x64x512xf32, #tpu.memory_space<vmem>>, vector<1x1x64x512xf32>
    %get3A_180 = vector.shape_cast %get3A_179 : vector<1x1x64x512xf32> to vector<64x512xf32>
    %sub3A_181 = arith.subf %get3A_180, %max3A_140 : vector<64x512xf32>
    %exp3A_182 = math.exp %sub3A_181 : vector<64x512xf32>
    %add3A_183 = arith.addf %add3A_167, %exp3A_182 : vector<64x512xf32>
    %eq3A_184 = arith.constant 2 : i32
    %eq3A_185 = vector.broadcast %eq3A_184 : i32 to vector<64x512xi32>
    %eq3A_186 = arith.cmpi eq, %select_n3A, %eq3A_185 : vector<64x512xi32>
    %jit3A_187 = arith.constant 0.000000e+00 : f32
    %broadcast_in_dim3A_188 = vector.broadcast %jit3A_187 : f32 to vector<64x512xf32>
    %select_n3A_189 = arith.select %eq3A_186, %get3A_180, %broadcast_in_dim3A_188 : vector<64x512xi1>, vector<64x512xf32>
    %add3A_190 = arith.addf %add3A_174, %select_n3A_189 : vector<64x512xf32>
    %get3A_191 = arith.constant 0 : index
    %get3A_192 = arith.constant 3 : index
    %get3A_193 = arith.constant 0 : index
    %get3A_194 = arith.constant 0 : index
    %get3A_195 = vector.load %arg2[%get3A_191, %get3A_192, %get3A_193, %get3A_194] : memref<1x19x64x512xf32, #tpu.memory_space<vmem>>, vector<1x1x64x512xf32>
    %get3A_196 = vector.shape_cast %get3A_195 : vector<1x1x64x512xf32> to vector<64x512xf32>
    %sub3A_197 = arith.subf %get3A_196, %max3A_140 : vector<64x512xf32>
    %exp3A_198 = math.exp %sub3A_197 : vector<64x512xf32>
    %add3A_199 = arith.addf %add3A_183, %exp3A_198 : vector<64x512xf32>
    %eq3A_200 = arith.constant 3 : i32
    %eq3A_201 = vector.broadcast %eq3A_200 : i32 to vector<64x512xi32>
    %eq3A_202 = arith.cmpi eq, %select_n3A, %eq3A_201 : vector<64x512xi32>
    %jit3A_203 = arith.constant 0.000000e+00 : f32
    %broadcast_in_dim3A_204 = vector.broadcast %jit3A_203 : f32 to vector<64x512xf32>
    %select_n3A_205 = arith.select %eq3A_202, %get3A_196, %broadcast_in_dim3A_204 : vector<64x512xi1>, vector<64x512xf32>
    %add3A_206 = arith.addf %add3A_190, %select_n3A_205 : vector<64x512xf32>
    %get3A_207 = arith.constant 0 : index
    %get3A_208 = arith.constant 4 : index
    %get3A_209 = arith.constant 0 : index
    %get3A_210 = arith.constant 0 : index
    %get3A_211 = vector.load %arg2[%get3A_207, %get3A_208, %get3A_209, %get3A_210] : memref<1x19x64x512xf32, #tpu.memory_space<vmem>>, vector<1x1x64x512xf32>
    %get3A_212 = vector.shape_cast %get3A_211 : vector<1x1x64x512xf32> to vector<64x512xf32>
    %sub3A_213 = arith.subf %get3A_212, %max3A_140 : vector<64x512xf32>
    %exp3A_214 = math.exp %sub3A_213 : vector<64x512xf32>
    %add3A_215 = arith.addf %add3A_199, %exp3A_214 : vector<64x512xf32>
    %eq3A_216 = arith.constant 4 : i32
    %eq3A_217 = vector.broadcast %eq3A_216 : i32 to vector<64x512xi32>
    %eq3A_218 = arith.cmpi eq, %select_n3A, %eq3A_217 : vector<64x512xi32>
    %jit3A_219 = arith.constant 0.000000e+00 : f32
    %broadcast_in_dim3A_220 = vector.broadcast %jit3A_219 : f32 to vector<64x512xf32>
    %select_n3A_221 = arith.select %eq3A_218, %get3A_212, %broadcast_in_dim3A_220 : vector<64x512xi1>, vector<64x512xf32>
    %add3A_222 = arith.addf %add3A_206, %select_n3A_221 : vector<64x512xf32>
    %get3A_223 = arith.constant 0 : index
    %get3A_224 = arith.constant 5 : index
    %get3A_225 = arith.constant 0 : index
    %get3A_226 = arith.constant 0 : index
    %get3A_227 = vector.load %arg2[%get3A_223, %get3A_224, %get3A_225, %get3A_226] : memref<1x19x64x512xf32, #tpu.memory_space<vmem>>, vector<1x1x64x512xf32>
    %get3A_228 = vector.shape_cast %get3A_227 : vector<1x1x64x512xf32> to vector<64x512xf32>
    %sub3A_229 = arith.subf %get3A_228, %max3A_140 : vector<64x512xf32>
    %exp3A_230 = math.exp %sub3A_229 : vector<64x512xf32>
    %add3A_231 = arith.addf %add3A_215, %exp3A_230 : vector<64x512xf32>
    %eq3A_232 = arith.constant 5 : i32
    %eq3A_233 = vector.broadcast %eq3A_232 : i32 to vector<64x512xi32>
    %eq3A_234 = arith.cmpi eq, %select_n3A, %eq3A_233 : vector<64x512xi32>
    %jit3A_235 = arith.constant 0.000000e+00 : f32
    %broadcast_in_dim3A_236 = vector.broadcast %jit3A_235 : f32 to vector<64x512xf32>
    %select_n3A_237 = arith.select %eq3A_234, %get3A_228, %broadcast_in_dim3A_236 : vector<64x512xi1>, vector<64x512xf32>
    %add3A_238 = arith.addf %add3A_222, %select_n3A_237 : vector<64x512xf32>
    %get3A_239 = arith.constant 0 : index
    %get3A_240 = arith.constant 6 : index
    %get3A_241 = arith.constant 0 : index
    %get3A_242 = arith.constant 0 : index
    %get3A_243 = vector.load %arg2[%get3A_239, %get3A_240, %get3A_241, %get3A_242] : memref<1x19x64x512xf32, #tpu.memory_space<vmem>>, vector<1x1x64x512xf32>
    %get3A_244 = vector.shape_cast %get3A_243 : vector<1x1x64x512xf32> to vector<64x512xf32>
    %sub3A_245 = arith.subf %get3A_244, %max3A_140 : vector<64x512xf32>
    %exp3A_246 = math.exp %sub3A_245 : vector<64x512xf32>
    %add3A_247 = arith.addf %add3A_231, %exp3A_246 : vector<64x512xf32>
    %eq3A_248 = arith.constant 6 : i32
    %eq3A_249 = vector.broadcast %eq3A_248 : i32 to vector<64x512xi32>
    %eq3A_250 = arith.cmpi eq, %select_n3A, %eq3A_249 : vector<64x512xi32>
    %jit3A_251 = arith.constant 0.000000e+00 : f32
    %broadcast_in_dim3A_252 = vector.broadcast %jit3A_251 : f32 to vector<64x512xf32>
    %select_n3A_253 = arith.select %eq3A_250, %get3A_244, %broadcast_in_dim3A_252 : vector<64x512xi1>, vector<64x512xf32>
    %add3A_254 = arith.addf %add3A_238, %select_n3A_253 : vector<64x512xf32>
    %get3A_255 = arith.constant 0 : index
    %get3A_256 = arith.constant 7 : index
    %get3A_257 = arith.constant 0 : index
    %get3A_258 = arith.constant 0 : index
    %get3A_259 = vector.load %arg2[%get3A_255, %get3A_256, %get3A_257, %get3A_258] : memref<1x19x64x512xf32, #tpu.memory_space<vmem>>, vector<1x1x64x512xf32>
    %get3A_260 = vector.shape_cast %get3A_259 : vector<1x1x64x512xf32> to vector<64x512xf32>
    %sub3A_261 = arith.subf %get3A_260, %max3A_140 : vector<64x512xf32>
    %exp3A_262 = math.exp %sub3A_261 : vector<64x512xf32>
    %add3A_263 = arith.addf %add3A_247, %exp3A_262 : vector<64x512xf32>
    %eq3A_264 = arith.constant 7 : i32
    %eq3A_265 = vector.broadcast %eq3A_264 : i32 to vector<64x512xi32>
    %eq3A_266 = arith.cmpi eq, %select_n3A, %eq3A_265 : vector<64x512xi32>
    %jit3A_267 = arith.constant 0.000000e+00 : f32
    %broadcast_in_dim3A_268 = vector.broadcast %jit3A_267 : f32 to vector<64x512xf32>
    %select_n3A_269 = arith.select %eq3A_266, %get3A_260, %broadcast_in_dim3A_268 : vector<64x512xi1>, vector<64x512xf32>
    %add3A_270 = arith.addf %add3A_254, %select_n3A_269 : vector<64x512xf32>
    %get3A_271 = arith.constant 0 : index
    %get3A_272 = arith.constant 8 : index
    %get3A_273 = arith.constant 0 : index
    %get3A_274 = arith.constant 0 : index
    %get3A_275 = vector.load %arg2[%get3A_271, %get3A_272, %get3A_273, %get3A_274] : memref<1x19x64x512xf32, #tpu.memory_space<vmem>>, vector<1x1x64x512xf32>
    %get3A_276 = vector.shape_cast %get3A_275 : vector<1x1x64x512xf32> to vector<64x512xf32>
    %sub3A_277 = arith.subf %get3A_276, %max3A_140 : vector<64x512xf32>
    %exp3A_278 = math.exp %sub3A_277 : vector<64x512xf32>
    %add3A_279 = arith.addf %add3A_263, %exp3A_278 : vector<64x512xf32>
    %eq3A_280 = arith.constant 8 : i32
    %eq3A_281 = vector.broadcast %eq3A_280 : i32 to vector<64x512xi32>
    %eq3A_282 = arith.cmpi eq, %select_n3A, %eq3A_281 : vector<64x512xi32>
    %jit3A_283 = arith.constant 0.000000e+00 : f32
    %broadcast_in_dim3A_284 = vector.broadcast %jit3A_283 : f32 to vector<64x512xf32>
    %select_n3A_285 = arith.select %eq3A_282, %get3A_276, %broadcast_in_dim3A_284 : vector<64x512xi1>, vector<64x512xf32>
    %add3A_286 = arith.addf %add3A_270, %select_n3A_285 : vector<64x512xf32>
    %get3A_287 = arith.constant 0 : index
    %get3A_288 = arith.constant 9 : index
    %get3A_289 = arith.constant 0 : index
    %get3A_290 = arith.constant 0 : index
    %get3A_291 = vector.load %arg2[%get3A_287, %get3A_288, %get3A_289, %get3A_290] : memref<1x19x64x512xf32, #tpu.memory_space<vmem>>, vector<1x1x64x512xf32>
    %get3A_292 = vector.shape_cast %get3A_291 : vector<1x1x64x512xf32> to vector<64x512xf32>
    %sub3A_293 = arith.subf %get3A_292, %max3A_140 : vector<64x512xf32>
    %exp3A_294 = math.exp %sub3A_293 : vector<64x512xf32>
    %add3A_295 = arith.addf %add3A_279, %exp3A_294 : vector<64x512xf32>
    %eq3A_296 = arith.constant 9 : i32
    %eq3A_297 = vector.broadcast %eq3A_296 : i32 to vector<64x512xi32>
    %eq3A_298 = arith.cmpi eq, %select_n3A, %eq3A_297 : vector<64x512xi32>
    %jit3A_299 = arith.constant 0.000000e+00 : f32
    %broadcast_in_dim3A_300 = vector.broadcast %jit3A_299 : f32 to vector<64x512xf32>
    %select_n3A_301 = arith.select %eq3A_298, %get3A_292, %broadcast_in_dim3A_300 : vector<64x512xi1>, vector<64x512xf32>
    %add3A_302 = arith.addf %add3A_286, %select_n3A_301 : vector<64x512xf32>
    %get3A_303 = arith.constant 0 : index
    %get3A_304 = arith.constant 10 : index
    %get3A_305 = arith.constant 0 : index
    %get3A_306 = arith.constant 0 : index
    %get3A_307 = vector.load %arg2[%get3A_303, %get3A_304, %get3A_305, %get3A_306] : memref<1x19x64x512xf32, #tpu.memory_space<vmem>>, vector<1x1x64x512xf32>
    %get3A_308 = vector.shape_cast %get3A_307 : vector<1x1x64x512xf32> to vector<64x512xf32>
    %sub3A_309 = arith.subf %get3A_308, %max3A_140 : vector<64x512xf32>
    %exp3A_310 = math.exp %sub3A_309 : vector<64x512xf32>
    %add3A_311 = arith.addf %add3A_295, %exp3A_310 : vector<64x512xf32>
    %eq3A_312 = arith.constant 10 : i32
    %eq3A_313 = vector.broadcast %eq3A_312 : i32 to vector<64x512xi32>
    %eq3A_314 = arith.cmpi eq, %select_n3A, %eq3A_313 : vector<64x512xi32>
    %jit3A_315 = arith.constant 0.000000e+00 : f32
    %broadcast_in_dim3A_316 = vector.broadcast %jit3A_315 : f32 to vector<64x512xf32>
    %select_n3A_317 = arith.select %eq3A_314, %get3A_308, %broadcast_in_dim3A_316 : vector<64x512xi1>, vector<64x512xf32>
    %add3A_318 = arith.addf %add3A_302, %select_n3A_317 : vector<64x512xf32>
    %get3A_319 = arith.constant 0 : index
    %get3A_320 = arith.constant 11 : index
    %get3A_321 = arith.constant 0 : index
    %get3A_322 = arith.constant 0 : index
    %get3A_323 = vector.load %arg2[%get3A_319, %get3A_320, %get3A_321, %get3A_322] : memref<1x19x64x512xf32, #tpu.memory_space<vmem>>, vector<1x1x64x512xf32>
    %get3A_324 = vector.shape_cast %get3A_323 : vector<1x1x64x512xf32> to vector<64x512xf32>
    %sub3A_325 = arith.subf %get3A_324, %max3A_140 : vector<64x512xf32>
    %exp3A_326 = math.exp %sub3A_325 : vector<64x512xf32>
    %add3A_327 = arith.addf %add3A_311, %exp3A_326 : vector<64x512xf32>
    %eq3A_328 = arith.constant 11 : i32
    %eq3A_329 = vector.broadcast %eq3A_328 : i32 to vector<64x512xi32>
    %eq3A_330 = arith.cmpi eq, %select_n3A, %eq3A_329 : vector<64x512xi32>
    %jit3A_331 = arith.constant 0.000000e+00 : f32
    %broadcast_in_dim3A_332 = vector.broadcast %jit3A_331 : f32 to vector<64x512xf32>
    %select_n3A_333 = arith.select %eq3A_330, %get3A_324, %broadcast_in_dim3A_332 : vector<64x512xi1>, vector<64x512xf32>
    %add3A_334 = arith.addf %add3A_318, %select_n3A_333 : vector<64x512xf32>
    %get3A_335 = arith.constant 0 : index
    %get3A_336 = arith.constant 12 : index
    %get3A_337 = arith.constant 0 : index
    %get3A_338 = arith.constant 0 : index
    %get3A_339 = vector.load %arg2[%get3A_335, %get3A_336, %get3A_337, %get3A_338] : memref<1x19x64x512xf32, #tpu.memory_space<vmem>>, vector<1x1x64x512xf32>
    %get3A_340 = vector.shape_cast %get3A_339 : vector<1x1x64x512xf32> to vector<64x512xf32>
    %sub3A_341 = arith.subf %get3A_340, %max3A_140 : vector<64x512xf32>
    %exp3A_342 = math.exp %sub3A_341 : vector<64x512xf32>
    %add3A_343 = arith.addf %add3A_327, %exp3A_342 : vector<64x512xf32>
    %eq3A_344 = arith.constant 12 : i32
    %eq3A_345 = vector.broadcast %eq3A_344 : i32 to vector<64x512xi32>
    %eq3A_346 = arith.cmpi eq, %select_n3A, %eq3A_345 : vector<64x512xi32>
    %jit3A_347 = arith.constant 0.000000e+00 : f32
    %broadcast_in_dim3A_348 = vector.broadcast %jit3A_347 : f32 to vector<64x512xf32>
    %select_n3A_349 = arith.select %eq3A_346, %get3A_340, %broadcast_in_dim3A_348 : vector<64x512xi1>, vector<64x512xf32>
    %add3A_350 = arith.addf %add3A_334, %select_n3A_349 : vector<64x512xf32>
    %get3A_351 = arith.constant 0 : index
    %get3A_352 = arith.constant 13 : index
    %get3A_353 = arith.constant 0 : index
    %get3A_354 = arith.constant 0 : index
    %get3A_355 = vector.load %arg2[%get3A_351, %get3A_352, %get3A_353, %get3A_354] : memref<1x19x64x512xf32, #tpu.memory_space<vmem>>, vector<1x1x64x512xf32>
    %get3A_356 = vector.shape_cast %get3A_355 : vector<1x1x64x512xf32> to vector<64x512xf32>
    %sub3A_357 = arith.subf %get3A_356, %max3A_140 : vector<64x512xf32>
    %exp3A_358 = math.exp %sub3A_357 : vector<64x512xf32>
    %add3A_359 = arith.addf %add3A_343, %exp3A_358 : vector<64x512xf32>
    %eq3A_360 = arith.constant 13 : i32
    %eq3A_361 = vector.broadcast %eq3A_360 : i32 to vector<64x512xi32>
    %eq3A_362 = arith.cmpi eq, %select_n3A, %eq3A_361 : vector<64x512xi32>
    %jit3A_363 = arith.constant 0.000000e+00 : f32
    %broadcast_in_dim3A_364 = vector.broadcast %jit3A_363 : f32 to vector<64x512xf32>
    %select_n3A_365 = arith.select %eq3A_362, %get3A_356, %broadcast_in_dim3A_364 : vector<64x512xi1>, vector<64x512xf32>
    %add3A_366 = arith.addf %add3A_350, %select_n3A_365 : vector<64x512xf32>
    %get3A_367 = arith.constant 0 : index
    %get3A_368 = arith.constant 14 : index
    %get3A_369 = arith.constant 0 : index
    %get3A_370 = arith.constant 0 : index
    %get3A_371 = vector.load %arg2[%get3A_367, %get3A_368, %get3A_369, %get3A_370] : memref<1x19x64x512xf32, #tpu.memory_space<vmem>>, vector<1x1x64x512xf32>
    %get3A_372 = vector.shape_cast %get3A_371 : vector<1x1x64x512xf32> to vector<64x512xf32>
    %sub3A_373 = arith.subf %get3A_372, %max3A_140 : vector<64x512xf32>
    %exp3A_374 = math.exp %sub3A_373 : vector<64x512xf32>
    %add3A_375 = arith.addf %add3A_359, %exp3A_374 : vector<64x512xf32>
    %eq3A_376 = arith.constant 14 : i32
    %eq3A_377 = vector.broadcast %eq3A_376 : i32 to vector<64x512xi32>
    %eq3A_378 = arith.cmpi eq, %select_n3A, %eq3A_377 : vector<64x512xi32>
    %jit3A_379 = arith.constant 0.000000e+00 : f32
    %broadcast_in_dim3A_380 = vector.broadcast %jit3A_379 : f32 to vector<64x512xf32>
    %select_n3A_381 = arith.select %eq3A_378, %get3A_372, %broadcast_in_dim3A_380 : vector<64x512xi1>, vector<64x512xf32>
    %add3A_382 = arith.addf %add3A_366, %select_n3A_381 : vector<64x512xf32>
    %get3A_383 = arith.constant 0 : index
    %get3A_384 = arith.constant 15 : index
    %get3A_385 = arith.constant 0 : index
    %get3A_386 = arith.constant 0 : index
    %get3A_387 = vector.load %arg2[%get3A_383, %get3A_384, %get3A_385, %get3A_386] : memref<1x19x64x512xf32, #tpu.memory_space<vmem>>, vector<1x1x64x512xf32>
    %get3A_388 = vector.shape_cast %get3A_387 : vector<1x1x64x512xf32> to vector<64x512xf32>
    %sub3A_389 = arith.subf %get3A_388, %max3A_140 : vector<64x512xf32>
    %exp3A_390 = math.exp %sub3A_389 : vector<64x512xf32>
    %add3A_391 = arith.addf %add3A_375, %exp3A_390 : vector<64x512xf32>
    %eq3A_392 = arith.constant 15 : i32
    %eq3A_393 = vector.broadcast %eq3A_392 : i32 to vector<64x512xi32>
    %eq3A_394 = arith.cmpi eq, %select_n3A, %eq3A_393 : vector<64x512xi32>
    %jit3A_395 = arith.constant 0.000000e+00 : f32
    %broadcast_in_dim3A_396 = vector.broadcast %jit3A_395 : f32 to vector<64x512xf32>
    %select_n3A_397 = arith.select %eq3A_394, %get3A_388, %broadcast_in_dim3A_396 : vector<64x512xi1>, vector<64x512xf32>
    %add3A_398 = arith.addf %add3A_382, %select_n3A_397 : vector<64x512xf32>
    %get3A_399 = arith.constant 0 : index
    %get3A_400 = arith.constant 16 : index
    %get3A_401 = arith.constant 0 : index
    %get3A_402 = arith.constant 0 : index
    %get3A_403 = vector.load %arg2[%get3A_399, %get3A_400, %get3A_401, %get3A_402] : memref<1x19x64x512xf32, #tpu.memory_space<vmem>>, vector<1x1x64x512xf32>
    %get3A_404 = vector.shape_cast %get3A_403 : vector<1x1x64x512xf32> to vector<64x512xf32>
    %sub3A_405 = arith.subf %get3A_404, %max3A_140 : vector<64x512xf32>
    %exp3A_406 = math.exp %sub3A_405 : vector<64x512xf32>
    %add3A_407 = arith.addf %add3A_391, %exp3A_406 : vector<64x512xf32>
    %eq3A_408 = arith.constant 16 : i32
    %eq3A_409 = vector.broadcast %eq3A_408 : i32 to vector<64x512xi32>
    %eq3A_410 = arith.cmpi eq, %select_n3A, %eq3A_409 : vector<64x512xi32>
    %jit3A_411 = arith.constant 0.000000e+00 : f32
    %broadcast_in_dim3A_412 = vector.broadcast %jit3A_411 : f32 to vector<64x512xf32>
    %select_n3A_413 = arith.select %eq3A_410, %get3A_404, %broadcast_in_dim3A_412 : vector<64x512xi1>, vector<64x512xf32>
    %add3A_414 = arith.addf %add3A_398, %select_n3A_413 : vector<64x512xf32>
    %get3A_415 = arith.constant 0 : index
    %get3A_416 = arith.constant 17 : index
    %get3A_417 = arith.constant 0 : index
    %get3A_418 = arith.constant 0 : index
    %get3A_419 = vector.load %arg2[%get3A_415, %get3A_416, %get3A_417, %get3A_418] : memref<1x19x64x512xf32, #tpu.memory_space<vmem>>, vector<1x1x64x512xf32>
    %get3A_420 = vector.shape_cast %get3A_419 : vector<1x1x64x512xf32> to vector<64x512xf32>
    %sub3A_421 = arith.subf %get3A_420, %max3A_140 : vector<64x512xf32>
    %exp3A_422 = math.exp %sub3A_421 : vector<64x512xf32>
    %add3A_423 = arith.addf %add3A_407, %exp3A_422 : vector<64x512xf32>
    %eq3A_424 = arith.constant 17 : i32
    %eq3A_425 = vector.broadcast %eq3A_424 : i32 to vector<64x512xi32>
    %eq3A_426 = arith.cmpi eq, %select_n3A, %eq3A_425 : vector<64x512xi32>
    %jit3A_427 = arith.constant 0.000000e+00 : f32
    %broadcast_in_dim3A_428 = vector.broadcast %jit3A_427 : f32 to vector<64x512xf32>
    %select_n3A_429 = arith.select %eq3A_426, %get3A_420, %broadcast_in_dim3A_428 : vector<64x512xi1>, vector<64x512xf32>
    %add3A_430 = arith.addf %add3A_414, %select_n3A_429 : vector<64x512xf32>
    %get3A_431 = arith.constant 0 : index
    %get3A_432 = arith.constant 18 : index
    %get3A_433 = arith.constant 0 : index
    %get3A_434 = arith.constant 0 : index
    %get3A_435 = vector.load %arg2[%get3A_431, %get3A_432, %get3A_433, %get3A_434] : memref<1x19x64x512xf32, #tpu.memory_space<vmem>>, vector<1x1x64x512xf32>
    %get3A_436 = vector.shape_cast %get3A_435 : vector<1x1x64x512xf32> to vector<64x512xf32>
    %sub3A_437 = arith.subf %get3A_436, %max3A_140 : vector<64x512xf32>
    %exp3A_438 = math.exp %sub3A_437 : vector<64x512xf32>
    %add3A_439 = arith.addf %add3A_423, %exp3A_438 : vector<64x512xf32>
    %eq3A_440 = arith.constant 18 : i32
    %eq3A_441 = vector.broadcast %eq3A_440 : i32 to vector<64x512xi32>
    %eq3A_442 = arith.cmpi eq, %select_n3A, %eq3A_441 : vector<64x512xi32>
    %jit3A_443 = arith.constant 0.000000e+00 : f32
    %broadcast_in_dim3A_444 = vector.broadcast %jit3A_443 : f32 to vector<64x512xf32>
    %select_n3A_445 = arith.select %eq3A_442, %get3A_436, %broadcast_in_dim3A_444 : vector<64x512xi1>, vector<64x512xf32>
    %add3A_446 = arith.addf %add3A_430, %select_n3A_445 : vector<64x512xf32>
    %sub3A_447 = arith.subf %add3A_446, %max3A_140 : vector<64x512xf32>
    %exp3A_448 = math.exp %sub3A_447 : vector<64x512xf32>
    %div3A = arith.divf %exp3A_448, %add3A_439 : vector<64x512xf32>
    %jit3A_449 = arith.constant 1.000000e+00 : f32
    %broadcast_in_dim3A_450 = vector.broadcast %jit3A_449 : f32 to vector<64x512xf32>
    %select_n3A_451 = arith.select %eq3A_9, %broadcast_in_dim3A_450, %div3A : vector<64x512xi1>, vector<64x512xf32>
    %log3A = math.log %add3A_439 : vector<64x512xf32>
    %add3A_452 = arith.addf %max3A_140, %log3A : vector<64x512xf32>
    %sub3A_453 = arith.subf %add3A_452, %add3A_446 : vector<64x512xf32>
    %bitcast_convert_type3A = tpu.bitcast %select_n3A_451 : vector<64x512xf32> -> vector<64x512xi32>
    %swap3A = arith.constant 0 : index
    %swap3A_454 = arith.constant 0 : index
    %swap3A_455 = arith.constant 0 : index
    %swap3A_456 = vector.load %arg4[%swap3A, %swap3A_454, %swap3A_455] : memref<1x64x512xi32, #tpu.memory_space<vmem>>, vector<1x64x512xi32>
    %swap3A_457 = vector.shape_cast %swap3A_456 : vector<1x64x512xi32> to vector<64x512xi32>
    %swap3A_458 = vector.shape_cast %bitcast_convert_type3A : vector<64x512xi32> to vector<1x64x512xi32>
    tpu.vector_store %arg4[%swap3A, %swap3A_454, %swap3A_455], %swap3A_458 {strides = array<i32>} : memref<1x64x512xi32, #tpu.memory_space<vmem>>, vector<1x64x512xi32>,
    %swap3A_459 = arith.constant 0 : index
    %swap3A_460 = arith.constant 0 : index
    %swap3A_461 = arith.constant 0 : index
    %swap3A_462 = vector.load %arg5[%swap3A_459, %swap3A_460, %swap3A_461] : memref<1x64x512xf32, #tpu.memory_space<vmem>>, vector<1x64x512xf32>
    %swap3A_463 = vector.shape_cast %swap3A_462 : vector<1x64x512xf32> to vector<64x512xf32>
    %swap3A_464 = vector.shape_cast %sub3A_453 : vector<64x512xf32> to vector<1x64x512xf32>
    tpu.vector_store %arg5[%swap3A_459, %swap3A_460, %swap3A_461], %swap3A_464 {strides = array<i32>} : memref<1x64x512xf32, #tpu.memory_space<vmem>>, vector<1x64x512xf32>,
    %get3A_465 = arith.constant 0 : index
    %get3A_466 = memref.load %arg7[%get3A_465] : memref<1xi32, #tpu.memory_space<smem>>
    %lt3A = arith.constant 1060320051 : i32
    %lt3A_467 = vector.broadcast %lt3A : i32 to vector<64x512xi32>
    %lt3A_468 = arith.cmpi slt, %bitcast_convert_type3A, %lt3A_467 : vector<64x512xi32>
    %convert_element_type3A_469 = arith.extui %lt3A_468 : vector<64x512xi1> to vector<64x512xi32>
    %reduce_sum3A = vector.shape_cast %convert_element_type3A_469 : vector<64x512xi32> to vector<1x64x512xi32>
    %reduce_sum3A_470 = arith.constant dense<0> : vector<1xi32>
    %reduce_sum3A_471 = vector.multi_reduction <add>, %reduce_sum3A, %reduce_sum3A_470 [1, 2] : vector<1x64x512xi32> to vector<1xi32>
    %reduce_sum3A_472 = vector.shape_cast %reduce_sum3A_471 : vector<1xi32> to vector<1x1x1xi32>
    %reduce_sum3A_473 = vector.extract %reduce_sum3A_472[0, 0, 0] : i32 from vector<1x1x1xi32>
    %add3A_474 = arith.addi %get3A_466, %reduce_sum3A_473 : i32
    %swap3A_475 = arith.constant 0 : index
    %swap3A_476 = memref.load %arg7[%swap3A_475] : memref<1xi32, #tpu.memory_space<smem>>
    memref.store %add3A_474, %arg7[%swap3A_475] : memref<1xi32, #tpu.memory_space<smem>>
    %eq3A_477 = arith.constant 63 : i32
    %eq3A_478 = arith.cmpi eq, %add3A, %eq3A_477 : i32
    %convert_element_type3A_479 = arith.extui %eq3A_478 : i1 to i32
    %cond3A_480 = arith.constant 0 : i32
    %cond3A_481 = arith.cmpi ne, %convert_element_type3A_479, %cond3A_480 : i32
    scf.if %cond3A_481 {
      %get3A_482 = arith.constant 0 : index
      %get3A_483 = memref.load %arg7[%get3A_482] : memref<1xi32, #tpu.memory_space<smem>>
      %swap3A_484 = arith.constant 0 : index
      %swap3A_485 = arith.constant 0 : index
      %swap3A_486 = memref.load %arg6[%swap3A_484, %swap3A_485] : memref<1x1xi32, #tpu.memory_space<smem>>
      memref.store %get3A_483, %arg6[%swap3A_484, %swap3A_485] : memref<1x1xi32, #tpu.memory_space<smem>>
    } else {
    }
    return
  }
  func.func @transform_0(%arg0: i32, %arg1: i32) -> (i32, i32, i32, i32) {
    %c0_i32 = arith.constant 0 : i32
    %c0_i32_0 = arith.constant 0 : i32
    %c0_i32_1 = arith.constant 0 : i32
    return %arg0, %c0_i32, %arg1, %c0_i32_0 : i32, i32, i32, i32
  }
  func.func @transform_1(%arg0: i32, %arg1: i32) -> (i32, i32, i32) {
    %c0_i32 = arith.constant 0 : i32
    %c0_i32_0 = arith.constant 0 : i32
    return %arg0, %arg1, %c0_i32 : i32, i32, i32
  }
  func.func @transform_2(%arg0: i32, %arg1: i32) -> (i32, i32, i32) {
    %c0_i32 = arith.constant 0 : i32
    %c0_i32_0 = arith.constant 0 : i32
    return %arg0, %arg1, %c0_i32 : i32, i32, i32
  }
  func.func @transform_3(%arg0: i32, %arg1: i32) -> (i32, i32, i32) {
    %c0_i32 = arith.constant 0 : i32
    %c0_i32_0 = arith.constant 0 : i32
    return %arg0, %arg1, %c0_i32 : i32, i32, i32
  }
  func.func @transform_4(%arg0: i32, %arg1: i32) -> (i32, i32) {
    %c0_i32 = arith.constant 0 : i32
    %c0_i32_0 = arith.constant 0 : i32
    %c0_i32_1 = arith.constant 0 : i32
    return %c0_i32, %c0_i32_0 : i32, i32
  }
}

</mosaic_0001>

<sc_bundles>
// kernel: branch_0_fun.3.cloned.1.call-start
scs
__scs_entry_jumppad:
0x0: {  	(pc) =	sbr.rel $0x88, $3  }
0x1: {  	(tag) =	ssettag $0x0;
	lr =	simm.s32 $0x1  }
0x2: {  	[smem:$0x3F9F] =	sst lr;
	_ =	strace $0xD0000000  }
0x3: {  	_ = 	snop  }
0x4: {  	_ = 	snop  }
0x5: {  	_ = 	snop  }
0x6: {  	_ = 	snop  }
0x7: {  	_ = 	snop  }
__scs_overlays_trampoline_lowered:
0x8: {  	[smem:$0x3FAE] =	sst s0  }
0x9: {  	[smem:$0x3FAF] =	sst s1  }
0xa: {  	[smem:$0x3FB0] =	sst s2  }
0xb: {  	[smem:$0x3FB1] =	sst s3  }
0xc: {  	[smem:$0x3FB2] =	sst s4  }
0xd: {  	[smem:$0x3FB3] =	sst s5  }
0xe: {  	[smem:$0x3FB4] =	sst s6  }
0xf: {  	[smem:$0x3FB5] =	sst s7  }
0x10: {  	[smem:$0x3FB6] =	sst s8  }
0x11: {  	[smem:$0x3FB7] =	sst s9;
	s0 =	simm.s32 @!p0 $0x0  }
0x12: {  	s1 =	sld [smem:$0x3F9D];
	s0 =	simm.s32 @p0 $0x1  }
0x13: {  	[smem:$0x3FB8] =	sst s0;
	s0 =	simm.s32 @!p1 $0x0  }
0x14: {  	s2 =	sld [smem:$0x3F9C];
	s0 =	simm.s32 @p1 $0x1  }
0x15: {  	[smem:$0x3FB9] =	sst s0;
	s0 =	simm.s32 @!p2 $0x0  }
0x16: {  	s3 =	sld [smem:$0x3FDB];
	s0 =	simm.s32 @p2 $0x1  }
0x17: {  	s4 =	simm.s32 $0x1BF5;
	[smem:$0x3FBB] =	sst s0  }
0x18: {  	s0 =	sld [smem:$0x3F9E];
	_ =	swait.ge [sflag:s4], $0x0  }
0x19: {  	s7 =	sld [smem:$0x3F9F]  }
0x1a: {  	s8 =	sadd.s32 $0xFFFFE003, lr  }
0x1b: {  	s9 =	sadd.s32 $0xFFFFFEF7, lr;
	s5 =	simm.s32 $0xFFFFFFFF;
	p2 =	slt.u32 s8, $0xFFFFF086  }
0x1c: {  	p1 =	slt.u32 s9, $0xF7A;
	s5 =	simm.s32 @!p2 $0x0  }
0x1d: {  	s5 =	simm.s32 @p1 $0x1;
	p0 =	seq.s32 s7, s2  }
0x1e: {  	s7 =	smul.u32 @!p0 $0xF7A, s2;
	p2 =	seq.s32 @!p0 s5, $0x0  }
0x1f: {  	s9 =	smul.u32 $0xF7A, s1;
	s8 =	simm.s32 @!p0 $0x1BF5;
	p2 =	por !p2, p0  }
0x20: {  	[sflag:s8] =	ssyncset.s32 @!p0 $0xFFFFF086;
	s6 =	sadd.s32 @!p0 s3, s7;
	s7 =	simm.s32 @!p0 $0x108  }
0x21: {  	s3 =	sadd.s32 s3, s9;
	s6 =	sadd.s32 @!p0 $0x88, s6;
	s7 =	simm.s32 @p2 $0x1082  }
0x22: {  	[simem:s7], [sflag:s8] =	dma.local @!p0 [hbm:s6], $0xF7A  }
0x23: {  	s9 =	sor.u32 $0xD0000000, s2;
	s6 =	simm.s32 $0x108;
	_ =	swait.ge @!p0 [sflag:s8], $0x0  }
0x24: {  	s3 =	sadd.s32 $0x88, s3;
	s6 =	simm.s32 @!p1 $0x1082;
	[sflag:s4] =	ssyncset.s32 $0xFFFFF086  }
0x25: {  	[simem:s6], [sflag:s4] =	dma.local [hbm:s3], $0xF7A  }
0x26: {  	[smem:$0x3F9F] =	sst s1;
	(tag) =	ssettag s2;
	_ =	strace s9  }
0x27: {  	s1 =	sld [smem:$0x3FAF]  }
0x28: {  	s2 =	sld [smem:$0x3FB0]  }
0x29: {  	s4 =	sld [smem:$0x3FB2]  }
0x2a: {  	p0 =	seq.s32 s5, $0x0;
	s5 =	sld [smem:$0x3FB3]  }
0x2b: {  	s6 =	sld [smem:$0x3FB4]  }
0x2c: {  	s7 =	sld [smem:$0x3FB5]  }
0x2d: {  	s3 =	simm.s32 $0x108;
	s8 =	sld [smem:$0x3FB6]  }
0x2e: {  	s3 =	simm.s32 @!p0 $0x1082;
	s9 =	sld [smem:$0x3FB7]  }
0x2f: {  	lr =	sadd.s32 s0, s3;
	s0 =	sld [smem:$0x3FAE]  }
0x30: {  	s3 =	sld [smem:$0x3FB1]  }
0x31: {  	[smem:$0x3FBA] =	sst s10  }
0x32: {  	s10 =	sld [smem:$0x3FB8];
	_ =	sdelay $0x3  }
0x33: {  	p0 =	seq.s32 s10, $0x1;
	s10 =	sld [smem:$0x3FBA];
	_ =	sdelay $0x3  }
0x34: {  	[smem:$0x3FBA] =	sst s10  }
0x35: {  	s10 =	sld [smem:$0x3FB9];
	_ =	sdelay $0x3  }
0x36: {  	p1 =	seq.s32 s10, $0x1;
	s10 =	sld [smem:$0x3FBA];
	_ =	sdelay $0x3  }
0x37: {  	[smem:$0x3FBA] =	sst s10  }
0x38: {  	s10 =	sld [smem:$0x3FBB]  }
0x39: {  	_ = 	snop;
	(pc) =	sbr.ind lr, $3  }
0x3a: {  	_ = 	snop  }
0x3b: {  	_ = 	snop  }
0x3c: {  	p2 =	seq.s32 s10, $0x1;
	s10 =	sld [smem:$0x3FBA]  }
0x3d: {  	_ =	shalt  }
0x3e: {  	_ =	shalt  }
0x3f: {  	_ =	shalt  }
0x40: {  	_ =	shalt  }
0x41: {  	_ =	shalt  }
0x42: {  	_ =	shalt  }
0x43: {  	_ =	shalt  }
0x44: {  	_ =	shalt  }
0x45: {  	_ =	shalt  }
0x46: {  	_ =	shalt  }
0x47: {  	_ =	shalt  }
0x48: {  	_ =	shalt  }
0x49: {  	_ =	shalt  }
0x4a: {  	_ =	shalt  }
0x4b: {  	_ =	shalt  }
0x4c: {  	_ =	shalt  }
0x4d: {  	_ =	shalt  }
0x4e: {  	_ =	shalt  }
0x4f: {  	_ =	shalt  }
0x50: {  	_ =	shalt  }
0x51: {  	_ =	shalt  }
0x52: {  	_ =	shalt  }
0x53: {  	_ =	shalt  }
0x54: {  	_ =	shalt  }
0x55: {  	_ =	shalt  }
0x56: {  	_ =	shalt  }
0x57: {  	_ =	shalt  }
0x58: {  	_ =	shalt  }
0x59: {  	_ =	shalt  }
0x5a: {  	_ =	shalt  }
0x5b: {  	_ =	shalt  }
0x5c: {  	_ =	shalt  }
0x5d: {  	_ =	shalt  }
0x5e: {  	_ =	shalt  }
0x5f: {  	_ =	shalt  }
0x60: {  	_ =	shalt  }
0x61: {  	_ =	shalt  }
0x62: {  	_ =	shalt  }
0x63: {  	_ =	shalt  }
0x64: {  	_ =	shalt  }
0x65: {  	_ =	shalt  }
0x66: {  	_ =	shalt  }
0x67: {  	_ =	shalt  }
0x68: {  	_ =	shalt  }
0x69: {  	_ =	shalt  }
0x6a: {  	_ =	shalt  }
0x6b: {  	_ =	shalt  }
0x6c: {  	_ =	shalt  }
0x6d: {  	_ =	shalt  }
0x6e: {  	_ =	shalt  }
0x6f: {  	_ =	shalt  }
0x70: {  	_ =	shalt  }
0x71: {  	_ =	shalt  }
0x72: {  	_ =	shalt  }
0x73: {  	_ =	shalt  }
0x74: {  	_ =	shalt  }
0x75: {  	_ =	shalt  }
0x76: {  	_ =	shalt  }
0x77: {  	_ =	shalt  }
0x78: {  	_ =	shalt  }
0x79: {  	_ =	shalt  }
0x7a: {  	_ =	shalt  }
0x7b: {  	_ =	shalt  }
0x7c: {  	_ =	shalt  }
0x7d: {  	_ =	shalt  }
0x7e: {  	_ =	shalt  }
0x7f: {  	_ =	shalt  }
0x80: {  	_ =	shalt  }
0x81: {  	_ =	shalt  }
0x82: {  	_ =	shalt  }
0x83: {  	_ =	shalt  }
0x84: {  	_ =	shalt  }
0x85: {  	_ =	shalt  }
0x86: {  	_ =	shalt  }
0x87: {  	_ =	shalt  }
.Lfunc_end0:
.L_simem_size_0:
called_computation_lowered:
.L_overlay_start_0:
0x88: {  	s2 =	sld [smem:$0x3FD9]  }
0x89: {  	s3 =	sld [smem:$0x3FFE];
	_ =	sdelay $0x1  }
0x8a: {  	s1 =	srdreg.scid  }
0x8b: {  	s0 =	sand.u32 $0x1, s1  }
0x8c: {  	s16 =	sshll.u32 s0, $0xA;
	s2 =	sadd.s32 s3, s2  }
0x8d: {  	s2 =	sadd.s32 s2, s16  }
0x8e: {  	[smem:$0x3FC6] =	sst s2  }
0x8f: {  	_ = 	snop  }
0x90: {  	(tm) =	ssettm $0x1  }
0x91: {  	s17 =	sld [smem:$0x3FFB];
	_ =	sdelay $0x3  }
0x92: {  	_ =	strace s17  }
0x93: {  	s2 =	sld [smem:$0x3FFC];
	_ =	sdelay $0x3  }
0x94: {  	_ =	strace s2  }
0x95: {  	s2 =	sld [smem:$0x3FFD];
	_ =	sdelay $0x3  }
0x96: {  	_ =	strace s2  }
0x97: {  	_ =	strace $0x8FFFFFFF  }
0x98: {  	s18 =	sld [smem:$0x3FDB];
	_ =	sdelay $0x1  }
0x99: {  	s19 =	simm.s32 $_scs_section_size  }
0x9a: {  	s4 =	simm.s32 $_size__tile_overlayer_lowered;
	s5 =	simm.s32 $_tile_overlayer_lowered  }
0x9b: {  	s22 =	simm.s32 $0x1BFF;
	s21 =	sshll.u32 s5, $0x1;
	s2 =	sadd.s32 s19, s18  }
0x9c: {  	s6 =	simm.s32 $0x0;
	s20 =	sshll.u32 s4, $0x1;
	s4 =	sadd.s32 s21, s2  }
0x9d: {  	[timem:s6], [sflag:s22] =	dma.local [hbm:s4], s20  }
0x9e: {  	_ =	swait.ge [sflag:s22], s20  }
0x9f: {  	s3 =	ssub.s32 $0x0, s20;
	[sflag:s22] =	ssyncset.done $0x0  }
0xa0: {  	[sflag:s22] =	ssyncadd.s32 s3;
	_ =	sdelay $0x1  }
0xa1: {  	s23 =	simm.s32 $0x1B8B  }
0xa2: {  	_ =	swait.ge [sflag:s23], $0x1  }
0xa3: {  	[sflag:s23] =	ssyncset.done $0x0  }
0xa4: {  	s25 =	simm.s32 $0x1B8E;
	s24 =	sld [smem:$0x3FFE];
	[sflag:s23] =	ssyncadd.s32 $0xFFFFFFFF  }
0xa5: {  	s26 =	simm.s32 $execute0_lowered;
	[smem:$0x3FD2] =	sst s25  }
0xa6: {  	s4 =	sshll.u32 s26, $0x1;
	_ =	strace $0x80000046;
	[dreg:$0x1] =	wrdreg $0xFFFFFFFF  }
0xa7: {  	s28 =	simm.s32 $_size_execute0_lowered;
	s2 =	sadd.s32 s2, s4;
	[dreg:$0x0] =	wrdreg $0x0  }
0xa8: {  	s4 =	sshll.u32 s28, $0x1;
	[dreg:$0x2] =	wrdreg s2  }
0xa9: {  	[dreg:$0x3] =	wrdreg s4  }
0xaa: {  	[dreg:$0x4] =	wrdreg $0xC0  }
0xab: {  	_ =	task [dreg:s6], $0x5FFFF  }
0xac: {  	[dreg:$0x1] =	wrdreg $0xFFFFFFFF  }
0xad: {  	[dreg:$0x0] =	wrdreg $0x60  }
0xae: {  	[dreg:$0x2] =	wrdreg s24  }
0xaf: {  	[dreg:$0x3] =	wrdreg $0x190800  }
0xb0: {  	[dreg:$0x4] =	wrdreg $0x9  }
0xb1: {  	_ =	task.clear_ibuf [dreg:s6], $0x5FFFF;
	_ =	strace $0x90000046  }
0xb2: {  	s29 =	simm.s32 $0x9;
	_ =	strace $0x80000048  }
0xb3: {  	_ =	swait.ge [sflag:s29], $0x1  }
0xb4: {  	[sflag:s29] =	ssyncadd.s32 $0xFFFFFFFF  }
0xb5: {  	_ =	strace $0x90000048  }
0xb6: {  	_ =	sfence  }
0xb7: {  	s30 =	sld [smem:$0x0];
	_ =	sdelay $0x2  }
0xb8: {  	s31 =	sshll.u32 s1, $0xD;
	s1 =	sshrl.u32 s1, $0x2  }
0xb9: {  	s3 =	sand.u32 $0x4000, s31;
	s1 =	sadd.s32 s1, s30  }
0xba: {  	s0 =	sor.u32 s3, s0;
	s1 =	sshll.u32 s1, $0x11  }
0xbb: {  	s0 =	sor.u32 s1, s0  }
0xbc: {  	s0 =	sadd.s32 $0x8F2B, s0  }
0xbd: {  	[sflag:s0] =	ssyncadd.remote.s32 $0x1  }
0xbe: {  	_ =	sfence.sel $0xFFFF  }
0xbf: {  	[dreg:$0x0] =	wrdreg $0xFFFFFFFF;
	(pc) =	sbr.abs _section_cstart, $3  }
0xc0: {  	[dreg:$0x1] =	wrdreg $0xFFFFFFFF  }
0xc1: {  	_ =	task.clear_ibuf [dreg:s6], $0x2FFFF;
	_ =	strace $0x9FFFFFFF  }
0xc2: {  	(tm) =	ssettm $0x7FFFFFFF  }
0xc3: {  	_ =	shalt  }
tec
execute0_lowered:
.L_overlay_start_1:
0x0: {  	(tag) =	ssettag $0x1  }
0x1: {  	s1 =	srdreg.scid  }
0x2: {  	s1 =	sand.u32 $0x1, s1  }
0x3: {  	p0 =	seq.s32 s1, $0x1  }
.Ltmp0:
0x4: {  	_ = 	snop;
	(pc) =	sbr.rel @p0 .LBB2_32-.Ltmp0, $4  }
0x5: {  	s2 =	rddreg [dreg:$0x0]  }
0x6: {  	s3 =	rddreg [dreg:$0x1];
	s6 =	simm.s32 $0x0  }
0x7: {  	[smem:$0x7FF] =	sst s6  }
0x8: {  	s0 =	rddreg [dreg:$0x2];
	_ =	strace $0x80000047;
	s1 =	stileid.u32  }
0x9: {  	s4 =	sshll.u32 s1, $0xE;
	s7 =	simm.s32 $0x0;
	s8 =	sshll.u32 s1, $0xB  }
0xa: {  	s9 =	sand.u32 $0x3C00, s6;
	s10 =	sshll.u32 s1, $0x7;
	s7 =	smul.u32 $0x11000, s7  }
0xb: {  	s5 =	sand.u32 $0x4000, s4;
	s4 =	sand.u32 $0x38000, s4;
	s30 =	sand.u32 $0x4000, s8  }
0xc: {  	s8 =	simm.s32 $0x0;
	s10 =	sand.u32 $0x380, s10;
	s7 =	sshra.s32 s7, $0x2  }
0xd: {  	s5 =	sadd.s32 s5, s2;
	s31 =	sand.u32 $0x380, s8;
	s7 =	sadd.s32 s9, s7  }
0xe: {  	v0 =	vimm.s32 $0x0;
	s11 =	sadd.s32 s30, s3;
	s4 =	sadd.s32 s4, s5;
	s7 =	sor.u32 s31, s7  }
0xf: {  	s2 =	sadd.s32 $0x40C00, s2;
	s5 =	sadd.s32 $0xC00, s4;
	s4 =	sadd.s32 s10, s11;
	[tilespmem:s7+$0x8070] =	vst v0  }
.LBB2_2:
0x10: {  	s8 =	sadd.s32 $0x8, s8;
	[tilespmem:s7+$0x8000] =	vst v0  }
0x11: {  	s9 =	sshrl.u32 s8, $0xA;
	p0 =	slt.u32 s8, $0x7F8;
	[tilespmem:s7+$0x8010] =	vst v0  }
0x12: {  	s9 =	smul.u32 $0x11000, s9;
	[tilespmem:s7+$0x8020] =	vst v0  }
.Ltmp1:
0x13: {  	s6 =	sadd.s32 $0x400, s6;
	[tilespmem:s7+$0x8030] =	vst v0;
	(pc) =	sbr.rel @p0 .LBB2_2-.Ltmp1, $4  }
0x14: {  	s10 =	sand.u32 $0x3C00, s6;
	s9 =	sshra.s32 s9, $0x2;
	[tilespmem:s7+$0x8040] =	vst v0  }
0x15: {  	s11 =	sand.u32 $0x380, s8;
	s9 =	sadd.s32 s10, s9;
	[tilespmem:s7+$0x8050] =	vst v0  }
0x16: {  	[tilespmem:s7+$0x8060] =	vst v0;
	s7 =	sor.u32 s11, s9  }
0x17: {  	[tilespmem:s7+$0x8070] =	vst v0  }
0x18: {  	v1 =	vimm.s32 $0x4780;
	vm1 =	vcmask $0x300  }
0x19: {  	vm2 =	vcmask $0x704;
	v1 =	vsel vm1, $0x0, v1  }
0x1a: {  	vm3 =	vcmask $0xB08;
	v1 =	vsel vm2, $0x80, v1  }
0x1b: {  	vm4 =	vcmask $0xF0C;
	v1 =	vsel vm3, $0x100, v1  }
0x1c: {  	vm5 =	vcmask $0x1310;
	v1 =	vsel vm4, $0x180, v1  }
0x1d: {  	vm6 =	vcmask $0x1714;
	v1 =	vsel vm5, $0x200, v1  }
0x1e: {  	vm15 =	vcmask $0x1B18;
	v1 =	vsel vm6, $0x280, v1  }
0x1f: {  	vm0 =	vcmask $0x1F1C;
	v1 =	vsel vm15, $0x300, v1  }
0x20: {  	v1 =	vsel vm0, $0x380, v1;
	vm0 =	vcmask $0x2320  }
0x21: {  	[tilespmem:s7+$0x8000] =	vst v0;
	v1 =	vsel vm0, $0x4400, v1;
	vm0 =	vcmask $0x2724  }
0x22: {  	[tilespmem:s7+$0x8010] =	vst v0;
	v1 =	vsel vm0, $0x4480, v1;
	vm0 =	vcmask $0x2B28  }
0x23: {  	[tilespmem:s7+$0x8020] =	vst v0;
	v1 =	vsel vm0, $0x4500, v1;
	vm0 =	vcmask $0x2F2C  }
0x24: {  	[tilespmem:s7+$0x8030] =	vst v0;
	vm14 =	vcmask $0x3330;
	v1 =	vsel vm0, $0x4580, v1  }
0x25: {  	[tilespmem:s7+$0x8040] =	vst v0;
	vm0 =	vcmask $0x3734;
	v1 =	vsel vm14, $0x4600, v1  }
0x26: {  	[tilespmem:s7+$0x8050] =	vst v0;
	s6 =	simm.s32 $0x0;
	v1 =	vsel vm0, $0x4680, v1;
	vm0 =	vcmask $0x3B38  }
0x27: {  	[tilespmem:s7+$0x8060] =	vst v0;
	s7 =	simm.s32 $0x1;
	s8 =	simm.s32 $0x8000;
	s9 =	simm.s32 $0x0;
	v0 =	vsel vm0, $0x4700, v1;
	v1 =	vimm.s32 $0x1  }
.LBB2_4:
0x28: {  	s10 =	sshll.u32 s9, $0xC  }
0x29: {  	s29 =	simm.s32 $0x0;
	s11 =	sand.u32 $0xC00, s6;
	s10 =	sadd.s32 s10, s5  }
0x2a: {  	[tilespmem:s6], [sflag:$0x1] =	stream.linear.gather [hbm4b:s10+s6], $0x8000, $0x38;
	[tilespmem:$0x19880] =	vst v63  }
0x2b: {  	s12 =	simm.s32 $0x0;
	s10 =	sand.u32 $0x7000, s29;
	_ =	swait.ge [sflag:s7], $0x8000  }
0x2c: {  	s12 =	sand.u32 $0x380, s12;
	s10 =	sor.u32 s11, s10;
	[sflag:s7] =	ssyncset.done $0x0  }
0x2d: {  	s10 =	sor.u32 s12, s10;
	[sflag:s7] =	ssyncadd.s32 $0xFFFF8000  }
0x2e: {  	v2 =	vld [tilespmem:s10+$0x70]  }
0x2f: {  	v3 =	vld [tilespmem:s10+$0x0]  }
0x30: {  	v4 =	vld [tilespmem:s10+$0x10]  }
0x31: {  	v6 =	vld [tilespmem:s10+$0x30]  }
0x32: {  	v7 =	vld [tilespmem:s10+$0x40]  }
0x33: {  	v10 =	vld [tilespmem:s10+$0x50]  }
0x34: {  	v12 =	vld [tilespmem:s10+$0x60];
	v8 =	vshrl.u32 v2, $0x15;
	v2 =	vshrl.u32 v2, $0x12  }
0x35: {  	v9 =	vshrl.u32 v3, $0x15;
	v3 =	vshrl.u32 v3, $0x12;
	v11 =	vshrl.u32 v4, $0x15  }
0x36: {  	v4 =	vshrl.u32 v4, $0x12;
	v13 =	vshrl.u32 v6, $0x15;
	v6 =	vshrl.u32 v6, $0x12  }
0x37: {  	v14 =	vshrl.u32 v7, $0x15;
	v8 =	vand.u32 $0x7F, v8;
	v2 =	vand.u32 $0x3C00, v2  }
0x38: {  	v5 =	vld [tilespmem:s10+$0x20];
	v7 =	vshrl.u32 v7, $0x12;
	v15 =	vshrl.u32 v10, $0x15;
	v2 =	vor.u32 v8, v2  }
0x39: {  	s30 =	simm.s32 $0x80;
	s10 =	simm.s32 $0x400;
	v10 =	vshrl.u32 v10, $0x12;
	v16 =	vshrl.u32 v12, $0x15;
	v2 =	vadd.s32 v0, v2  }
0x3a: {  	s13 =	simm.s32 $0x20;
	s11 =	sand.u32 $0x7000, s30;
	s31 =	sand.u32 $0xC00, s10;
	v12 =	vshrl.u32 v12, $0x12;
	v9 =	vand.u32 $0x7F, v9;
	v3 =	vand.u32 $0x3C00, v3  }
0x3b: {  	s13 =	sand.u32 $0x380, s13;
	s11 =	sor.u32 s31, s11;
	v11 =	vand.u32 $0x7F, v11;
	v4 =	vand.u32 $0x3C00, v4;
	v13 =	vand.u32 $0x7F, v13  }
0x3c: {  	s11 =	sor.u32 s13, s11;
	v6 =	vand.u32 $0x3C00, v6;
	v14 =	vand.u32 $0x7F, v14;
	v10 =	vand.u32 $0x3C00, v10  }
0x3d: {  	v8 =	vshrl.u32 v5, $0x15;
	v3 =	vor.u32 v9, v3;
	v9 =	vand.u32 $0x7F, v16;
	v16 =	vld [tilespmem:s11+$0x0]  }
0x3e: {  	v12 =	vand.u32 $0x3C00, v12;
	v5 =	vshrl.u32 v5, $0x12;
	v8 =	vand.u32 $0x7F, v8;
	[tilespmem:v2+s8+$0x0] =	vst.idx.add.s32.msk $0xffff, v1  }
0x3f: {  	v5 =	vand.u32 $0x3C00, v5;
	v2 =	vand.u32 $0x3C00, v7;
	v7 =	vand.u32 $0x7F, v15;
	v15 =	vld [tilespmem:s11+$0x70]  }
0x40: {  	v20 =	vld [tilespmem:s11+$0x40];
	v6 =	vor.u32 v13, v6;
	v13 =	vadd.s32 v0, v3;
	v5 =	vor.u32 v8, v5  }
0x41: {  	v4 =	vor.u32 v11, v4;
	v9 =	vor.u32 v9, v12;
	v8 =	vld [tilespmem:s11+$0x10];
	v19 =	vadd.s32 v0, v5  }
0x42: {  	v17 =	vld [tilespmem:s11+$0x30];
	v5 =	vadd.s32 v0, v6;
	v21 =	vshrl.u32 v16, $0x15;
	v18 =	vshrl.u32 v16, $0x12  }
0x43: {  	v2 =	vor.u32 v14, v2;
	v7 =	vor.u32 v7, v10;
	v10 =	vld [tilespmem:s11+$0x20];
	v14 =	vadd.s32 v0, v4  }
0x44: {  	v11 =	vld [tilespmem:s11+$0x50];
	v3 =	vadd.s32 v0, v7;
	v6 =	vshrl.u32 v15, $0x15;
	v7 =	vshrl.u32 v15, $0x12  }
0x45: {  	[tilespmem:v13+s8+$0x0] =	vst.idx.add.s32.msk $0xffff, v1;
	v13 =	vshrl.u32 v20, $0x12;
	v6 =	vand.u32 $0x7F, v6;
	v7 =	vand.u32 $0x3C00, v7  }
0x46: {  	v12 =	vld [tilespmem:s11+$0x60];
	v16 =	vshrl.u32 v8, $0x15;
	v4 =	vadd.s32 v0, v2;
	v6 =	vor.u32 v6, v7  }
0x47: {  	v2 =	vadd.s32 v0, v9;
	v9 =	vshrl.u32 v17, $0x15;
	v6 =	vadd.s32 v0, v6  }
0x48: {  	v15 =	vshrl.u32 v10, $0x12;
	[tilespmem:v14+s8+$0x0] =	vst.idx.add.s32.msk $0xffff, v1;
	v14 =	vand.u32 $0x7F, v21;
	v7 =	vshrl.u32 v8, $0x12  }
0x49: {  	s11 =	simm.s32 $0x8;
	[tilespmem:v19+s8+$0x0] =	vst.idx.add.s32.msk $0xffff, v1;
	v8 =	vshrl.u32 v10, $0x15;
	v10 =	vshrl.u32 v17, $0x12;
	v17 =	vshrl.u32 v20, $0x15  }
.LBB2_5:
0x4a: {  	s11 =	sadd.s32 $0x8, s11;
	v18 =	vand.u32 $0x3C00, v18;
	v19 =	vshrl.u32 v11, $0x15;
	v11 =	vshrl.u32 v11, $0x12;
	[tilespmem:v5+s8+$0x0] =	vst.idx.add.s32.msk $0xffff, v1  }
0x4b: {  	v5 =	vand.u32 $0x7F, v16;
	s10 =	sadd.s32 $0x400, s10;
	s12 =	sshll.u32 s11, $0x4;
	p0 =	slt.u32 s11, $0x7F8;
	v16 =	vshrl.u32 v12, $0x15;
	v12 =	vshrl.u32 v12, $0x12;
	[tilespmem:v4+s8+$0x0] =	vst.idx.add.s32.msk $0xffff, v1  }
0x4c: {  	s13 =	sand.u32 $0xC00, s10;
	s14 =	sshll.u32 s11, $0x2;
	v4 =	vand.u32 $0x3C00, v7;
	v7 =	vand.u32 $0x7F, v8;
	v8 =	vand.u32 $0x3C00, v15;
	s12 =	sand.u32 $0x7000, s12;
	[tilespmem:v6+s8+$0x0] =	vst.idx.add.s32.msk $0xffff, v1  }
0x4d: {  	s14 =	sand.u32 $0x380, s14;
	v6 =	vand.u32 $0x7F, v9;
	v9 =	vand.u32 $0x3C00, v10;
	v10 =	vand.u32 $0x7F, v17;
	s12 =	sor.u32 s13, s12;
	[tilespmem:v3+s8+$0x0] =	vst.idx.add.s32.msk $0xffff, v1  }
0x4e: {  	v11 =	vand.u32 $0x3C00, v11;
	v3 =	vand.u32 $0x3C00, v13;
	v13 =	vand.u32 $0x7F, v19;
	s12 =	sor.u32 s14, s12;
	[tilespmem:v2+s8+$0x0] =	vst.idx.add.s32.msk $0xffff, v1  }
0x4f: {  	v14 =	vor.u32 v14, v18;
	v15 =	vand.u32 $0x7F, v16;
	v12 =	vand.u32 $0x3C00, v12;
	v2 =	vld [tilespmem:s12+$0x70]  }
0x50: {  	v4 =	vor.u32 v5, v4;
	v5 =	vor.u32 v7, v8;
	v6 =	vor.u32 v6, v9;
	v16 =	vld [tilespmem:s12+$0x0]  }
0x51: {  	v9 =	vor.u32 v15, v12;
	v3 =	vor.u32 v10, v3;
	v8 =	vor.u32 v13, v11;
	v7 =	vld [tilespmem:s12+$0x10]  }
0x52: {  	v19 =	vadd.s32 v0, v5;
	v13 =	vadd.s32 v0, v14;
	v14 =	vadd.s32 v0, v4;
	v10 =	vld [tilespmem:s12+$0x20]  }
0x53: {  	v5 =	vadd.s32 v0, v6;
	v4 =	vadd.s32 v0, v3;
	v3 =	vadd.s32 v0, v8;
	v17 =	vld [tilespmem:s12+$0x30]  }
0x54: {  	v20 =	vld [tilespmem:s12+$0x40];
	v6 =	vshrl.u32 v2, $0x15;
	v8 =	vshrl.u32 v2, $0x12;
	v2 =	vadd.s32 v0, v9  }
.Ltmp2:
0x55: {  	v21 =	vshrl.u32 v16, $0x15;
	v11 =	vld [tilespmem:s12+$0x50];
	v6 =	vand.u32 $0x7F, v6;
	v8 =	vand.u32 $0x3C00, v8;
	(pc) =	sbr.rel @p0 .LBB2_5-.Ltmp2, $4  }
0x56: {  	v18 =	vshrl.u32 v16, $0x12;
	v16 =	vshrl.u32 v7, $0x15;
	v12 =	vld [tilespmem:s12+$0x60];
	v6 =	vor.u32 v6, v8  }
0x57: {  	v7 =	vshrl.u32 v7, $0x12;
	v8 =	vshrl.u32 v10, $0x15;
	v6 =	vadd.s32 v0, v6;
	[tilespmem:v13+s8+$0x0] =	vst.idx.add.s32.msk $0xffff, v1  }
0x58: {  	v15 =	vshrl.u32 v10, $0x12;
	v9 =	vshrl.u32 v17, $0x15;
	v10 =	vshrl.u32 v17, $0x12;
	[tilespmem:v14+s8+$0x0] =	vst.idx.add.s32.msk $0xffff, v1  }
0x59: {  	v14 =	vand.u32 $0x7F, v21;
	v17 =	vshrl.u32 v20, $0x15;
	v13 =	vshrl.u32 v20, $0x12;
	[tilespmem:v19+s8+$0x0] =	vst.idx.add.s32.msk $0xffff, v1  }
0x5a: {  	v18 =	vand.u32 $0x3C00, v18  }
0x5b: {  	v19 =	vshrl.u32 v11, $0x15;
	v57 =	vshrl.u32 v11, $0x12;
	v16 =	vand.u32 $0x7F, v16  }
0x5c: {  	v7 =	vand.u32 $0x3C00, v7;
	v8 =	vand.u32 $0x7F, v8;
	v15 =	vand.u32 $0x3C00, v15  }
0x5d: {  	v9 =	vand.u32 $0x7F, v9;
	v10 =	vand.u32 $0x3C00, v10;
	v17 =	vand.u32 $0x7F, v17  }
0x5e: {  	v60 =	vand.u32 $0x3C00, v13;
	v14 =	vor.u32 v14, v18;
	v58 =	vshrl.u32 v12, $0x15  }
0x5f: {  	[tilespmem:v5+s8+$0x0] =	vst.idx.add.s32.msk $0xffff, v1;
	v59 =	vshrl.u32 v12, $0x12;
	v7 =	vor.u32 v16, v7;
	v61 =	vadd.s32 v0, v14  }
0x60: {  	[tilespmem:v4+s8+$0x0] =	vst.idx.add.s32.msk $0xffff, v1;
	v62 =	vand.u32 $0x7F, v19;
	v8 =	vor.u32 v8, v15;
	v7 =	vadd.s32 v0, v7  }
0x61: {  	[tilespmem:v6+s8+$0x0] =	vst.idx.add.s32.msk $0xffff, v1;
	v63 =	vand.u32 $0x3C00, v57;
	v9 =	vor.u32 v9, v10;
	v8 =	vadd.s32 v0, v8  }
0x62: {  	[tilespmem:v3+s8+$0x0] =	vst.idx.add.s32.msk $0xffff, v1;
	v5 =	vor.u32 v17, v60;
	v3 =	vand.u32 $0x7F, v58;
	v9 =	vadd.s32 v0, v9  }
0x63: {  	[tilespmem:v2+s8+$0x0] =	vst.idx.add.s32.msk $0xffff, v1;
	v2 =	vand.u32 $0x3C00, v59;
	v4 =	vor.u32 v62, v63;
	v5 =	vadd.s32 v0, v5  }
0x64: {  	s9 =	sadd.s32 $0x1, s9;
	v2 =	vor.u32 v3, v2;
	v3 =	vadd.s32 v0, v4;
	[tilespmem:v61+s8+$0x0] =	vst.idx.add.s32.msk $0xffff, v1  }
0x65: {  	p0 =	sne.s32 s9, $0x4;
	v2 =	vadd.s32 v0, v2;
	[tilespmem:v7+s8+$0x0] =	vst.idx.add.s32.msk $0xffff, v1  }
.Ltmp3:
0x66: {  	[tilespmem:v8+s8+$0x0] =	vst.idx.add.s32.msk $0xffff, v1;
	(pc) =	sbr.rel @p0 .LBB2_4-.Ltmp3, $4  }
0x67: {  	[tilespmem:v9+s8+$0x0] =	vst.idx.add.s32.msk $0xffff, v1  }
0x68: {  	[tilespmem:v5+s8+$0x0] =	vst.idx.add.s32.msk $0xffff, v1  }
0x69: {  	[tilespmem:v3+s8+$0x0] =	vst.idx.add.s32.msk $0xffff, v1  }
0x6a: {  	[tilespmem:v2+s8+$0x0] =	vst.idx.add.s32.msk $0xffff, v1  }
0x6b: {  	s8 =	simm.s32 $0x0  }
0x6c: {  	s6 =	sand.u32 $0x60, s8;
	s9 =	sand.u32 $0x3C00, s8  }
0x6d: {  	s10 =	sor.u32 $0x8000, s9;
	s7 =	sor.u32 $0x10, s6  }
0x6e: {  	s11 =	sor.u32 s7, s10  }
0x6f: {  	v0 =	vld [tilespmem:s11+$0x0]  }
0x70: {  	v1 =	vld [tilespmem:s11+$0x80]  }
0x71: {  	v2 =	vld [tilespmem:s11+$0x100]  }
0x72: {  	v3 =	vld [tilespmem:s11+$0x180]  }
0x73: {  	v4 =	vld [tilespmem:s11+$0x200]  }
0x74: {  	v5 =	vld [tilespmem:s11+$0x280]  }
0x75: {  	s12 =	sadd.s32 $0xC400, s9;
	v6 =	vld [tilespmem:s11+$0x300]  }
0x76: {  	s13 =	sadd.s32 $0xC480, s9;
	s24 =	sor.u32 s7, s12;
	v7 =	vld [tilespmem:s11+$0x380]  }
0x77: {  	s14 =	sadd.s32 $0xC500, s9;
	s25 =	sor.u32 s7, s13;
	v8 =	vld [tilespmem:s24+$0x0]  }
0x78: {  	s15 =	sadd.s32 $0xC580, s9;
	s26 =	sor.u32 s7, s14;
	v9 =	vld [tilespmem:s25+$0x0]  }
0x79: {  	s16 =	sadd.s32 $0xC600, s9;
	s28 =	sor.u32 s7, s15;
	v10 =	vld [tilespmem:s26+$0x0]  }
0x7a: {  	s17 =	sadd.s32 $0xC680, s9;
	s29 =	sor.u32 s7, s16;
	v11 =	vld [tilespmem:s28+$0x0]  }
0x7b: {  	s18 =	sadd.s32 $0xC700, s9;
	s30 =	sor.u32 s7, s17;
	v12 =	vld [tilespmem:s29+$0x0]  }
0x7c: {  	s31 =	sor.u32 s7, s18;
	v13 =	vld [tilespmem:s30+$0x0]  }
0x7d: {  	s10 =	sor.u32 s6, s10;
	v14 =	vld [tilespmem:s31+$0x0]  }
0x7e: {  	v16 =	vld [tilespmem:s10+$0x0]  }
0x7f: {  	v17 =	vld [tilespmem:s10+$0x80]  }
0x80: {  	v18 =	vld [tilespmem:s10+$0x100]  }
0x81: {  	v19 =	vld [tilespmem:s10+$0x180]  }
0x82: {  	v20 =	vld [tilespmem:s10+$0x200]  }
0x83: {  	v21 =	vld [tilespmem:s10+$0x280]  }
0x84: {  	v22 =	vld [tilespmem:s10+$0x300]  }
0x85: {  	s12 =	sor.u32 s6, s12;
	v23 =	vld [tilespmem:s10+$0x380]  }
0x86: {  	s13 =	sor.u32 s6, s13;
	v24 =	vld [tilespmem:s12+$0x0]  }
0x87: {  	s20 =	sor.u32 s6, s14;
	v25 =	vld [tilespmem:s13+$0x0]  }
0x88: {  	s21 =	sor.u32 s6, s15;
	v26 =	vld [tilespmem:s20+$0x0]  }
0x89: {  	s22 =	sor.u32 s6, s16;
	v27 =	vld [tilespmem:s21+$0x0]  }
0x8a: {  	s19 =	sadd.s32 $0xC780, s9;
	s23 =	sor.u32 s6, s17;
	v28 =	vld [tilespmem:s22+$0x0]  }
0x8b: {  	s11 =	sor.u32 s7, s19;
	s24 =	simm.s32 $0x100;
	s10 =	simm.s32 $0x20;
	v29 =	vld [tilespmem:s23+$0x0]  }
0x8c: {  	s25 =	sor.u32 s6, s18;
	v15 =	vld [tilespmem:s11+$0x0];
	s9 =	sand.u32 $0x60, s10;
	s26 =	sand.u32 $0x3C00, s24  }
0x8d: {  	s6 =	sor.u32 s6, s19;
	v30 =	vld [tilespmem:s25+$0x0];
	s16 =	sor.u32 $0x8000, s26;
	s11 =	sor.u32 $0x10, s9  }
0x8e: {  	v31 =	vld [tilespmem:s6+$0x0];
	s28 =	sor.u32 s11, s16  }
0x8f: {  	v32 =	vld [tilespmem:s28+$0x0]  }
0x90: {  	v33 =	vld [tilespmem:s28+$0x80]  }
0x91: {  	v34 =	vld [tilespmem:s28+$0x100]  }
0x92: {  	v35 =	vld [tilespmem:s28+$0x180]  }
0x93: {  	s29 =	sadd.s32 $0xC400, s26;
	v36 =	vld [tilespmem:s28+$0x200]  }
0x94: {  	s14 =	sadd.s32 $0xC480, s26;
	s31 =	sadd.s32 $0xC500, s26;
	s23 =	sadd.s32 $0xC680, s26;
	v37 =	vld [tilespmem:s28+$0x280]  }
0x95: {  	s15 =	sadd.s32 $0xC580, s26;
	s24 =	sadd.s32 $0xC700, s26;
	s25 =	sor.u32 s11, s23;
	v38 =	vld [tilespmem:s28+$0x300]  }
0x96: {  	s21 =	sadd.s32 $0xC600, s26;
	s18 =	sadd.s32 $0xC780, s26;
	s26 =	sor.u32 s11, s24;
	v55 =	vld [tilespmem:s25+$0x0];
	v0 =	vadd.s32 v0, v1  }
0x97: {  	s19 =	sor.u32 s9, s16;
	v56 =	vld [tilespmem:s26+$0x0];
	v0 =	vadd.s32 v2, v0  }
0x98: {  	v58 =	vld [tilespmem:s19+$0x0];
	v0 =	vadd.s32 v3, v0  }
0x99: {  	v59 =	vld [tilespmem:s19+$0x80];
	v0 =	vadd.s32 v4, v0  }
0x9a: {  	v60 =	vld [tilespmem:s19+$0x100];
	v0 =	vadd.s32 v5, v0  }
0x9b: {  	s30 =	sor.u32 s11, s29;
	v1 =	vld [tilespmem:s28+$0x380];
	v0 =	vadd.s32 v6, v0;
	v6 =	vadd.s32 v16, v17  }
0x9c: {  	s28 =	sor.u32 s11, s18;
	v2 =	vld [tilespmem:s30+$0x0];
	v0 =	vadd.s32 v7, v0;
	v6 =	vadd.s32 v18, v6;
	v7 =	vadd.s32 v32, v33  }
0x9d: {  	s12 =	sor.u32 s11, s14;
	v57 =	vld [tilespmem:s28+$0x0];
	v0 =	vadd.s32 v8, v0;
	v6 =	vadd.s32 v19, v6;
	v7 =	vadd.s32 v34, v7  }
0x9e: {  	s20 =	sor.u32 s11, s31;
	v3 =	vld [tilespmem:s12+$0x0];
	v0 =	vadd.s32 v9, v0;
	v6 =	vadd.s32 v20, v6;
	v7 =	vadd.s32 v35, v7  }
0x9f: {  	s22 =	sor.u32 s11, s15;
	v4 =	vld [tilespmem:s20+$0x0];
	v0 =	vadd.s32 v10, v0;
	v6 =	vadd.s32 v21, v6;
	v7 =	vadd.s32 v36, v7  }
0xa0: {  	s20 =	sor.u32 s11, s21;
	v5 =	vld [tilespmem:s22+$0x0];
	v0 =	vadd.s32 v11, v0;
	v6 =	vadd.s32 v22, v6;
	v7 =	vadd.s32 v37, v7  }
0xa1: {  	v54 =	vld [tilespmem:s20+$0x0];
	v0 =	vadd.s32 v12, v0;
	v6 =	vadd.s32 v23, v6;
	v7 =	vadd.s32 v38, v7  }
0xa2: {  	v0 =	vadd.s32 v13, v0;
	v6 =	vadd.s32 v24, v6;
	v1 =	vadd.s32 v1, v7;
	v7 =	vld [tilespmem:s19+$0x180]  }
0xa3: {  	v0 =	vadd.s32 v14, v0;
	v6 =	vadd.s32 v25, v6;
	v1 =	vadd.s32 v2, v1;
	v2 =	vld [tilespmem:s19+$0x200]  }
0xa4: {  	v61 =	vadd.s32 v15, v0;
	v0 =	vadd.s32 v26, v6;
	v1 =	vadd.s32 v3, v1;
	v3 =	vld [tilespmem:s19+$0x280]  }
0xa5: {  	v6 =	vld [tilespmem:s19+$0x300];
	v0 =	vadd.s32 v27, v0;
	v1 =	vadd.s32 v4, v1;
	v4 =	vadd.s32 v58, v59  }
0xa6: {  	s8 =	sand.u32 $0x780, s8;
	s29 =	sor.u32 s9, s29;
	v0 =	vadd.s32 v28, v0;
	v1 =	vadd.s32 v5, v1;
	v4 =	vadd.s32 v60, v4;
	v5 =	vld [tilespmem:s19+$0x380]  }
0xa7: {  	s8 =	sor.u32 s7, s8;
	s16 =	sor.u32 s9, s14;
	v62 =	vadd.s32 v29, v0;
	v1 =	vadd.s32 v54, v1;
	v4 =	vadd.s32 v7, v4;
	v0 =	vld [tilespmem:s29+$0x0]  }
0xa8: {  	s7 =	simm.s32 $0x2;
	s6 =	simm.s32 $0x18800;
	s14 =	sor.u32 s9, s31;
	v7 =	vadd.s32 v30, v62;
	v63 =	vadd.s32 v55, v1;
	v2 =	vadd.s32 v2, v4;
	v1 =	vld [tilespmem:s16+$0x0]  }
0xa9: {  	s10 =	sand.u32 $0x780, s10;
	s31 =	sor.u32 s9, s21;
	s30 =	sor.u32 s9, s15;
	[tilespmem:s8+$0x18800] =	vst v61;
	v4 =	vadd.s32 v31, v7;
	v7 =	vadd.s32 v56, v63;
	v3 =	vadd.s32 v3, v2;
	v2 =	vld [tilespmem:s14+$0x0]  }
0xaa: {  	s10 =	sor.u32 s11, s10;
	s15 =	sor.u32 s9, s18;
	s12 =	sor.u32 s9, s24;
	[tilespmem:s6+$0x0] =	vst v4;
	v4 =	vadd.s32 v57, v7;
	v6 =	vadd.s32 v6, v3;
	v3 =	vld [tilespmem:s30+$0x0]  }
0xab: {  	s8 =	simm.s32 $0x200;
	s14 =	sor.u32 s9, s23;
	s9 =	simm.s32 $0x40;
	[tilespmem:s10+$0x18800] =	vst v4;
	v5 =	vadd.s32 v5, v6;
	v4 =	vld [tilespmem:s31+$0x0]  }
.LBB2_8:
0xac: {  	s13 =	sand.u32 $0x60, s9;
	s17 =	sand.u32 $0x3C00, s8;
	v0 =	vadd.s32 v0, v5;
	v5 =	vld [tilespmem:s14+$0x0]  }
0xad: {  	s7 =	sadd.s32 $0x2, s7;
	s14 =	sor.u32 $0x8000, s17;
	s11 =	sor.u32 $0x10, s13;
	v0 =	vadd.s32 v1, v0;
	v1 =	vld [tilespmem:s12+$0x0]  }
0xae: {  	p0 =	slt.u32 s7, $0x7E;
	s10 =	sor.u32 s13, s14;
	s12 =	sor.u32 s11, s14;
	v0 =	vadd.s32 v2, v0;
	v2 =	vld [tilespmem:s15+$0x0]  }
0xaf: {  	v6 =	vld [tilespmem:s12+$0x0];
	v0 =	vadd.s32 v3, v0  }
0xb0: {  	v3 =	vld [tilespmem:s12+$0x80];
	v0 =	vadd.s32 v4, v0  }
0xb1: {  	v4 =	vld [tilespmem:s12+$0x100];
	v0 =	vadd.s32 v5, v0  }
0xb2: {  	v5 =	vld [tilespmem:s12+$0x180];
	v0 =	vadd.s32 v1, v0  }
0xb3: {  	s6 =	sadd.s32 $0x20, s6;
	v1 =	vld [tilespmem:s12+$0x200];
	v0 =	vadd.s32 v2, v0  }
0xb4: {  	v2 =	vld [tilespmem:s12+$0x280];
	[tilespmem:s6+$0x0] =	vst v0  }
0xb5: {  	s14 =	sadd.s32 $0xC400, s17;
	v0 =	vadd.s32 v6, v3;
	v3 =	vld [tilespmem:s12+$0x300]  }
0xb6: {  	s15 =	sadd.s32 $0xC480, s17;
	s16 =	sor.u32 s13, s14;
	v0 =	vadd.s32 v4, v0;
	v4 =	vld [tilespmem:s12+$0x380];
	s12 =	sor.u32 s11, s14  }
0xb7: {  	s18 =	sor.u32 s13, s15;
	s14 =	sadd.s32 $0xC500, s17;
	v0 =	vadd.s32 v5, v0;
	v5 =	vld [tilespmem:s12+$0x0];
	s12 =	sor.u32 s11, s15  }
0xb8: {  	s19 =	sor.u32 s13, s14;
	s15 =	sadd.s32 $0xC580, s17;
	v0 =	vadd.s32 v1, v0;
	v1 =	vld [tilespmem:s12+$0x0];
	s12 =	sor.u32 s11, s14  }
0xb9: {  	s20 =	sor.u32 s13, s15;
	s14 =	sadd.s32 $0xC600, s17;
	v0 =	vadd.s32 v2, v0;
	v2 =	vld [tilespmem:s12+$0x0];
	s12 =	sor.u32 s11, s15  }
0xba: {  	s21 =	sor.u32 s13, s14;
	s15 =	sadd.s32 $0xC680, s17;
	v0 =	vadd.s32 v3, v0;
	v3 =	vld [tilespmem:s12+$0x0];
	s12 =	sor.u32 s11, s14  }
0xbb: {  	s22 =	sadd.s32 $0xC700, s17;
	s14 =	sor.u32 s13, s15;
	s15 =	sor.u32 s11, s15;
	v0 =	vadd.s32 v4, v0;
	v4 =	vld [tilespmem:s12+$0x0]  }
0xbc: {  	s17 =	sadd.s32 $0xC780, s17;
	s12 =	sor.u32 s13, s22;
	s22 =	sor.u32 s11, s22;
	v0 =	vadd.s32 v5, v0;
	v5 =	vld [tilespmem:s15+$0x0]  }
0xbd: {  	s15 =	sor.u32 s13, s17;
	s13 =	sor.u32 s11, s17;
	v0 =	vadd.s32 v1, v0;
	v1 =	vld [tilespmem:s22+$0x0]  }
0xbe: {  	v0 =	vadd.s32 v2, v0;
	v2 =	vld [tilespmem:s13+$0x0]  }
0xbf: {  	v6 =	vld [tilespmem:s10+$0x0];
	v0 =	vadd.s32 v3, v0  }
0xc0: {  	v3 =	vld [tilespmem:s10+$0x80];
	v0 =	vadd.s32 v4, v0  }
0xc1: {  	v4 =	vld [tilespmem:s10+$0x100];
	v0 =	vadd.s32 v5, v0  }
0xc2: {  	s13 =	sand.u32 $0x780, s9;
	v5 =	vld [tilespmem:s10+$0x180];
	v0 =	vadd.s32 v1, v0  }
0xc3: {  	s11 =	sor.u32 s11, s13;
	v1 =	vld [tilespmem:s10+$0x200];
	v0 =	vadd.s32 v2, v0  }
0xc4: {  	v2 =	vld [tilespmem:s10+$0x280];
	[tilespmem:s11+$0x18800] =	vst v0  }
0xc5: {  	v0 =	vadd.s32 v6, v3;
	v3 =	vld [tilespmem:s10+$0x300]  }
0xc6: {  	v0 =	vadd.s32 v4, v0;
	v4 =	vld [tilespmem:s10+$0x380]  }
.Ltmp4:
0xc7: {  	v5 =	vadd.s32 v5, v0;
	v0 =	vld [tilespmem:s16+$0x0];
	(pc) =	sbr.rel @p0 .LBB2_8-.Ltmp4, $4  }
0xc8: {  	v5 =	vadd.s32 v1, v5;
	v1 =	vld [tilespmem:s18+$0x0]  }
0xc9: {  	v5 =	vadd.s32 v2, v5;
	v2 =	vld [tilespmem:s19+$0x0]  }
0xca: {  	v5 =	vadd.s32 v3, v5;
	v3 =	vld [tilespmem:s20+$0x0]  }
0xcb: {  	s8 =	sadd.s32 $0x100, s8;
	s9 =	sadd.s32 $0x20, s9;
	v5 =	vadd.s32 v4, v5;
	v4 =	vld [tilespmem:s21+$0x0]  }
0xcc: {  	v0 =	vadd.s32 v0, v5;
	v48 =	vld [tilespmem:s14+$0x0]  }
0xcd: {  	v0 =	vadd.s32 v1, v0;
	v1 =	vld [tilespmem:s12+$0x0]  }
0xce: {  	v0 =	vadd.s32 v2, v0;
	v2 =	vld [tilespmem:s15+$0x0]  }
0xcf: {  	v0 =	vadd.s32 v3, v0  }
0xd0: {  	v0 =	vadd.s32 v4, v0  }
0xd1: {  	v0 =	vadd.s32 v48, v0  }
0xd2: {  	v0 =	vadd.s32 v1, v0  }
0xd3: {  	s6 =	sadd.s32 $0x20, s6;
	s23 =	simm.s32 $0x80;
	v0 =	vadd.s32 v2, v0  }
0xd4: {  	s7 =	simm.s32 $0x400;
	s8 =	simm.s32 $0x18800;
	s24 =	simm.s32 $0x1;
	[tilespmem:s6+$0x0] =	vst v0  }
0xd5: {  	[spmem:s4] =	stream.strided.scatter [tilespmem:s8], [sflag:$0x1], $0x800, s7, s23, $0x38;
	[tilespmem:$0x19880] =	vst v63  }
0xd6: {  	_ =	swait.ge [sflag:s24], $0x800  }
0xd7: {  	[sflag:s24] =	ssyncset.done $0x0  }
0xd8: {  	[sflag:s24] =	ssyncadd.s32 $0xFFFFF800  }
0xd9: {  	s25 =	simm.s32 $0x10800;
	[bflag:$0x0] =	sbarrier.arrive $0xFFFF  }
0xda: {  	[tilespmem:s25], [sflag:$0x1] =	stream.linear.gather [spmem:s3], $0x8000, $0x38;
	[tilespmem:$0x19880] =	vst v63  }
0xdb: {  	_ =	swait.ge [sflag:s24], $0x8000  }
0xdc: {  	s8 =	simm.s32 $0x0;
	[sflag:s24] =	ssyncset.done $0x0  }
0xdd: {  	s26 =	sand.u32 $0x70, s8;
	s6 =	sand.u32 $0x3C00, s8;
	[sflag:s24] =	ssyncadd.s32 $0xFFFF8000  }
0xde: {  	s7 =	sor.u32 s26, s6;
	[bflag:$0x0] =	sbarrier.arrive $0xFFFF  }
0xdf: {  	s9 =	sadd.s32 $0x10800, s7;
	v0 =	vld [tilespmem:s7+$0x10800]  }
0xe0: {  	v1 =	vld [tilespmem:s9+$0x80]  }
0xe1: {  	v2 =	vld [tilespmem:s9+$0x100]  }
0xe2: {  	s10 =	sand.u32 $0x7, s8;
	v3 =	vld [tilespmem:s9+$0x180]  }
0xe3: {  	s10 =	sshll.u32 s10, $0x4;
	v49 =	vld [tilespmem:s9+$0x200]  }
0xe4: {  	s10 =	sadd.s32 $0x0, s10;
	v50 =	vld [tilespmem:s9+$0x280]  }
0xe5: {  	s28 =	sor.u32 $0x380, s10;
	v0 =	vadd.s32 v0, v1;
	v1 =	vld [tilespmem:s9+$0x300]  }
0xe6: {  	v0 =	vadd.s32 v2, v0;
	v2 =	vld [tilespmem:s28+$0x10800]  }
0xe7: {  	v0 =	vadd.s32 v3, v0;
	v3 =	vld [tilespmem:s7+$0x14800]  }
0xe8: {  	v51 =	vld [tilespmem:s7+$0x14880];
	v0 =	vadd.s32 v49, v0  }
0xe9: {  	v52 =	vld [tilespmem:s7+$0x14900];
	v0 =	vadd.s32 v50, v0  }
0xea: {  	v0 =	vadd.s32 v1, v0;
	v1 =	vld [tilespmem:s7+$0x14980]  }
0xeb: {  	v0 =	vadd.s32 v2, v0;
	v2 =	vld [tilespmem:s7+$0x14A00]  }
0xec: {  	v0 =	vadd.s32 v3, v0;
	v3 =	vld [tilespmem:s7+$0x14A80]  }
0xed: {  	v53 =	vld [tilespmem:s7+$0x14B00];
	v0 =	vadd.s32 v51, v0  }
0xee: {  	v54 =	vld [tilespmem:s7+$0x14B80];
	v0 =	vadd.s32 v52, v0  }
0xef: {  	s29 =	simm.s32 $0x10;
	s30 =	simm.s32 $0x80;
	v0 =	vadd.s32 v1, v0  }
0xf0: {  	s9 =	sand.u32 $0x70, s29;
	s7 =	sand.u32 $0x3C00, s30;
	v0 =	vadd.s32 v2, v0  }
0xf1: {  	s7 =	sor.u32 s9, s7;
	v0 =	vadd.s32 v3, v0  }
0xf2: {  	s9 =	sadd.s32 $0x10800, s7;
	v1 =	vld [tilespmem:s7+$0x10800];
	v0 =	vadd.s32 v53, v0  }
0xf3: {  	v2 =	vld [tilespmem:s9+$0x80];
	v3 =	vadd.s32 v54, v0  }
0xf4: {  	s10 =	simm.s32 $0x1;
	v0 =	vld [tilespmem:s9+$0x100];
	(xrf0) =	vadd.scan.msk.s32 $0xffff, v3  }
0xf5: {  	s11 =	sand.u32 $0x7, s10;
	v55 =	vld [tilespmem:s9+$0x180]  }
0xf6: {  	s11 =	sshll.u32 s11, $0x4;
	v56 =	vld [tilespmem:s9+$0x200]  }
0xf7: {  	s11 =	sadd.s32 $0x80, s11;
	v6 =	vld [tilespmem:s9+$0x280]  }
0xf8: {  	s31 =	sor.u32 $0x380, s11;
	v1 =	vadd.s32 v1, v2;
	v2 =	vld [tilespmem:s9+$0x300]  }
0xf9: {  	v0 =	vadd.s32 v0, v1;
	v1 =	vld [tilespmem:s31+$0x10800]  }
0xfa: {  	v57 =	vld [tilespmem:s7+$0x14800];
	v0 =	vadd.s32 v55, v0;
	v7, _, _ =	vpop (xrf0)  }
0xfb: {  	v8 =	vld [tilespmem:s7+$0x14880];
	v5 =	vadd.s32 v56, v0;
	v0 =	vimm.s32 $0x0;
	v7 =	vadd.s32 s8, v7  }
0xfc: {  	v58 =	vld [tilespmem:s7+$0x14900];
	v5 =	vadd.s32 v6, v5;
	vm0 =	vlt.s32 v7, $0x20001;
	v7 =	vxor.u32 $0x80000000, v7  }
0xfd: {  	v59 =	vld [tilespmem:s7+$0x14980];
	v2 =	vadd.s32 v2, v5;
	(xrf0) =	vmax.scan.msk.u32 $0xffff, v7;
	v60 =	vsel vm0, $0x1, v0  }
0xfe: {  	v1 =	vadd.s32 v1, v2;
	v2 =	vld [tilespmem:s7+$0x14A00];
	v3 =	vnsel vm0, $0x0, v3;
	(xrf0) =	vadd.scan.msk.s32 $0xffff, v60  }
0xff: {  	v1 =	vadd.s32 v57, v1;
	(xrf0) =	vadd.scan.msk.s32 $0xffff, v3  }
0x100: {  	v1 =	vadd.s32 v8, v1  }
0x101: {  	v1 =	vadd.s32 v58, v1  }
0x102: {  	v1 =	vadd.s32 v59, v1  }
0x103: {  	v1 =	vadd.s32 v2, v1;
	v2, _, _ =	vpop (xrf0)  }
0x104: {  	v63, _, _ =	vpop (xrf0);
	(v2sf) =	vpush v2, $0xF  }
0x105: {  	(v2sf) =	vpush v63, $0xF;
	v2, _, _ =	vpop (xrf0)  }
0x106: {  	v61 =	vld [tilespmem:s7+$0x14A80];
	(v2sf) =	vpush v2, $0xF  }
0x107: {  	v3 =	vld [tilespmem:s7+$0x14B00]  }
0x108: {  	v62 =	vld [tilespmem:s7+$0x14B80];
	_ =	sdelay $0x2  }
0x109: {  	v1 =	vadd.s32 v61, v1  }
0x10a: {  	v1 =	vadd.s32 v3, v1  }
0x10b: {  	v1 =	vadd.s32 v62, v1  }
0x10c: {  	(xrf0) =	vadd.scan.msk.s32 $0xffff, v1  }
0x10d: {  	s13 =	simm.s32 $0x30;
	s12 =	simm.s32 $0x20  }
0x10e: {  	s11 =	simm.s32 $0x100;
	s9 =	simm.s32 $0x0;
	s7 =	simm.s32 $0x0  }
.LBB2_10:
0x10f: {  	p0 =	sne.s32 s13, $0x7F0;
	s12 =	sand.u32 $0x70, s12;
	s14 =	sand.u32 $0x3C00, s11  }
0x110: {  	s14 =	sor.u32 s12, s14;
	s12 =	smov.u32 s13  }
0x111: {  	s15 =	sadd.s32 $0x10800, s14;
	v2 =	vld [tilespmem:s14+$0x10800];
	s16 =	spop (v2sf)  }
0x112: {  	v3 =	vld [tilespmem:s15+$0x80];
	v4, _, _ =	vpop (xrf0);
	s16 =	sxor.u32 $0x80000000, s16;
	s17 =	spop (v2sf)  }
0x113: {  	s10 =	sadd.s32 $0x1, s10;
	v5 =	vld [tilespmem:s15+$0x100];
	v4 =	vadd.s32 s16, v4;
	s9 =	sadd.s32 s9, s17;
	s16 =	spop (v2sf)  }
0x114: {  	s17 =	sand.u32 $0x7, s10;
	v6 =	vld [tilespmem:s15+$0x180];
	vm0 =	vlt.s32 v4, $0x20001;
	v4 =	vxor.u32 $0x80000000, v4;
	s7 =	sadd.s32 s7, s16  }
0x115: {  	s16 =	sshll.u32 s17, $0x4;
	v7 =	vld [tilespmem:s15+$0x200];
	v8 =	vsel vm0, $0x1, v0;
	v1 =	vnsel vm0, $0x0, v1;
	(xrf0) =	vmax.scan.msk.u32 $0xffff, v4  }
0x116: {  	s16 =	sadd.s32 s16, s11;
	v4 =	vld [tilespmem:s15+$0x280];
	(xrf0) =	vadd.scan.msk.s32 $0xffff, v8  }
0x117: {  	v2 =	vadd.s32 v2, v3;
	v3 =	vld [tilespmem:s15+$0x300];
	s15 =	sor.u32 $0x380, s16;
	(xrf0) =	vadd.scan.msk.s32 $0xffff, v1  }
0x118: {  	v1 =	vadd.s32 v5, v2;
	v2 =	vld [tilespmem:s15+$0x10800]  }
0x119: {  	v1 =	vadd.s32 v6, v1;
	v5 =	vld [tilespmem:s14+$0x14800]  }
0x11a: {  	v1 =	vadd.s32 v7, v1;
	v6 =	vld [tilespmem:s14+$0x14880]  }
0x11b: {  	v1 =	vadd.s32 v4, v1;
	v4 =	vld [tilespmem:s14+$0x14900];
	v7, _, _ =	vpop (xrf0)  }
0x11c: {  	v1 =	vadd.s32 v3, v1;
	v3 =	vld [tilespmem:s14+$0x14980];
	v8, _, _ =	vpop (xrf0);
	(v2sf) =	vpush v7, $0xF  }
0x11d: {  	v1 =	vadd.s32 v2, v1;
	v2 =	vld [tilespmem:s14+$0x14A00];
	(v2sf) =	vpush v8, $0xF;
	v7, _, _ =	vpop (xrf0)  }
0x11e: {  	v1 =	vadd.s32 v5, v1;
	v5 =	vld [tilespmem:s14+$0x14A80];
	(v2sf) =	vpush v7, $0xF  }
0x11f: {  	v1 =	vadd.s32 v6, v1;
	v6 =	vld [tilespmem:s14+$0x14B00]  }
0x120: {  	v1 =	vadd.s32 v4, v1;
	v4 =	vld [tilespmem:s14+$0x14B80]  }
0x121: {  	v1 =	vadd.s32 v3, v1  }
0x122: {  	v1 =	vadd.s32 v2, v1  }
0x123: {  	v1 =	vadd.s32 v5, v1  }
.Ltmp5:
0x124: {  	v1 =	vadd.s32 v6, v1;
	(pc) =	sbr.rel @p0 .LBB2_10-.Ltmp5, $3  }
0x125: {  	v1 =	vadd.s32 v4, v1  }
0x126: {  	(xrf0) =	vadd.scan.msk.s32 $0xffff, v1;
	_ =	sdelay $0x1  }
0x127: {  	s13 =	sadd.s32 $0x10, s13;
	s11 =	sadd.s32 $0x80, s11  }
0x128: {  	s12 =	sand.u32 $0x70, s12;
	s13 =	sand.u32 $0x3C00, s11  }
0x129: {  	s12 =	sor.u32 s12, s13  }
0x12a: {  	s13 =	sadd.s32 $0x10800, s12;
	v2 =	vld [tilespmem:s12+$0x10800];
	s14 =	spop (v2sf)  }
0x12b: {  	v3 =	vld [tilespmem:s13+$0x80];
	v4, _, _ =	vpop (xrf0);
	s14 =	sxor.u32 $0x80000000, s14  }
0x12c: {  	s10 =	sadd.s32 $0x1, s10;
	v5 =	vld [tilespmem:s13+$0x100];
	v4 =	vadd.s32 s14, v4  }
0x12d: {  	s10 =	sand.u32 $0x7, s10;
	v6 =	vld [tilespmem:s13+$0x180];
	v7 =	vxor.u32 $0x80000000, v4  }
0x12e: {  	s10 =	sshll.u32 s10, $0x4;
	v8 =	vld [tilespmem:s13+$0x200];
	(xrf0) =	vmax.scan.msk.u32 $0xffff, v7  }
0x12f: {  	s10 =	sadd.s32 s10, s11;
	v54 =	vld [tilespmem:s13+$0x280]  }
0x130: {  	s10 =	sor.u32 $0x380, s10;
	v2 =	vadd.s32 v2, v3;
	v3 =	vld [tilespmem:s13+$0x300]  }
0x131: {  	v55 =	vld [tilespmem:s10+$0x10800];
	v2 =	vadd.s32 v5, v2  }
0x132: {  	v56 =	vld [tilespmem:s12+$0x14800];
	v2 =	vadd.s32 v6, v2  }
0x133: {  	v57 =	vld [tilespmem:s12+$0x14880];
	v2 =	vadd.s32 v8, v2  }
0x134: {  	v58 =	vld [tilespmem:s12+$0x14900];
	v2 =	vadd.s32 v54, v2;
	v9, _, _ =	vpop (xrf0)  }
0x135: {  	v2 =	vadd.s32 v3, v2;
	(v2sf) =	vpush v9, $0xF;
	v3 =	vld [tilespmem:s12+$0x14980]  }
0x136: {  	v59 =	vld [tilespmem:s12+$0x14A00];
	v2 =	vadd.s32 v55, v2  }
0x137: {  	v60 =	vld [tilespmem:s12+$0x14A80];
	v2 =	vadd.s32 v56, v2  }
0x138: {  	v61 =	vld [tilespmem:s12+$0x14B00];
	v2 =	vadd.s32 v57, v2  }
0x139: {  	v62 =	vld [tilespmem:s12+$0x14B80];
	v2 =	vadd.s32 v58, v2  }
0x13a: {  	v2 =	vadd.s32 v3, v2  }
0x13b: {  	vm0 =	vlt.s32 v4, $0x20001;
	v2 =	vadd.s32 v59, v2  }
0x13c: {  	v3 =	vsel vm0, $0x1, v0;
	v2 =	vadd.s32 v60, v2  }
0x13d: {  	v1 =	vnsel vm0, $0x0, v1;
	(xrf0) =	vadd.scan.msk.s32 $0xffff, v3;
	v2 =	vadd.s32 v61, v2  }
0x13e: {  	(xrf0) =	vadd.scan.msk.s32 $0xffff, v1;
	v1 =	vadd.s32 v62, v2  }
0x13f: {  	(xrf0) =	vadd.scan.msk.s32 $0xffff, v1;
	_ =	sdelay $0x2  }
0x140: {  	s21 =	spop (v2sf)  }
0x141: {  	s22 =	spop (v2sf);
	v2, _, _ =	vpop (xrf0)  }
0x142: {  	v3, _, _ =	vpop (xrf0);
	s23 =	spop (v2sf)  }
0x143: {  	v63, _, _ =	vpop (xrf0);
	s12 =	sxor.u32 $0x80000000, s23  }
0x144: {  	v4 =	vadd.s32 s12, v63  }
0x145: {  	vm0 =	vlt.s32 v4, $0x20001;
	v4 =	vxor.u32 $0x80000000, v4  }
0x146: {  	v0 =	vsel vm0, $0x1, v0;
	(xrf0) =	vmax.scan.msk.u32 $0xffff, v4  }
0x147: {  	v1 =	vnsel vm0, $0x0, v1;
	(xrf0) =	vadd.scan.msk.s32 $0xffff, v0  }
0x148: {  	(xrf0) =	vadd.scan.msk.s32 $0xffff, v1;
	_ =	sdelay $0x2  }
0x149: {  	(v2sf) =	vpush v2, $0xF  }
0x14a: {  	(v2sf) =	vpush v3, $0xF;
	v0, _, _ =	vpop (xrf0)  }
0x14b: {  	v1, _, _ =	vpop (xrf0);
	(v2sf) =	vpush v0, $0xF  }
0x14c: {  	(v2sf) =	vpush v1, $0xF;
	v0, _, _ =	vpop (xrf0)  }
0x14d: {  	(v2sf) =	vpush v0, $0xF;
	_ =	sdelay $0x9  }
0x14e: {  	s24 =	simm.s32 $0x0  }
0x14f: {  	s9 =	sadd.s32 s9, s21;
	s12 =	smul.u32 $0x11000, s24;
	s25 =	spop (v2sf)  }
0x150: {  	s7 =	sadd.s32 s7, s22;
	s10 =	simm.s32 $0x0;
	s26 =	spop (v2sf)  }
0x151: {  	s28 =	sadd.s32 s9, s25;
	s9 =	sshra.s32 s12, $0x2;
	s29 =	spop (v2sf)  }
0x152: {  	s31 =	sand.u32 $0x380, s10;
	s6 =	sadd.s32 s6, s9;
	s30 =	spop (v2sf)  }
0x153: {  	v0 =	vimm.s32 $0x0;
	s14 =	sadd.s32 s7, s26;
	s9 =	sor.u32 s31, s6;
	s15 =	spop (v2sf)  }
0x154: {  	[tilespmem:s9+$0x8070] =	vst v0;
	s7 =	sadd.s32 s28, s30;
	s6 =	sadd.s32 s14, s15  }
.LBB2_12:
0x155: {  	s10 =	sadd.s32 $0x8, s10;
	[tilespmem:s9+$0x8000] =	vst v0  }
0x156: {  	s11 =	sshrl.u32 s10, $0xA;
	p0 =	slt.u32 s10, $0x7F8;
	[tilespmem:s9+$0x8010] =	vst v0  }
0x157: {  	s11 =	smul.u32 $0x11000, s11;
	[tilespmem:s9+$0x8020] =	vst v0  }
.Ltmp6:
0x158: {  	s8 =	sadd.s32 $0x400, s8;
	[tilespmem:s9+$0x8030] =	vst v0;
	(pc) =	sbr.rel @p0 .LBB2_12-.Ltmp6, $4  }
0x159: {  	s12 =	sand.u32 $0x3C00, s8;
	s11 =	sshra.s32 s11, $0x2;
	[tilespmem:s9+$0x8040] =	vst v0  }
0x15a: {  	s13 =	sand.u32 $0x380, s10;
	s11 =	sadd.s32 s12, s11;
	[tilespmem:s9+$0x8050] =	vst v0  }
0x15b: {  	[tilespmem:s9+$0x8060] =	vst v0;
	s9 =	sor.u32 s13, s11  }
0x15c: {  	[tilespmem:s9+$0x8070] =	vst v0  }
0x15d: {  	v1 =	vimm.s32 $0x4780  }
0x15e: {  	v1 =	vsel vm1, $0x0, v1  }
0x15f: {  	v1 =	vsel vm2, $0x80, v1  }
0x160: {  	v1 =	vsel vm3, $0x100, v1  }
0x161: {  	v1 =	vsel vm4, $0x180, v1  }
0x162: {  	v1 =	vsel vm5, $0x200, v1  }
0x163: {  	v1 =	vsel vm6, $0x280, v1  }
0x164: {  	vm0 =	vcmask $0x1F1C;
	v1 =	vsel vm15, $0x300, v1  }
0x165: {  	v1 =	vsel vm0, $0x380, v1;
	vm0 =	vcmask $0x2320  }
0x166: {  	vm7 =	vmmov vm1;
	[tilespmem:s9+$0x8000] =	vst v0;
	v1 =	vsel vm0, $0x4400, v1;
	vm0 =	vcmask $0x2724  }
0x167: {  	vm8 =	vmmov vm2;
	[tilespmem:s9+$0x8010] =	vst v0;
	v1 =	vsel vm0, $0x4480, v1;
	vm0 =	vcmask $0x2B28  }
0x168: {  	vm9 =	vmmov vm3;
	[tilespmem:s9+$0x8020] =	vst v0;
	v1 =	vsel vm0, $0x4500, v1;
	vm0 =	vcmask $0x2F2C  }
0x169: {  	vm10 =	vmmov vm4;
	vm11 =	vmmov vm5;
	[tilespmem:s9+$0x8030] =	vst v0;
	v1 =	vsel vm0, $0x4580, v1  }
0x16a: {  	vm12 =	vmmov vm6;
	[tilespmem:s9+$0x8040] =	vst v0;
	vm0 =	vcmask $0x3734;
	v1 =	vsel vm14, $0x4600, v1  }
0x16b: {  	vm13 =	vmmov vm15;
	[tilespmem:s9+$0x8050] =	vst v0;
	s8 =	simm.s32 $0x0;
	v1 =	vsel vm0, $0x4680, v1;
	vm0 =	vcmask $0x3B38  }
0x16c: {  	[tilespmem:s9+$0x8060] =	vst v0;
	v0 =	vmov s7;
	s9 =	simm.s32 $0x1;
	v2 =	vimm.s32 $0x1;
	s10 =	simm.s32 $0x8000;
	s11 =	simm.s32 $0x0;
	v1 =	vsel vm0, $0x4700, v1  }
.LBB2_14:
0x16d: {  	s12 =	sshll.u32 s11, $0xC  }
0x16e: {  	s31 =	simm.s32 $0x0;
	s13 =	sand.u32 $0xC00, s8;
	s12 =	sadd.s32 s12, s5  }
0x16f: {  	[tilespmem:s8], [sflag:$0x1] =	stream.linear.gather [hbm4b:s12+s8], $0x8000, $0x38;
	[tilespmem:$0x19880] =	vst v63  }
0x170: {  	s14 =	simm.s32 $0x0;
	s12 =	sand.u32 $0x7000, s31;
	_ =	swait.ge [sflag:s9], $0x8000  }
0x171: {  	s14 =	sand.u32 $0x380, s14;
	s12 =	sor.u32 s13, s12;
	[sflag:s9] =	ssyncset.done $0x0  }
0x172: {  	s12 =	sor.u32 s14, s12;
	[sflag:s9] =	ssyncadd.s32 $0xFFFF8000  }
0x173: {  	v9 =	vld [tilespmem:s12+$0x70]  }
0x174: {  	v4 =	vld [tilespmem:s12+$0x0]  }
0x175: {  	v3 =	vld [tilespmem:s12+$0x10]  }
0x176: {  	v5 =	vld [tilespmem:s12+$0x20]  }
0x177: {  	v7 =	vld [tilespmem:s12+$0x30]  }
0x178: {  	v6 =	vld [tilespmem:s12+$0x40];
	_ =	sdelay $0x1  }
0x179: {  	v8 =	vld [tilespmem:s12+$0x50];
	v10 =	vshrl.u32 v9, $0xA;
	v11 =	vshrl.u32 v9, $0x7  }
0x17a: {  	v12 =	vshrl.u32 v9, $0x15;
	v13 =	vshrl.u32 v4, $0xA;
	v14 =	vshrl.u32 v3, $0xA  }
0x17b: {  	v15 =	vshrl.u32 v3, $0x7;
	v16 =	vshrl.u32 v5, $0xA;
	v19 =	vshrl.u32 v5, $0x7  }
0x17c: {  	v20 =	vshrl.u32 v7, $0xA;
	v21 =	vshrl.u32 v7, $0x7;
	v22 =	vshrl.u32 v6, $0xA  }
0x17d: {  	v23 =	vshrl.u32 v6, $0x7;
	v10 =	vand.u32 $0x7F, v10;
	v11 =	vand.u32 $0x3C00, v11  }
0x17e: {  	v9 =	vld [tilespmem:s12+$0x60];
	v24 =	vshrl.u32 v8, $0xA;
	vm0 =	veq.s32 v12, v0;
	v10 =	vor.u32 v10, v11  }
0x17f: {  	v25 =	vshrl.u32 v8, $0x7;
	v12 =	vshrl.u32 v4, $0x7;
	v18 =	vadd.s32 v1, v10  }
0x180: {  	v14 =	vand.u32 $0x7F, v14;
	v17 =	vand.u32 $0x3C00, v15;
	v15 =	vand.u32 $0x3C00, v19  }
0x181: {  	v19 =	vand.u32 $0x3C00, v21;
	v23 =	vand.u32 $0x3C00, v23;
	v21 =	vand.u32 $0x3C00, v25  }
0x182: {  	v10 =	vand.u32 $0x7F, v13;
	v13 =	vand.u32 $0x3C00, v12;
	v12 =	vand.u32 $0x7F, v16  }
0x183: {  	v16 =	vand.u32 $0x7F, v20;
	v20 =	vand.u32 $0x7F, v22;
	v26 =	vshrl.u32 v9, $0xA  }
0x184: {  	s13 =	simm.s32 $0x0;
	s12 =	simm.s32 $0x0;
	v11 =	vshrl.u32 v9, $0x7;
	v22 =	vand.u32 $0x7F, v26;
	[tilespmem:v18+s10+$0x0] =	vst.idx.add.s32.msk vm0, v2;
	v18 =	vand.u32 $0x7F, v24  }
.LBB2_15:
0x185: {  	s12 =	sadd.s32 $0x8, s12;
	v10 =	vor.u32 v10, v13;
	v13 =	vor.u32 v14, v17;
	v11 =	vand.u32 $0x3C00, v11  }
0x186: {  	v12 =	vor.u32 v12, v15;
	v14 =	vor.u32 v16, v19;
	v15 =	vor.u32 v20, v23;
	s13 =	sadd.s32 $0x400, s13;
	s14 =	sshll.u32 s12, $0x4;
	p0 =	slt.u32 s12, $0x7F8  }
0x187: {  	v16 =	vshrl.u32 v4, $0x15;
	v17 =	vor.u32 v18, v21;
	s15 =	sand.u32 $0xC00, s13;
	s16 =	sshll.u32 s12, $0x2;
	v11 =	vor.u32 v22, v11;
	s14 =	sand.u32 $0x7000, s14  }
0x188: {  	v18 =	vshrl.u32 v3, $0x15;
	v19 =	vshrl.u32 v5, $0x15;
	v7 =	vshrl.u32 v7, $0x15;
	s16 =	sand.u32 $0x380, s16;
	s14 =	sor.u32 s15, s14  }
0x189: {  	v6 =	vshrl.u32 v6, $0x15;
	v8 =	vshrl.u32 v8, $0x15;
	v9 =	vshrl.u32 v9, $0x15;
	s14 =	sor.u32 s16, s14  }
0x18a: {  	v10 =	vadd.s32 v1, v10;
	v13 =	vadd.s32 v1, v13;
	v12 =	vadd.s32 v1, v12;
	v20 =	vld [tilespmem:s14+$0x70]  }
0x18b: {  	v14 =	vadd.s32 v1, v14;
	v15 =	vadd.s32 v1, v15;
	v21 =	vadd.s32 v1, v17;
	v4 =	vld [tilespmem:s14+$0x0]  }
0x18c: {  	vm5 =	veq.s32 v16, v0;
	vm4 =	veq.s32 v18, v0;
	v18 =	vadd.s32 v1, v11;
	v3 =	vld [tilespmem:s14+$0x10]  }
0x18d: {  	vm3 =	veq.s32 v19, v0;
	vm2 =	veq.s32 v7, v0;
	vm1 =	veq.s32 v6, v0;
	v5 =	vld [tilespmem:s14+$0x20]  }
0x18e: {  	vm0 =	veq.s32 v8, v0;
	vm15 =	veq.s32 v9, v0;
	v7 =	vld [tilespmem:s14+$0x30]  }
0x18f: {  	v6 =	vld [tilespmem:s14+$0x40];
	v9 =	vshrl.u32 v20, $0xA;
	v11 =	vshrl.u32 v20, $0x7  }
0x190: {  	v16 =	vshrl.u32 v20, $0x15;
	v8 =	vld [tilespmem:s14+$0x50];
	v17 =	vand.u32 $0x7F, v9;
	v11 =	vand.u32 $0x3C00, v11  }
0x191: {  	v19 =	vshrl.u32 v4, $0xA;
	vm6 =	veq.s32 v16, v0;
	v9 =	vld [tilespmem:s14+$0x60];
	v11 =	vor.u32 v17, v11  }
0x192: {  	v16 =	vshrl.u32 v4, $0x7;
	v17 =	vshrl.u32 v3, $0xA;
	v20 =	vadd.s32 v1, v11;
	[tilespmem:v10+s10+$0x0] =	vst.idx.add.s32.msk vm5, v2  }
0x193: {  	v22 =	vshrl.u32 v3, $0x7;
	v23 =	vshrl.u32 v5, $0xA;
	v24 =	vshrl.u32 v5, $0x7;
	[tilespmem:v13+s10+$0x0] =	vst.idx.add.s32.msk vm4, v2  }
0x194: {  	v25 =	vshrl.u32 v7, $0xA;
	v26 =	vshrl.u32 v7, $0x7;
	v27 =	vshrl.u32 v6, $0xA;
	[tilespmem:v12+s10+$0x0] =	vst.idx.add.s32.msk vm3, v2  }
0x195: {  	v28 =	vshrl.u32 v6, $0x7;
	v29 =	vshrl.u32 v8, $0xA;
	v30 =	vshrl.u32 v8, $0x7;
	[tilespmem:v14+s10+$0x0] =	vst.idx.add.s32.msk vm2, v2  }
.Ltmp7:
0x196: {  	v10 =	vand.u32 $0x7F, v19;
	v31 =	vshrl.u32 v9, $0xA;
	v11 =	vshrl.u32 v9, $0x7;
	[tilespmem:v15+s10+$0x0] =	vst.idx.add.s32.msk vm1, v2;
	(pc) =	sbr.rel @p0 .LBB2_15-.Ltmp7, $4  }
0x197: {  	v13 =	vand.u32 $0x3C00, v16;
	v14 =	vand.u32 $0x7F, v17;
	v17 =	vand.u32 $0x3C00, v22;
	[tilespmem:v20+s10+$0x0] =	vst.idx.add.s32.msk vm6, v2  }
0x198: {  	v12 =	vand.u32 $0x7F, v23;
	v16 =	vand.u32 $0x7F, v25;
	v15 =	vand.u32 $0x3C00, v24;
	[tilespmem:v21+s10+$0x0] =	vst.idx.add.s32.msk vm0, v2  }
0x199: {  	v19 =	vand.u32 $0x3C00, v26;
	v23 =	vand.u32 $0x3C00, v28;
	v20 =	vand.u32 $0x7F, v27;
	[tilespmem:v18+s10+$0x0] =	vst.idx.add.s32.msk vm15, v2  }
0x19a: {  	v22 =	vand.u32 $0x7F, v31;
	v21 =	vand.u32 $0x3C00, v30;
	v18 =	vand.u32 $0x7F, v29  }
0x19b: {  	v10 =	vor.u32 v10, v13;
	v51 =	vor.u32 v14, v17  }
0x19c: {  	v11 =	vand.u32 $0x3C00, v11;
	v12 =	vor.u32 v12, v15;
	v52 =	vor.u32 v16, v19  }
0x19d: {  	v53 =	vor.u32 v20, v23;
	v4 =	vshrl.u32 v4, $0x15;
	v54 =	vor.u32 v18, v21  }
0x19e: {  	v3 =	vshrl.u32 v3, $0x15;
	v55 =	vshrl.u32 v5, $0x15;
	vm0 =	veq.s32 v4, v0  }
0x19f: {  	v58 =	vshrl.u32 v6, $0x15;
	v56 =	vadd.s32 v1, v10;
	vm1 =	veq.s32 v3, v0  }
0x1a0: {  	v61 =	vshrl.u32 v9, $0x15;
	v57 =	vadd.s32 v1, v51;
	vm2 =	veq.s32 v55, v0  }
0x1a1: {  	v11 =	vor.u32 v22, v11;
	v59 =	vadd.s32 v1, v12;
	vm4 =	veq.s32 v58, v0  }
0x1a2: {  	v3 =	vshrl.u32 v7, $0x15;
	v62 =	vadd.s32 v1, v53;
	vm6 =	veq.s32 v61, v0  }
0x1a3: {  	vm3 =	veq.s32 v3, v0;
	v3 =	vshrl.u32 v8, $0x15;
	v63 =	vadd.s32 v1, v11  }
0x1a4: {  	s11 =	sadd.s32 $0x1, s11;
	v60 =	vadd.s32 v1, v52;
	vm5 =	veq.s32 v3, v0;
	[tilespmem:v56+s10+$0x0] =	vst.idx.add.s32.msk vm0, v2  }
0x1a5: {  	p0 =	sne.s32 s11, $0x4;
	v3 =	vadd.s32 v1, v54;
	[tilespmem:v57+s10+$0x0] =	vst.idx.add.s32.msk vm1, v2  }
.Ltmp8:
0x1a6: {  	[tilespmem:v59+s10+$0x0] =	vst.idx.add.s32.msk vm2, v2;
	(pc) =	sbr.rel @p0 .LBB2_14-.Ltmp8, $4  }
0x1a7: {  	[tilespmem:v62+s10+$0x0] =	vst.idx.add.s32.msk vm4, v2  }
0x1a8: {  	[tilespmem:v63+s10+$0x0] =	vst.idx.add.s32.msk vm6, v2  }
0x1a9: {  	[tilespmem:v60+s10+$0x0] =	vst.idx.add.s32.msk vm3, v2  }
0x1aa: {  	[tilespmem:v3+s10+$0x0] =	vst.idx.add.s32.msk vm5, v2  }
0x1ab: {  	s10 =	simm.s32 $0x0  }
0x1ac: {  	s8 =	sand.u32 $0x60, s10;
	s11 =	sand.u32 $0x3C00, s10  }
0x1ad: {  	s12 =	sor.u32 $0x8000, s11;
	s9 =	sor.u32 $0x10, s8  }
0x1ae: {  	s13 =	sor.u32 s9, s12  }
0x1af: {  	v0 =	vld [tilespmem:s13+$0x0]  }
0x1b0: {  	v1 =	vld [tilespmem:s13+$0x80]  }
0x1b1: {  	v2 =	vld [tilespmem:s13+$0x100]  }
0x1b2: {  	v3 =	vld [tilespmem:s13+$0x180]  }
0x1b3: {  	v4 =	vld [tilespmem:s13+$0x200]  }
0x1b4: {  	v5 =	vld [tilespmem:s13+$0x280]  }
0x1b5: {  	s14 =	sadd.s32 $0xC400, s11;
	v6 =	vld [tilespmem:s13+$0x300]  }
0x1b6: {  	s15 =	sadd.s32 $0xC480, s11;
	s24 =	sor.u32 s9, s14;
	v7 =	vld [tilespmem:s13+$0x380]  }
0x1b7: {  	s16 =	sadd.s32 $0xC500, s11;
	s25 =	sor.u32 s9, s15;
	v8 =	vld [tilespmem:s24+$0x0]  }
0x1b8: {  	s17 =	sadd.s32 $0xC580, s11;
	s26 =	sor.u32 s9, s16;
	v9 =	vld [tilespmem:s25+$0x0]  }
0x1b9: {  	s18 =	sadd.s32 $0xC600, s11;
	s28 =	sor.u32 s9, s17;
	v10 =	vld [tilespmem:s26+$0x0]  }
0x1ba: {  	s19 =	sadd.s32 $0xC680, s11;
	s29 =	sor.u32 s9, s18;
	v11 =	vld [tilespmem:s28+$0x0]  }
0x1bb: {  	s20 =	sadd.s32 $0xC700, s11;
	s30 =	sor.u32 s9, s19;
	v12 =	vld [tilespmem:s29+$0x0]  }
0x1bc: {  	s31 =	sor.u32 s9, s20;
	v13 =	vld [tilespmem:s30+$0x0]  }
0x1bd: {  	s12 =	sor.u32 s8, s12;
	v14 =	vld [tilespmem:s31+$0x0]  }
0x1be: {  	v16 =	vld [tilespmem:s12+$0x0]  }
0x1bf: {  	v17 =	vld [tilespmem:s12+$0x80]  }
0x1c0: {  	v18 =	vld [tilespmem:s12+$0x100]  }
0x1c1: {  	v19 =	vld [tilespmem:s12+$0x180]  }
0x1c2: {  	v20 =	vld [tilespmem:s12+$0x200]  }
0x1c3: {  	v21 =	vld [tilespmem:s12+$0x280]  }
0x1c4: {  	v22 =	vld [tilespmem:s12+$0x300]  }
0x1c5: {  	s14 =	sor.u32 s8, s14;
	v23 =	vld [tilespmem:s12+$0x380]  }
0x1c6: {  	s15 =	sor.u32 s8, s15;
	v24 =	vld [tilespmem:s14+$0x0]  }
0x1c7: {  	s16 =	sor.u32 s8, s16;
	v25 =	vld [tilespmem:s15+$0x0]  }
0x1c8: {  	s17 =	sor.u32 s8, s17;
	v26 =	vld [tilespmem:s16+$0x0]  }
0x1c9: {  	s22 =	sor.u32 s8, s18;
	v27 =	vld [tilespmem:s17+$0x0]  }
0x1ca: {  	s21 =	sadd.s32 $0xC780, s11;
	s23 =	sor.u32 s8, s19;
	v28 =	vld [tilespmem:s22+$0x0]  }
0x1cb: {  	s13 =	sor.u32 s9, s21;
	s24 =	simm.s32 $0x100;
	s12 =	simm.s32 $0x20;
	v29 =	vld [tilespmem:s23+$0x0]  }
0x1cc: {  	s25 =	sor.u32 s8, s20;
	v15 =	vld [tilespmem:s13+$0x0];
	s11 =	sand.u32 $0x60, s12;
	s26 =	sand.u32 $0x3C00, s24  }
0x1cd: {  	s8 =	sor.u32 s8, s21;
	v30 =	vld [tilespmem:s25+$0x0];
	s21 =	sor.u32 $0x8000, s26;
	s13 =	sor.u32 $0x10, s11  }
0x1ce: {  	v31 =	vld [tilespmem:s8+$0x0];
	s28 =	sor.u32 s13, s21  }
0x1cf: {  	v32 =	vld [tilespmem:s28+$0x0]  }
0x1d0: {  	v33 =	vld [tilespmem:s28+$0x80]  }
0x1d1: {  	v34 =	vld [tilespmem:s28+$0x100]  }
0x1d2: {  	v35 =	vld [tilespmem:s28+$0x180]  }
0x1d3: {  	v36 =	vld [tilespmem:s28+$0x200]  }
0x1d4: {  	s23 =	sadd.s32 $0xC680, s26;
	v37 =	vld [tilespmem:s28+$0x280]  }
0x1d5: {  	s25 =	sor.u32 s13, s23;
	v38 =	vld [tilespmem:s28+$0x300]  }
0x1d6: {  	s21 =	sor.u32 s11, s21;
	v55 =	vld [tilespmem:s25+$0x0];
	v0 =	vadd.s32 v0, v1  }
0x1d7: {  	v58 =	vld [tilespmem:s21+$0x0];
	v0 =	vadd.s32 v2, v0  }
0x1d8: {  	v59 =	vld [tilespmem:s21+$0x80];
	v0 =	vadd.s32 v3, v0  }
0x1d9: {  	s29 =	sadd.s32 $0xC400, s26;
	v60 =	vld [tilespmem:s21+$0x100];
	v0 =	vadd.s32 v4, v0  }
0x1da: {  	s20 =	sadd.s32 $0xC780, s26;
	s31 =	sor.u32 s13, s29;
	v1 =	vld [tilespmem:s28+$0x380];
	v0 =	vadd.s32 v5, v0  }
0x1db: {  	s18 =	sadd.s32 $0xC480, s26;
	s28 =	sor.u32 s13, s20;
	v2 =	vld [tilespmem:s31+$0x0];
	v0 =	vadd.s32 v6, v0;
	v6 =	vadd.s32 v16, v17  }
0x1dc: {  	s16 =	sadd.s32 $0xC500, s26;
	s24 =	sadd.s32 $0xC700, s26;
	s14 =	sor.u32 s13, s18;
	v57 =	vld [tilespmem:s28+$0x0];
	v0 =	vadd.s32 v7, v0;
	v6 =	vadd.s32 v18, v6;
	v7 =	vadd.s32 v32, v33  }
0x1dd: {  	s17 =	sadd.s32 $0xC580, s26;
	s31 =	sadd.s32 $0xC600, s26;
	s26 =	sor.u32 s13, s24;
	v3 =	vld [tilespmem:s14+$0x0];
	v0 =	vadd.s32 v8, v0;
	v6 =	vadd.s32 v19, v6;
	v7 =	vadd.s32 v34, v7  }
0x1de: {  	s30 =	sor.u32 s13, s16;
	v56 =	vld [tilespmem:s26+$0x0];
	v0 =	vadd.s32 v9, v0;
	v6 =	vadd.s32 v20, v6;
	v7 =	vadd.s32 v35, v7  }
0x1df: {  	s22 =	sor.u32 s13, s17;
	v4 =	vld [tilespmem:s30+$0x0];
	v0 =	vadd.s32 v10, v0;
	v6 =	vadd.s32 v21, v6;
	v7 =	vadd.s32 v36, v7  }
0x1e0: {  	v5 =	vld [tilespmem:s22+$0x0];
	s22 =	sor.u32 s13, s31;
	v0 =	vadd.s32 v11, v0;
	v6 =	vadd.s32 v22, v6;
	v7 =	vadd.s32 v37, v7  }
0x1e1: {  	v54 =	vld [tilespmem:s22+$0x0];
	v0 =	vadd.s32 v12, v0;
	v6 =	vadd.s32 v23, v6;
	v7 =	vadd.s32 v38, v7  }
0x1e2: {  	v0 =	vadd.s32 v13, v0;
	v6 =	vadd.s32 v24, v6;
	v1 =	vadd.s32 v1, v7;
	v7 =	vld [tilespmem:s21+$0x180]  }
0x1e3: {  	v0 =	vadd.s32 v14, v0;
	v6 =	vadd.s32 v25, v6;
	v1 =	vadd.s32 v2, v1;
	v2 =	vld [tilespmem:s21+$0x200]  }
0x1e4: {  	v61 =	vadd.s32 v15, v0;
	v0 =	vadd.s32 v26, v6;
	v1 =	vadd.s32 v3, v1;
	v3 =	vld [tilespmem:s21+$0x280]  }
0x1e5: {  	v6 =	vld [tilespmem:s21+$0x300];
	v0 =	vadd.s32 v27, v0;
	v1 =	vadd.s32 v4, v1;
	v4 =	vadd.s32 v58, v59  }
0x1e6: {  	s10 =	sand.u32 $0x780, s10;
	s29 =	sor.u32 s11, s29;
	v0 =	vadd.s32 v28, v0;
	v1 =	vadd.s32 v5, v1;
	v4 =	vadd.s32 v60, v4;
	v5 =	vld [tilespmem:s21+$0x380]  }
0x1e7: {  	s10 =	sor.u32 s9, s10;
	s18 =	sor.u32 s11, s18;
	v62 =	vadd.s32 v29, v0;
	v1 =	vadd.s32 v54, v1;
	v4 =	vadd.s32 v7, v4;
	v0 =	vld [tilespmem:s29+$0x0]  }
0x1e8: {  	s9 =	simm.s32 $0x2;
	s12 =	sand.u32 $0x780, s12;
	s16 =	sor.u32 s11, s16;
	v7 =	vadd.s32 v30, v62;
	v63 =	vadd.s32 v55, v1;
	v2 =	vadd.s32 v2, v4;
	v1 =	vld [tilespmem:s18+$0x0]  }
0x1e9: {  	s8 =	simm.s32 $0x18800;
	s12 =	sor.u32 s13, s12;
	s30 =	sor.u32 s11, s17;
	[tilespmem:s10+$0x18800] =	vst v61;
	v4 =	vadd.s32 v31, v7;
	v7 =	vadd.s32 v56, v63;
	v3 =	vadd.s32 v3, v2;
	v2 =	vld [tilespmem:s16+$0x0]  }
0x1ea: {  	s14 =	sor.u32 s11, s24;
	s17 =	sor.u32 s11, s20;
	s31 =	sor.u32 s11, s31;
	[tilespmem:s8+$0x0] =	vst v4;
	v4 =	vadd.s32 v57, v7;
	v6 =	vadd.s32 v6, v3;
	v3 =	vld [tilespmem:s30+$0x0]  }
0x1eb: {  	s10 =	simm.s32 $0x200;
	s16 =	sor.u32 s11, s23;
	s11 =	simm.s32 $0x40;
	[tilespmem:s12+$0x18800] =	vst v4;
	v5 =	vadd.s32 v5, v6;
	v4 =	vld [tilespmem:s31+$0x0]  }
.LBB2_18:
0x1ec: {  	s15 =	sand.u32 $0x60, s11;
	s19 =	sand.u32 $0x3C00, s10;
	v0 =	vadd.s32 v0, v5;
	v5 =	vld [tilespmem:s16+$0x0]  }
0x1ed: {  	s9 =	sadd.s32 $0x2, s9;
	s16 =	sor.u32 $0x8000, s19;
	s13 =	sor.u32 $0x10, s15;
	v0 =	vadd.s32 v1, v0;
	v1 =	vld [tilespmem:s14+$0x0]  }
0x1ee: {  	p0 =	slt.u32 s9, $0x7E;
	s12 =	sor.u32 s15, s16;
	s14 =	sor.u32 s13, s16;
	v0 =	vadd.s32 v2, v0;
	v2 =	vld [tilespmem:s17+$0x0]  }
0x1ef: {  	v6 =	vld [tilespmem:s14+$0x0];
	v0 =	vadd.s32 v3, v0  }
0x1f0: {  	v3 =	vld [tilespmem:s14+$0x80];
	v0 =	vadd.s32 v4, v0  }
0x1f1: {  	v4 =	vld [tilespmem:s14+$0x100];
	v0 =	vadd.s32 v5, v0  }
0x1f2: {  	v5 =	vld [tilespmem:s14+$0x180];
	v0 =	vadd.s32 v1, v0  }
0x1f3: {  	s8 =	sadd.s32 $0x20, s8;
	v1 =	vld [tilespmem:s14+$0x200];
	v0 =	vadd.s32 v2, v0  }
0x1f4: {  	v2 =	vld [tilespmem:s14+$0x280];
	[tilespmem:s8+$0x0] =	vst v0  }
0x1f5: {  	s16 =	sadd.s32 $0xC400, s19;
	v0 =	vadd.s32 v6, v3;
	v3 =	vld [tilespmem:s14+$0x300]  }
0x1f6: {  	s17 =	sadd.s32 $0xC480, s19;
	s18 =	sor.u32 s15, s16;
	v0 =	vadd.s32 v4, v0;
	v4 =	vld [tilespmem:s14+$0x380];
	s14 =	sor.u32 s13, s16  }
0x1f7: {  	s20 =	sor.u32 s15, s17;
	s16 =	sadd.s32 $0xC500, s19;
	v0 =	vadd.s32 v5, v0;
	v5 =	vld [tilespmem:s14+$0x0];
	s14 =	sor.u32 s13, s17  }
0x1f8: {  	s21 =	sor.u32 s15, s16;
	s17 =	sadd.s32 $0xC580, s19;
	v0 =	vadd.s32 v1, v0;
	v1 =	vld [tilespmem:s14+$0x0];
	s14 =	sor.u32 s13, s16  }
0x1f9: {  	s22 =	sor.u32 s15, s17;
	s16 =	sadd.s32 $0xC600, s19;
	v0 =	vadd.s32 v2, v0;
	v2 =	vld [tilespmem:s14+$0x0];
	s14 =	sor.u32 s13, s17  }
0x1fa: {  	s23 =	sor.u32 s15, s16;
	s17 =	sadd.s32 $0xC680, s19;
	v0 =	vadd.s32 v3, v0;
	v3 =	vld [tilespmem:s14+$0x0];
	s14 =	sor.u32 s13, s16  }
0x1fb: {  	s24 =	sadd.s32 $0xC700, s19;
	s16 =	sor.u32 s15, s17;
	s17 =	sor.u32 s13, s17;
	v0 =	vadd.s32 v4, v0;
	v4 =	vld [tilespmem:s14+$0x0]  }
0x1fc: {  	s19 =	sadd.s32 $0xC780, s19;
	s14 =	sor.u32 s15, s24;
	s24 =	sor.u32 s13, s24;
	v0 =	vadd.s32 v5, v0;
	v5 =	vld [tilespmem:s17+$0x0]  }
0x1fd: {  	s17 =	sor.u32 s15, s19;
	s15 =	sor.u32 s13, s19;
	v0 =	vadd.s32 v1, v0;
	v1 =	vld [tilespmem:s24+$0x0]  }
0x1fe: {  	v0 =	vadd.s32 v2, v0;
	v2 =	vld [tilespmem:s15+$0x0]  }
0x1ff: {  	v6 =	vld [tilespmem:s12+$0x0];
	v0 =	vadd.s32 v3, v0  }
0x200: {  	v3 =	vld [tilespmem:s12+$0x80];
	v0 =	vadd.s32 v4, v0  }
0x201: {  	v4 =	vld [tilespmem:s12+$0x100];
	v0 =	vadd.s32 v5, v0  }
0x202: {  	s15 =	sand.u32 $0x780, s11;
	v5 =	vld [tilespmem:s12+$0x180];
	v0 =	vadd.s32 v1, v0  }
0x203: {  	s13 =	sor.u32 s13, s15;
	v1 =	vld [tilespmem:s12+$0x200];
	v0 =	vadd.s32 v2, v0  }
0x204: {  	v2 =	vld [tilespmem:s12+$0x280];
	[tilespmem:s13+$0x18800] =	vst v0  }
0x205: {  	v0 =	vadd.s32 v6, v3;
	v3 =	vld [tilespmem:s12+$0x300]  }
0x206: {  	v0 =	vadd.s32 v4, v0;
	v4 =	vld [tilespmem:s12+$0x380]  }
.Ltmp9:
0x207: {  	v5 =	vadd.s32 v5, v0;
	v0 =	vld [tilespmem:s18+$0x0];
	(pc) =	sbr.rel @p0 .LBB2_18-.Ltmp9, $4  }
0x208: {  	v5 =	vadd.s32 v1, v5;
	v1 =	vld [tilespmem:s20+$0x0]  }
0x209: {  	v5 =	vadd.s32 v2, v5;
	v2 =	vld [tilespmem:s21+$0x0]  }
0x20a: {  	v5 =	vadd.s32 v3, v5;
	v3 =	vld [tilespmem:s22+$0x0]  }
0x20b: {  	s10 =	sadd.s32 $0x100, s10;
	s11 =	sadd.s32 $0x20, s11;
	v5 =	vadd.s32 v4, v5;
	v4 =	vld [tilespmem:s23+$0x0]  }
0x20c: {  	v0 =	vadd.s32 v0, v5;
	v46 =	vld [tilespmem:s16+$0x0]  }
0x20d: {  	v0 =	vadd.s32 v1, v0;
	v1 =	vld [tilespmem:s14+$0x0]  }
0x20e: {  	v0 =	vadd.s32 v2, v0;
	v2 =	vld [tilespmem:s17+$0x0]  }
0x20f: {  	v0 =	vadd.s32 v3, v0  }
0x210: {  	v0 =	vadd.s32 v4, v0  }
0x211: {  	v0 =	vadd.s32 v46, v0  }
0x212: {  	v0 =	vadd.s32 v1, v0  }
0x213: {  	s8 =	sadd.s32 $0x20, s8;
	s23 =	simm.s32 $0x80;
	v0 =	vadd.s32 v2, v0  }
0x214: {  	s9 =	simm.s32 $0x400;
	s10 =	simm.s32 $0x18800;
	s24 =	simm.s32 $0x1;
	[tilespmem:s8+$0x0] =	vst v0  }
0x215: {  	[spmem:s4] =	stream.strided.scatter [tilespmem:s10], [sflag:$0x1], $0x800, s9, s23, $0x38;
	[tilespmem:$0x19880] =	vst v63  }
0x216: {  	_ =	swait.ge [sflag:s24], $0x800  }
0x217: {  	[sflag:s24] =	ssyncset.done $0x0  }
0x218: {  	[sflag:s24] =	ssyncadd.s32 $0xFFFFF800  }
0x219: {  	s25 =	simm.s32 $0x10800;
	[bflag:$0x0] =	sbarrier.arrive $0xFFFF  }
0x21a: {  	[tilespmem:s25], [sflag:$0x1] =	stream.linear.gather [spmem:s3], $0x8000, $0x38;
	[tilespmem:$0x19880] =	vst v63  }
0x21b: {  	_ =	swait.ge [sflag:s24], $0x8000  }
0x21c: {  	s9 =	simm.s32 $0x0;
	[sflag:s24] =	ssyncset.done $0x0  }
0x21d: {  	s26 =	sand.u32 $0x70, s9;
	s8 =	sand.u32 $0x3C00, s9;
	[sflag:s24] =	ssyncadd.s32 $0xFFFF8000  }
0x21e: {  	s10 =	sor.u32 s26, s8;
	[bflag:$0x0] =	sbarrier.arrive $0xFFFF  }
0x21f: {  	s11 =	sadd.s32 $0x10800, s10;
	v0 =	vld [tilespmem:s10+$0x10800]  }
0x220: {  	v1 =	vld [tilespmem:s11+$0x80]  }
0x221: {  	v2 =	vld [tilespmem:s11+$0x100]  }
0x222: {  	s12 =	sand.u32 $0x7, s9;
	v3 =	vld [tilespmem:s11+$0x180]  }
0x223: {  	s12 =	sshll.u32 s12, $0x4;
	v47 =	vld [tilespmem:s11+$0x200]  }
0x224: {  	s12 =	sadd.s32 $0x0, s12;
	v48 =	vld [tilespmem:s11+$0x280]  }
0x225: {  	s28 =	sor.u32 $0x380, s12;
	v0 =	vadd.s32 v0, v1;
	v1 =	vld [tilespmem:s11+$0x300]  }
0x226: {  	v0 =	vadd.s32 v2, v0;
	v2 =	vld [tilespmem:s28+$0x10800]  }
0x227: {  	v0 =	vadd.s32 v3, v0;
	v3 =	vld [tilespmem:s10+$0x14800]  }
0x228: {  	v49 =	vld [tilespmem:s10+$0x14880];
	v0 =	vadd.s32 v47, v0  }
0x229: {  	v50 =	vld [tilespmem:s10+$0x14900];
	v0 =	vadd.s32 v48, v0  }
0x22a: {  	v0 =	vadd.s32 v1, v0;
	v1 =	vld [tilespmem:s10+$0x14980]  }
0x22b: {  	v0 =	vadd.s32 v2, v0;
	v2 =	vld [tilespmem:s10+$0x14A00]  }
0x22c: {  	v0 =	vadd.s32 v3, v0;
	v3 =	vld [tilespmem:s10+$0x14A80]  }
0x22d: {  	v51 =	vld [tilespmem:s10+$0x14B00];
	v0 =	vadd.s32 v49, v0  }
0x22e: {  	v52 =	vld [tilespmem:s10+$0x14B80];
	v0 =	vadd.s32 v50, v0  }
0x22f: {  	s29 =	simm.s32 $0x10;
	s30 =	simm.s32 $0x80;
	v0 =	vadd.s32 v1, v0  }
0x230: {  	s11 =	sand.u32 $0x70, s29;
	s10 =	sand.u32 $0x3C00, s30;
	v0 =	vadd.s32 v2, v0  }
0x231: {  	s10 =	sor.u32 s11, s10;
	v0 =	vadd.s32 v3, v0  }
0x232: {  	s11 =	sadd.s32 $0x10800, s10;
	v1 =	vld [tilespmem:s10+$0x10800];
	v0 =	vadd.s32 v51, v0  }
0x233: {  	v2 =	vld [tilespmem:s11+$0x80];
	v3 =	vadd.s32 v52, v0  }
0x234: {  	s12 =	simm.s32 $0x1;
	v0 =	vld [tilespmem:s11+$0x100];
	(xrf0) =	vadd.scan.msk.s32 $0xffff, v3  }
0x235: {  	s13 =	sand.u32 $0x7, s12;
	v53 =	vld [tilespmem:s11+$0x180]  }
0x236: {  	s13 =	sshll.u32 s13, $0x4;
	v54 =	vld [tilespmem:s11+$0x200]  }
0x237: {  	s13 =	sadd.s32 $0x80, s13;
	v6 =	vld [tilespmem:s11+$0x280]  }
0x238: {  	s31 =	sor.u32 $0x380, s13;
	v1 =	vadd.s32 v1, v2;
	v2 =	vld [tilespmem:s11+$0x300]  }
0x239: {  	s6 =	ssub.s32 $0x20000, s6;
	v7 =	vld [tilespmem:s31+$0x10800];
	v0 =	vadd.s32 v0, v1  }
0x23a: {  	v55 =	vld [tilespmem:s10+$0x14800];
	v1 =	vadd.s32 v53, v0;
	v0 =	vmov s6;
	v8, _, _ =	vpop (xrf0)  }
0x23b: {  	v9 =	vld [tilespmem:s10+$0x14880];
	v5 =	vadd.s32 v54, v1;
	v1 =	vimm.s32 $0x0;
	v8 =	vadd.s32 s9, v8  }
0x23c: {  	v56 =	vld [tilespmem:s10+$0x14900];
	v5 =	vadd.s32 v6, v5;
	vm0 =	vle.s32 v8, v0;
	v8 =	vxor.u32 $0x80000000, v8  }
0x23d: {  	v57 =	vld [tilespmem:s10+$0x14980];
	v2 =	vadd.s32 v2, v5;
	(xrf0) =	vmax.scan.msk.u32 $0xffff, v8;
	v58 =	vsel vm0, $0x1, v1  }
0x23e: {  	v59 =	vld [tilespmem:s10+$0x14A00];
	v2 =	vadd.s32 v7, v2;
	v3 =	vnsel vm0, $0x0, v3;
	(xrf0) =	vadd.scan.msk.s32 $0xffff, v58  }
0x23f: {  	v60 =	vld [tilespmem:s10+$0x14A80];
	v2 =	vadd.s32 v55, v2;
	(xrf0) =	vadd.scan.msk.s32 $0xffff, v3  }
0x240: {  	v2 =	vadd.s32 v9, v2;
	v3 =	vld [tilespmem:s10+$0x14B00]  }
0x241: {  	v2 =	vadd.s32 v56, v2  }
0x242: {  	v2 =	vadd.s32 v57, v2  }
0x243: {  	v2 =	vadd.s32 v59, v2;
	v62, _, _ =	vpop (xrf0)  }
0x244: {  	v2 =	vadd.s32 v60, v2;
	v63, _, _ =	vpop (xrf0);
	(v2sf) =	vpush v62, $0xF  }
0x245: {  	v2 =	vadd.s32 v3, v2;
	(v2sf) =	vpush v63, $0xF;
	v3, _, _ =	vpop (xrf0)  }
0x246: {  	(v2sf) =	vpush v3, $0xF;
	_ =	sdelay $0x1  }
0x247: {  	v61 =	vld [tilespmem:s10+$0x14B80];
	_ =	sdelay $0x4  }
0x248: {  	v2 =	vadd.s32 v61, v2  }
0x249: {  	(xrf0) =	vadd.scan.msk.s32 $0xffff, v2  }
0x24a: {  	s15 =	simm.s32 $0x30;
	s14 =	simm.s32 $0x20  }
0x24b: {  	s13 =	simm.s32 $0x100;
	s11 =	simm.s32 $0x0;
	s10 =	simm.s32 $0x0  }
.LBB2_20:
0x24c: {  	p0 =	sne.s32 s15, $0x7F0;
	s14 =	sand.u32 $0x70, s14;
	s16 =	sand.u32 $0x3C00, s13  }
0x24d: {  	s16 =	sor.u32 s14, s16;
	s14 =	smov.u32 s15  }
0x24e: {  	s17 =	sadd.s32 $0x10800, s16;
	v3 =	vld [tilespmem:s16+$0x10800];
	s18 =	spop (v2sf)  }
0x24f: {  	v4 =	vld [tilespmem:s17+$0x80];
	v5, _, _ =	vpop (xrf0);
	s18 =	sxor.u32 $0x80000000, s18;
	s19 =	spop (v2sf)  }
0x250: {  	s12 =	sadd.s32 $0x1, s12;
	v6 =	vld [tilespmem:s17+$0x100];
	v5 =	vadd.s32 s18, v5;
	s11 =	sadd.s32 s11, s19;
	s18 =	spop (v2sf)  }
0x251: {  	s19 =	sand.u32 $0x7, s12;
	v7 =	vld [tilespmem:s17+$0x180];
	vm0 =	vle.s32 v5, v0;
	v5 =	vxor.u32 $0x80000000, v5;
	s10 =	sadd.s32 s10, s18  }
0x252: {  	s18 =	sshll.u32 s19, $0x4;
	v8 =	vld [tilespmem:s17+$0x200];
	v9 =	vsel vm0, $0x1, v1;
	v2 =	vnsel vm0, $0x0, v2;
	(xrf0) =	vmax.scan.msk.u32 $0xffff, v5  }
0x253: {  	s18 =	sadd.s32 s18, s13;
	v5 =	vld [tilespmem:s17+$0x280];
	(xrf0) =	vadd.scan.msk.s32 $0xffff, v9  }
0x254: {  	v3 =	vadd.s32 v3, v4;
	v4 =	vld [tilespmem:s17+$0x300];
	s17 =	sor.u32 $0x380, s18;
	(xrf0) =	vadd.scan.msk.s32 $0xffff, v2  }
0x255: {  	v2 =	vadd.s32 v6, v3;
	v3 =	vld [tilespmem:s17+$0x10800]  }
0x256: {  	v2 =	vadd.s32 v7, v2;
	v6 =	vld [tilespmem:s16+$0x14800]  }
0x257: {  	v2 =	vadd.s32 v8, v2;
	v7 =	vld [tilespmem:s16+$0x14880]  }
0x258: {  	v2 =	vadd.s32 v5, v2;
	v5 =	vld [tilespmem:s16+$0x14900];
	v8, _, _ =	vpop (xrf0)  }
0x259: {  	v2 =	vadd.s32 v4, v2;
	v4 =	vld [tilespmem:s16+$0x14980];
	v9, _, _ =	vpop (xrf0);
	(v2sf) =	vpush v8, $0xF  }
0x25a: {  	v2 =	vadd.s32 v3, v2;
	v3 =	vld [tilespmem:s16+$0x14A00];
	(v2sf) =	vpush v9, $0xF;
	v8, _, _ =	vpop (xrf0)  }
0x25b: {  	v2 =	vadd.s32 v6, v2;
	v6 =	vld [tilespmem:s16+$0x14A80];
	(v2sf) =	vpush v8, $0xF  }
0x25c: {  	v2 =	vadd.s32 v7, v2;
	v7 =	vld [tilespmem:s16+$0x14B00]  }
0x25d: {  	v2 =	vadd.s32 v5, v2;
	v5 =	vld [tilespmem:s16+$0x14B80]  }
0x25e: {  	v2 =	vadd.s32 v4, v2  }
0x25f: {  	v2 =	vadd.s32 v3, v2  }
0x260: {  	v2 =	vadd.s32 v6, v2  }
.Ltmp10:
0x261: {  	v2 =	vadd.s32 v7, v2;
	(pc) =	sbr.rel @p0 .LBB2_20-.Ltmp10, $3  }
0x262: {  	v2 =	vadd.s32 v5, v2  }
0x263: {  	(xrf0) =	vadd.scan.msk.s32 $0xffff, v2;
	_ =	sdelay $0x1  }
0x264: {  	s15 =	sadd.s32 $0x10, s15;
	s13 =	sadd.s32 $0x80, s13  }
0x265: {  	s14 =	sand.u32 $0x70, s14;
	s15 =	sand.u32 $0x3C00, s13  }
0x266: {  	s14 =	sor.u32 s14, s15  }
0x267: {  	s15 =	sadd.s32 $0x10800, s14;
	v3 =	vld [tilespmem:s14+$0x10800];
	s16 =	spop (v2sf)  }
0x268: {  	v4 =	vld [tilespmem:s15+$0x80];
	v5, _, _ =	vpop (xrf0);
	s16 =	sxor.u32 $0x80000000, s16  }
0x269: {  	s12 =	sadd.s32 $0x1, s12;
	v6 =	vld [tilespmem:s15+$0x100];
	v5 =	vadd.s32 s16, v5  }
0x26a: {  	s12 =	sand.u32 $0x7, s12;
	v7 =	vld [tilespmem:s15+$0x180];
	v8 =	vxor.u32 $0x80000000, v5  }
0x26b: {  	s12 =	sshll.u32 s12, $0x4;
	v9 =	vld [tilespmem:s15+$0x200];
	(xrf0) =	vmax.scan.msk.u32 $0xffff, v8  }
0x26c: {  	s12 =	sadd.s32 s12, s13;
	v50 =	vld [tilespmem:s15+$0x280]  }
0x26d: {  	v51 =	vld [tilespmem:s15+$0x300];
	s12 =	sor.u32 $0x380, s12;
	v3 =	vadd.s32 v3, v4  }
0x26e: {  	v52 =	vld [tilespmem:s12+$0x10800];
	v3 =	vadd.s32 v6, v3  }
0x26f: {  	v53 =	vld [tilespmem:s14+$0x14800];
	v3 =	vadd.s32 v7, v3  }
0x270: {  	v54 =	vld [tilespmem:s14+$0x14880];
	v3 =	vadd.s32 v9, v3  }
0x271: {  	v55 =	vld [tilespmem:s14+$0x14900];
	v3 =	vadd.s32 v50, v3;
	v10, _, _ =	vpop (xrf0)  }
0x272: {  	v56 =	vld [tilespmem:s14+$0x14980];
	v3 =	vadd.s32 v51, v3;
	(v2sf) =	vpush v10, $0xF  }
0x273: {  	v57 =	vld [tilespmem:s14+$0x14A00];
	v3 =	vadd.s32 v52, v3  }
0x274: {  	v58 =	vld [tilespmem:s14+$0x14A80];
	v3 =	vadd.s32 v53, v3  }
0x275: {  	v59 =	vld [tilespmem:s14+$0x14B00];
	v3 =	vadd.s32 v54, v3  }
0x276: {  	v60 =	vld [tilespmem:s14+$0x14B80];
	v3 =	vadd.s32 v55, v3  }
0x277: {  	v3 =	vadd.s32 v56, v3  }
0x278: {  	vm0 =	vle.s32 v5, v0;
	v3 =	vadd.s32 v57, v3  }
0x279: {  	v61 =	vsel vm0, $0x1, v1;
	v3 =	vadd.s32 v58, v3  }
0x27a: {  	v2 =	vnsel vm0, $0x0, v2;
	(xrf0) =	vadd.scan.msk.s32 $0xffff, v61;
	v3 =	vadd.s32 v59, v3  }
0x27b: {  	(xrf0) =	vadd.scan.msk.s32 $0xffff, v2;
	v2 =	vadd.s32 v60, v3  }
0x27c: {  	(xrf0) =	vadd.scan.msk.s32 $0xffff, v2;
	_ =	sdelay $0x2  }
0x27d: {  	s19 =	spop (v2sf)  }
0x27e: {  	s20 =	spop (v2sf);
	v3, _, _ =	vpop (xrf0)  }
0x27f: {  	v62, _, _ =	vpop (xrf0);
	s21 =	spop (v2sf)  }
0x280: {  	v63, _, _ =	vpop (xrf0);
	s14 =	sxor.u32 $0x80000000, s21  }
0x281: {  	v5 =	vadd.s32 s14, v63  }
0x282: {  	vm0 =	vle.s32 v5, v0;
	v0 =	vxor.u32 $0x80000000, v5  }
0x283: {  	v1 =	vsel vm0, $0x1, v1;
	(xrf0) =	vmax.scan.msk.u32 $0xffff, v0  }
0x284: {  	v0 =	vnsel vm0, $0x0, v2;
	(xrf0) =	vadd.scan.msk.s32 $0xffff, v1  }
0x285: {  	(xrf0) =	vadd.scan.msk.s32 $0xffff, v0;
	_ =	sdelay $0x2  }
0x286: {  	(v2sf) =	vpush v3, $0xF  }
0x287: {  	(v2sf) =	vpush v62, $0xF;
	v0, _, _ =	vpop (xrf0)  }
0x288: {  	v1, _, _ =	vpop (xrf0);
	(v2sf) =	vpush v0, $0xF  }
0x289: {  	(v2sf) =	vpush v1, $0xF;
	v0, _, _ =	vpop (xrf0)  }
0x28a: {  	(v2sf) =	vpush v0, $0xF;
	_ =	sdelay $0x9  }
0x28b: {  	s22 =	simm.s32 $0x0  }
0x28c: {  	s11 =	sadd.s32 s11, s19;
	s14 =	smul.u32 $0x11000, s22;
	s23 =	spop (v2sf)  }
0x28d: {  	s10 =	sadd.s32 s10, s20;
	s12 =	simm.s32 $0x0;
	s24 =	spop (v2sf)  }
0x28e: {  	s29 =	sand.u32 $0x380, s12;
	s26 =	sshra.s32 s14, $0x2;
	s25 =	spop (v2sf)  }
0x28f: {  	s8 =	sadd.s32 s8, s26;
	s11 =	sadd.s32 s11, s23;
	s28 =	spop (v2sf)  }
0x290: {  	v0 =	vimm.s32 $0x0;
	s30 =	sadd.s32 s10, s24;
	s10 =	sor.u32 s29, s8;
	s31 =	spop (v2sf)  }
0x291: {  	[tilespmem:s10+$0x8070] =	vst v0;
	s11 =	sadd.s32 s11, s28;
	s8 =	sadd.s32 s30, s31  }
.LBB2_22:
0x292: {  	s12 =	sadd.s32 $0x8, s12;
	[tilespmem:s10+$0x8000] =	vst v0  }
0x293: {  	s13 =	sshrl.u32 s12, $0xA;
	p0 =	slt.u32 s12, $0x7F8;
	[tilespmem:s10+$0x8010] =	vst v0  }
0x294: {  	s13 =	smul.u32 $0x11000, s13;
	[tilespmem:s10+$0x8020] =	vst v0  }
.Ltmp11:
0x295: {  	s9 =	sadd.s32 $0x400, s9;
	[tilespmem:s10+$0x8030] =	vst v0;
	(pc) =	sbr.rel @p0 .LBB2_22-.Ltmp11, $4  }
0x296: {  	s14 =	sand.u32 $0x3C00, s9;
	s13 =	sshra.s32 s13, $0x2;
	[tilespmem:s10+$0x8040] =	vst v0  }
0x297: {  	s15 =	sand.u32 $0x380, s12;
	s13 =	sadd.s32 s14, s13;
	[tilespmem:s10+$0x8050] =	vst v0  }
0x298: {  	[tilespmem:s10+$0x8060] =	vst v0;
	s10 =	sor.u32 s15, s13  }
0x299: {  	[tilespmem:s10+$0x8070] =	vst v0  }
0x29a: {  	v1 =	vimm.s32 $0x4780  }
0x29b: {  	v1 =	vsel vm7, $0x0, v1  }
0x29c: {  	v1 =	vsel vm8, $0x80, v1  }
0x29d: {  	v1 =	vsel vm9, $0x100, v1  }
0x29e: {  	v1 =	vsel vm10, $0x180, v1  }
0x29f: {  	v1 =	vsel vm11, $0x200, v1  }
0x2a0: {  	v1 =	vsel vm12, $0x280, v1  }
0x2a1: {  	vm0 =	vcmask $0x1F1C;
	v1 =	vsel vm13, $0x300, v1  }
0x2a2: {  	vm10 =	vcmask $0x2320;
	v1 =	vsel vm0, $0x380, v1  }
0x2a3: {  	[tilespmem:s10+$0x8000] =	vst v0;
	vm11 =	vcmask $0x2724;
	v1 =	vsel vm10, $0x4400, v1  }
0x2a4: {  	[tilespmem:s10+$0x8010] =	vst v0;
	vm12 =	vcmask $0x2B28;
	v1 =	vsel vm11, $0x4480, v1  }
0x2a5: {  	[tilespmem:s10+$0x8020] =	vst v0;
	vm13 =	vcmask $0x2F2C;
	v1 =	vsel vm12, $0x4500, v1  }
0x2a6: {  	[tilespmem:s10+$0x8030] =	vst v0;
	v1 =	vsel vm13, $0x4580, v1  }
0x2a7: {  	[tilespmem:s10+$0x8040] =	vst v0;
	s7 =	sshll.u32 s7, $0xB;
	v1 =	vsel vm14, $0x4600, v1;
	vm14 =	vcmask $0x3734  }
0x2a8: {  	[tilespmem:s10+$0x8050] =	vst v0;
	s9 =	simm.s32 $0x0;
	vm15 =	vcmask $0x3B38;
	s7 =	sadd.s32 s7, s11;
	v1 =	vsel vm14, $0x4680, v1  }
0x2a9: {  	[tilespmem:s10+$0x8060] =	vst v0;
	s10 =	simm.s32 $0x1;
	v2 =	vimm.s32 $0x1;
	s12 =	simm.s32 $0x0;
	s11 =	simm.s32 $0x8000;
	v0 =	vmov s7;
	v1 =	vsel vm15, $0x4700, v1  }
.LBB2_24:
0x2aa: {  	s13 =	sshll.u32 s12, $0xC  }
0x2ab: {  	s29 =	simm.s32 $0x0;
	s14 =	sand.u32 $0xC00, s9;
	s13 =	sadd.s32 s13, s5  }
0x2ac: {  	[tilespmem:s9], [sflag:$0x1] =	stream.linear.gather [hbm4b:s13+s9], $0x8000, $0x38;
	[tilespmem:$0x19880] =	vst v63  }
0x2ad: {  	s15 =	simm.s32 $0x0;
	s13 =	sand.u32 $0x7000, s29;
	_ =	swait.ge [sflag:s10], $0x8000  }
0x2ae: {  	s15 =	sand.u32 $0x380, s15;
	s13 =	sor.u32 s14, s13;
	[sflag:s10] =	ssyncset.done $0x0  }
0x2af: {  	s13 =	sor.u32 s15, s13;
	[sflag:s10] =	ssyncadd.s32 $0xFFFF8000  }
0x2b0: {  	v3 =	vld [tilespmem:s13+$0x70]  }
0x2b1: {  	v4 =	vld [tilespmem:s13+$0x0]  }
0x2b2: {  	v5 =	vld [tilespmem:s13+$0x10]  }
0x2b3: {  	v6 =	vld [tilespmem:s13+$0x20]  }
0x2b4: {  	v8 =	vld [tilespmem:s13+$0x40]  }
0x2b5: {  	v10 =	vld [tilespmem:s13+$0x50]  }
0x2b6: {  	v7 =	vld [tilespmem:s13+$0x30];
	_ =	sdelay $0x1  }
0x2b7: {  	v9 =	vshll.u32 v3, $0x3;
	v11 =	vshrl.u32 v3, $0xA;
	v3 =	vand.u32 $0x7F, v3  }
0x2b8: {  	v12 =	vshll.u32 v4, $0x3;
	v13 =	vshll.u32 v6, $0x3;
	v15 =	vshll.u32 v8, $0x3  }
0x2b9: {  	v16 =	vand.u32 $0x7F, v4;
	v17 =	vshll.u32 v10, $0x3;
	v18 =	vand.u32 $0x7F, v5  }
0x2ba: {  	v20 =	vand.u32 $0x7F, v6;
	v21 =	vand.u32 $0x7F, v7;
	v22 =	vand.u32 $0x7F, v8  }
0x2bb: {  	v23 =	vand.u32 $0x7F, v10;
	v10 =	vshrl.u32 v10, $0xA;
	v9 =	vand.u32 $0x1C00, v9  }
0x2bc: {  	vm3 =	veq.s32 v11, v0;
	v13 =	vand.u32 $0x1C00, v13;
	v15 =	vand.u32 $0x1C00, v15  }
0x2bd: {  	v17 =	vand.u32 $0x1C00, v17;
	vm1 =	veq.s32 v10, v0;
	v3 =	vor.u32 v3, v9  }
0x2be: {  	v9 =	vshll.u32 v5, $0x3;
	v13 =	vor.u32 v20, v13;
	v15 =	vor.u32 v22, v15  }
0x2bf: {  	v20 =	vshrl.u32 v6, $0xA;
	v22 =	vshrl.u32 v8, $0xA;
	v14 =	vadd.s32 v1, v3  }
0x2c0: {  	s30 =	simm.s32 $0x80;
	v11 =	vld [tilespmem:s13+$0x60];
	s13 =	simm.s32 $0x400;
	v3 =	vand.u32 $0x1C00, v12;
	v12 =	vshll.u32 v7, $0x3;
	v9 =	vand.u32 $0x1C00, v9  }
0x2c1: {  	s16 =	simm.s32 $0x20;
	s14 =	sand.u32 $0x7000, s30;
	s31 =	sand.u32 $0xC00, s13;
	v27 =	vadd.s32 v1, v13;
	vm7 =	veq.s32 v20, v0;
	vm2 =	veq.s32 v22, v0  }
0x2c2: {  	s16 =	sand.u32 $0x380, s16;
	s14 =	sor.u32 s31, s14;
	v12 =	vand.u32 $0x1C00, v12;
	v3 =	vor.u32 v16, v3;
	v9 =	vor.u32 v18, v9  }
0x2c3: {  	v16 =	vor.u32 v23, v17;
	v17 =	vshrl.u32 v4, $0xA;
	v18 =	vshrl.u32 v5, $0xA;
	s14 =	sor.u32 s16, s14  }
0x2c4: {  	v12 =	vor.u32 v21, v12;
	v21 =	vshrl.u32 v7, $0xA;
	v23 =	vld [tilespmem:s14+$0x70];
	v62 =	vadd.s32 v1, v3  }
0x2c5: {  	v5 =	vld [tilespmem:s14+$0x0];
	v26 =	vadd.s32 v1, v9;
	v4 =	vadd.s32 v1, v16;
	vm5 =	veq.s32 v17, v0  }
0x2c6: {  	v6 =	vld [tilespmem:s14+$0x10];
	vm6 =	veq.s32 v18, v0;
	v19 =	vshll.u32 v11, $0x3;
	v24 =	vand.u32 $0x7F, v11  }
0x2c7: {  	v7 =	vld [tilespmem:s14+$0x20];
	v25 =	vshrl.u32 v11, $0xA;
	v28 =	vadd.s32 v1, v12;
	v19 =	vand.u32 $0x1C00, v19  }
0x2c8: {  	v9 =	vld [tilespmem:s14+$0x50];
	v11 =	vadd.s32 v1, v15;
	vm4 =	veq.s32 v21, v0;
	v19 =	vor.u32 v24, v19  }
0x2c9: {  	v8 =	vld [tilespmem:s14+$0x30];
	vm0 =	veq.s32 v25, v0;
	v3 =	vadd.s32 v1, v19;
	v12 =	vshll.u32 v23, $0x3  }
0x2ca: {  	v10 =	vld [tilespmem:s14+$0x40];
	v13 =	vshrl.u32 v23, $0xA;
	v15 =	vand.u32 $0x7F, v23;
	v16 =	vand.u32 $0x1C00, v12  }
0x2cb: {  	v17 =	vshll.u32 v5, $0x3;
	v12 =	vld [tilespmem:s14+$0x60];
	vm8 =	veq.s32 v13, v0;
	v13 =	vor.u32 v15, v16  }
0x2cc: {  	[tilespmem:v14+s11+$0x0] =	vst.idx.add.s32.msk vm3, v2;
	v14 =	vshll.u32 v6, $0x3;
	v20 =	vand.u32 $0x7F, v5;
	v63 =	vadd.s32 v1, v13  }
0x2cd: {  	[tilespmem:v27+s11+$0x0] =	vst.idx.add.s32.msk vm7, v2;
	v18 =	vshll.u32 v9, $0x3;
	v21 =	vand.u32 $0x7F, v6;
	v23 =	vand.u32 $0x7F, v7  }
0x2ce: {  	v22 =	vand.u32 $0x7F, v8;
	v14 =	vand.u32 $0x1C00, v14;
	[tilespmem:v62+s11+$0x0] =	vst.idx.add.s32.msk vm5, v2;
	v15 =	vshll.u32 v7, $0x3  }
0x2cf: {  	[tilespmem:v26+s11+$0x0] =	vst.idx.add.s32.msk vm6, v2;
	v13 =	vand.u32 $0x1C00, v17;
	v17 =	vshll.u32 v8, $0x3;
	v16 =	vand.u32 $0x1C00, v15  }
0x2d0: {  	[tilespmem:v28+s11+$0x0] =	vst.idx.add.s32.msk vm4, v2;
	v15 =	vand.u32 $0x1C00, v17;
	v17 =	vshll.u32 v10, $0x3;
	v19 =	vshll.u32 v12, $0x3  }
0x2d1: {  	v18 =	vand.u32 $0x1C00, v18;
	s14 =	simm.s32 $0x8;
	v17 =	vand.u32 $0x1C00, v17;
	v19 =	vand.u32 $0x1C00, v19;
	[tilespmem:v63+s11+$0x0] =	vst.idx.add.s32.msk vm8, v2  }
.LBB2_25:
0x2d2: {  	s14 =	sadd.s32 $0x8, s14;
	v24 =	vand.u32 $0x7F, v10;
	v25 =	vand.u32 $0x7F, v9;
	v26 =	vand.u32 $0x7F, v12;
	[tilespmem:v11+s11+$0x0] =	vst.idx.add.s32.msk vm2, v2  }
0x2d3: {  	v11 =	vor.u32 v20, v13;
	v13 =	vor.u32 v21, v14;
	v14 =	vor.u32 v23, v16;
	s13 =	sadd.s32 $0x400, s13;
	s15 =	sshll.u32 s14, $0x4;
	p0 =	slt.u32 s14, $0x7F8  }
0x2d4: {  	v15 =	vor.u32 v22, v15;
	s16 =	sand.u32 $0xC00, s13;
	s17 =	sshll.u32 s14, $0x2;
	v16 =	vor.u32 v24, v17;
	v17 =	vor.u32 v25, v18;
	s15 =	sand.u32 $0x7000, s15  }
0x2d5: {  	v20 =	vshrl.u32 v6, $0xA;
	v18 =	vshrl.u32 v5, $0xA;
	v19 =	vor.u32 v26, v19;
	s17 =	sand.u32 $0x380, s17;
	s15 =	sor.u32 s16, s15;
	[tilespmem:v4+s11+$0x0] =	vst.idx.add.s32.msk vm1, v2  }
0x2d6: {  	v21 =	vshrl.u32 v7, $0xA;
	v22 =	vshrl.u32 v8, $0xA;
	v10 =	vshrl.u32 v10, $0xA;
	s15 =	sor.u32 s17, s15;
	[tilespmem:v3+s11+$0x0] =	vst.idx.add.s32.msk vm0, v2  }
0x2d7: {  	v9 =	vshrl.u32 v9, $0xA;
	v12 =	vshrl.u32 v12, $0xA;
	v24 =	vadd.s32 v1, v11;
	v23 =	vld [tilespmem:s15+$0x70]  }
0x2d8: {  	v25 =	vadd.s32 v1, v13;
	v26 =	vadd.s32 v1, v14;
	v27 =	vadd.s32 v1, v15;
	v5 =	vld [tilespmem:s15+$0x0]  }
0x2d9: {  	v11 =	vadd.s32 v1, v16;
	v4 =	vadd.s32 v1, v17;
	v3 =	vadd.s32 v1, v19;
	v6 =	vld [tilespmem:s15+$0x10]  }
0x2da: {  	vm5 =	veq.s32 v20, v0;
	vm4 =	veq.s32 v21, v0;
	vm6 =	veq.s32 v18, v0;
	v7 =	vld [tilespmem:s15+$0x20]  }
0x2db: {  	vm3 =	veq.s32 v22, v0;
	vm2 =	veq.s32 v10, v0;
	vm1 =	veq.s32 v9, v0;
	v8 =	vld [tilespmem:s15+$0x30]  }
0x2dc: {  	vm0 =	veq.s32 v12, v0;
	v10 =	vld [tilespmem:s15+$0x40];
	v13 =	vshll.u32 v23, $0x3  }
0x2dd: {  	v14 =	vshrl.u32 v23, $0xA;
	v15 =	vand.u32 $0x7F, v23;
	v9 =	vld [tilespmem:s15+$0x50];
	v13 =	vand.u32 $0x1C00, v13  }
0x2de: {  	v16 =	vshll.u32 v5, $0x3;
	vm7 =	veq.s32 v14, v0;
	v12 =	vld [tilespmem:s15+$0x60];
	v13 =	vor.u32 v15, v13  }
0x2df: {  	v14 =	vshll.u32 v6, $0x3;
	v15 =	vshll.u32 v7, $0x3;
	v28 =	vadd.s32 v1, v13  }
.Ltmp12:
0x2e0: {  	v13 =	vand.u32 $0x1C00, v16;
	v14 =	vand.u32 $0x1C00, v14;
	v17 =	vshll.u32 v8, $0x3;
	[tilespmem:v24+s11+$0x0] =	vst.idx.add.s32.msk vm6, v2;
	(pc) =	sbr.rel @p0 .LBB2_25-.Ltmp12, $4  }
0x2e1: {  	v16 =	vand.u32 $0x1C00, v15;
	v15 =	vand.u32 $0x1C00, v17;
	v17 =	vshll.u32 v10, $0x3;
	[tilespmem:v25+s11+$0x0] =	vst.idx.add.s32.msk vm5, v2  }
0x2e2: {  	v20 =	vand.u32 $0x7F, v5;
	v17 =	vand.u32 $0x1C00, v17;
	v18 =	vshll.u32 v9, $0x3;
	[tilespmem:v26+s11+$0x0] =	vst.idx.add.s32.msk vm4, v2  }
0x2e3: {  	v21 =	vand.u32 $0x7F, v6;
	v18 =	vand.u32 $0x1C00, v18;
	v19 =	vshll.u32 v12, $0x3;
	[tilespmem:v27+s11+$0x0] =	vst.idx.add.s32.msk vm3, v2  }
0x2e4: {  	v23 =	vand.u32 $0x7F, v7;
	v22 =	vand.u32 $0x7F, v8;
	v19 =	vand.u32 $0x1C00, v19;
	[tilespmem:v28+s11+$0x0] =	vst.idx.add.s32.msk vm7, v2  }
0x2e5: {  	_ = 	snop  }
0x2e6: {  	v24 =	vand.u32 $0x7F, v10  }
0x2e7: {  	v25 =	vand.u32 $0x7F, v9;
	v26 =	vand.u32 $0x7F, v12;
	v13 =	vor.u32 v20, v13  }
0x2e8: {  	v14 =	vor.u32 v21, v14;
	v16 =	vor.u32 v23, v16;
	v15 =	vor.u32 v22, v15  }
0x2e9: {  	v5 =	vshrl.u32 v5, $0xA;
	v6 =	vshrl.u32 v6, $0xA;
	v54 =	vshrl.u32 v7, $0xA  }
0x2ea: {  	v56 =	vshrl.u32 v8, $0xA;
	[tilespmem:v11+s11+$0x0] =	vst.idx.add.s32.msk vm2, v2;
	v58 =	vshrl.u32 v10, $0xA;
	vm3 =	veq.s32 v5, v0  }
0x2eb: {  	[tilespmem:v4+s11+$0x0] =	vst.idx.add.s32.msk vm1, v2;
	v60 =	vshrl.u32 v9, $0xA;
	v55 =	vadd.s32 v1, v13;
	vm4 =	veq.s32 v6, v0  }
0x2ec: {  	[tilespmem:v3+s11+$0x0] =	vst.idx.add.s32.msk vm0, v2;
	v3 =	vshrl.u32 v12, $0xA;
	v57 =	vadd.s32 v1, v14;
	vm5 =	veq.s32 v54, v0  }
0x2ed: {  	v17 =	vor.u32 v24, v17;
	v59 =	vadd.s32 v1, v16;
	vm13 =	veq.s32 v56, v0  }
0x2ee: {  	v18 =	vor.u32 v25, v18;
	v61 =	vadd.s32 v1, v15;
	vm14 =	veq.s32 v58, v0  }
0x2ef: {  	v19 =	vor.u32 v26, v19;
	vm15 =	veq.s32 v60, v0;
	v62 =	vadd.s32 v1, v17  }
0x2f0: {  	s12 =	sadd.s32 $0x1, s12;
	vm6 =	veq.s32 v3, v0;
	v63 =	vadd.s32 v1, v18;
	[tilespmem:v55+s11+$0x0] =	vst.idx.add.s32.msk vm3, v2  }
0x2f1: {  	p0 =	sne.s32 s12, $0x4;
	v3 =	vadd.s32 v1, v19;
	[tilespmem:v57+s11+$0x0] =	vst.idx.add.s32.msk vm4, v2  }
.Ltmp13:
0x2f2: {  	[tilespmem:v59+s11+$0x0] =	vst.idx.add.s32.msk vm5, v2;
	(pc) =	sbr.rel @p0 .LBB2_24-.Ltmp13, $4  }
0x2f3: {  	[tilespmem:v61+s11+$0x0] =	vst.idx.add.s32.msk vm13, v2  }
0x2f4: {  	[tilespmem:v62+s11+$0x0] =	vst.idx.add.s32.msk vm14, v2  }
0x2f5: {  	[tilespmem:v63+s11+$0x0] =	vst.idx.add.s32.msk vm15, v2  }
0x2f6: {  	[tilespmem:v3+s11+$0x0] =	vst.idx.add.s32.msk vm6, v2  }
0x2f7: {  	s10 =	simm.s32 $0x0  }
0x2f8: {  	s5 =	sand.u32 $0x60, s10;
	s11 =	sand.u32 $0x3C00, s10  }
0x2f9: {  	s12 =	sor.u32 $0x8000, s11;
	s9 =	sor.u32 $0x10, s5  }
0x2fa: {  	s13 =	sor.u32 s9, s12  }
0x2fb: {  	v0 =	vld [tilespmem:s13+$0x0]  }
0x2fc: {  	v1 =	vld [tilespmem:s13+$0x80]  }
0x2fd: {  	v2 =	vld [tilespmem:s13+$0x100]  }
0x2fe: {  	v3 =	vld [tilespmem:s13+$0x180]  }
0x2ff: {  	v4 =	vld [tilespmem:s13+$0x200]  }
0x300: {  	v5 =	vld [tilespmem:s13+$0x280]  }
0x301: {  	s14 =	sadd.s32 $0xC400, s11;
	v6 =	vld [tilespmem:s13+$0x300]  }
0x302: {  	s15 =	sadd.s32 $0xC480, s11;
	s24 =	sor.u32 s9, s14;
	v7 =	vld [tilespmem:s13+$0x380]  }
0x303: {  	s16 =	sadd.s32 $0xC500, s11;
	s25 =	sor.u32 s9, s15;
	v8 =	vld [tilespmem:s24+$0x0]  }
0x304: {  	s17 =	sadd.s32 $0xC580, s11;
	s26 =	sor.u32 s9, s16;
	v9 =	vld [tilespmem:s25+$0x0]  }
0x305: {  	s18 =	sadd.s32 $0xC600, s11;
	s28 =	sor.u32 s9, s17;
	v10 =	vld [tilespmem:s26+$0x0]  }
0x306: {  	s19 =	sadd.s32 $0xC680, s11;
	s29 =	sor.u32 s9, s18;
	v11 =	vld [tilespmem:s28+$0x0]  }
0x307: {  	s20 =	sadd.s32 $0xC700, s11;
	s30 =	sor.u32 s9, s19;
	v12 =	vld [tilespmem:s29+$0x0]  }
0x308: {  	s31 =	sor.u32 s9, s20;
	v13 =	vld [tilespmem:s30+$0x0]  }
0x309: {  	s12 =	sor.u32 s5, s12;
	v14 =	vld [tilespmem:s31+$0x0]  }
0x30a: {  	v16 =	vld [tilespmem:s12+$0x0]  }
0x30b: {  	v17 =	vld [tilespmem:s12+$0x80]  }
0x30c: {  	v18 =	vld [tilespmem:s12+$0x100]  }
0x30d: {  	v19 =	vld [tilespmem:s12+$0x180]  }
0x30e: {  	v20 =	vld [tilespmem:s12+$0x200]  }
0x30f: {  	v21 =	vld [tilespmem:s12+$0x280]  }
0x310: {  	v22 =	vld [tilespmem:s12+$0x300]  }
0x311: {  	s14 =	sor.u32 s5, s14;
	v23 =	vld [tilespmem:s12+$0x380]  }
0x312: {  	s15 =	sor.u32 s5, s15;
	v24 =	vld [tilespmem:s14+$0x0]  }
0x313: {  	s16 =	sor.u32 s5, s16;
	v25 =	vld [tilespmem:s15+$0x0]  }
0x314: {  	s17 =	sor.u32 s5, s17;
	v26 =	vld [tilespmem:s16+$0x0]  }
0x315: {  	s22 =	sor.u32 s5, s18;
	v27 =	vld [tilespmem:s17+$0x0]  }
0x316: {  	s21 =	sadd.s32 $0xC780, s11;
	s23 =	sor.u32 s5, s19;
	v28 =	vld [tilespmem:s22+$0x0]  }
0x317: {  	s13 =	sor.u32 s9, s21;
	s24 =	simm.s32 $0x100;
	s12 =	simm.s32 $0x20;
	v29 =	vld [tilespmem:s23+$0x0]  }
0x318: {  	s25 =	sor.u32 s5, s20;
	v15 =	vld [tilespmem:s13+$0x0];
	s11 =	sand.u32 $0x60, s12;
	s26 =	sand.u32 $0x3C00, s24  }
0x319: {  	s5 =	sor.u32 s5, s21;
	v30 =	vld [tilespmem:s25+$0x0];
	s21 =	sor.u32 $0x8000, s26;
	s13 =	sor.u32 $0x10, s11  }
0x31a: {  	v31 =	vld [tilespmem:s5+$0x0];
	s28 =	sor.u32 s13, s21  }
0x31b: {  	v32 =	vld [tilespmem:s28+$0x0]  }
0x31c: {  	v33 =	vld [tilespmem:s28+$0x80]  }
0x31d: {  	v34 =	vld [tilespmem:s28+$0x100]  }
0x31e: {  	v35 =	vld [tilespmem:s28+$0x180]  }
0x31f: {  	v36 =	vld [tilespmem:s28+$0x200]  }
0x320: {  	s23 =	sadd.s32 $0xC680, s26;
	v37 =	vld [tilespmem:s28+$0x280]  }
0x321: {  	s25 =	sor.u32 s13, s23;
	v38 =	vld [tilespmem:s28+$0x300]  }
0x322: {  	s21 =	sor.u32 s11, s21;
	v55 =	vld [tilespmem:s25+$0x0];
	v0 =	vadd.s32 v0, v1  }
0x323: {  	v58 =	vld [tilespmem:s21+$0x0];
	v0 =	vadd.s32 v2, v0  }
0x324: {  	v59 =	vld [tilespmem:s21+$0x80];
	v0 =	vadd.s32 v3, v0  }
0x325: {  	s29 =	sadd.s32 $0xC400, s26;
	v60 =	vld [tilespmem:s21+$0x100];
	v0 =	vadd.s32 v4, v0  }
0x326: {  	s20 =	sadd.s32 $0xC780, s26;
	s31 =	sor.u32 s13, s29;
	v1 =	vld [tilespmem:s28+$0x380];
	v0 =	vadd.s32 v5, v0  }
0x327: {  	s18 =	sadd.s32 $0xC480, s26;
	s28 =	sor.u32 s13, s20;
	v2 =	vld [tilespmem:s31+$0x0];
	v0 =	vadd.s32 v6, v0;
	v6 =	vadd.s32 v16, v17  }
0x328: {  	s16 =	sadd.s32 $0xC500, s26;
	s24 =	sadd.s32 $0xC700, s26;
	s14 =	sor.u32 s13, s18;
	v57 =	vld [tilespmem:s28+$0x0];
	v0 =	vadd.s32 v7, v0;
	v6 =	vadd.s32 v18, v6;
	v7 =	vadd.s32 v32, v33  }
0x329: {  	s17 =	sadd.s32 $0xC580, s26;
	s31 =	sadd.s32 $0xC600, s26;
	s26 =	sor.u32 s13, s24;
	v3 =	vld [tilespmem:s14+$0x0];
	v0 =	vadd.s32 v8, v0;
	v6 =	vadd.s32 v19, v6;
	v7 =	vadd.s32 v34, v7  }
0x32a: {  	s30 =	sor.u32 s13, s16;
	v56 =	vld [tilespmem:s26+$0x0];
	v0 =	vadd.s32 v9, v0;
	v6 =	vadd.s32 v20, v6;
	v7 =	vadd.s32 v35, v7  }
0x32b: {  	s22 =	sor.u32 s13, s17;
	v4 =	vld [tilespmem:s30+$0x0];
	v0 =	vadd.s32 v10, v0;
	v6 =	vadd.s32 v21, v6;
	v7 =	vadd.s32 v36, v7  }
0x32c: {  	v5 =	vld [tilespmem:s22+$0x0];
	s22 =	sor.u32 s13, s31;
	v0 =	vadd.s32 v11, v0;
	v6 =	vadd.s32 v22, v6;
	v7 =	vadd.s32 v37, v7  }
0x32d: {  	v54 =	vld [tilespmem:s22+$0x0];
	v0 =	vadd.s32 v12, v0;
	v6 =	vadd.s32 v23, v6;
	v7 =	vadd.s32 v38, v7  }
0x32e: {  	v0 =	vadd.s32 v13, v0;
	v6 =	vadd.s32 v24, v6;
	v1 =	vadd.s32 v1, v7;
	v7 =	vld [tilespmem:s21+$0x180]  }
0x32f: {  	v0 =	vadd.s32 v14, v0;
	v6 =	vadd.s32 v25, v6;
	v1 =	vadd.s32 v2, v1;
	v2 =	vld [tilespmem:s21+$0x200]  }
0x330: {  	v61 =	vadd.s32 v15, v0;
	v0 =	vadd.s32 v26, v6;
	v1 =	vadd.s32 v3, v1;
	v3 =	vld [tilespmem:s21+$0x280]  }
0x331: {  	v6 =	vld [tilespmem:s21+$0x300];
	v0 =	vadd.s32 v27, v0;
	v1 =	vadd.s32 v4, v1;
	v4 =	vadd.s32 v58, v59  }
0x332: {  	s10 =	sand.u32 $0x780, s10;
	s29 =	sor.u32 s11, s29;
	v0 =	vadd.s32 v28, v0;
	v1 =	vadd.s32 v5, v1;
	v4 =	vadd.s32 v60, v4;
	v5 =	vld [tilespmem:s21+$0x380]  }
0x333: {  	s10 =	sor.u32 s9, s10;
	s18 =	sor.u32 s11, s18;
	v62 =	vadd.s32 v29, v0;
	v1 =	vadd.s32 v54, v1;
	v4 =	vadd.s32 v7, v4;
	v0 =	vld [tilespmem:s29+$0x0]  }
0x334: {  	s9 =	simm.s32 $0x2;
	s12 =	sand.u32 $0x780, s12;
	s16 =	sor.u32 s11, s16;
	v7 =	vadd.s32 v30, v62;
	v63 =	vadd.s32 v55, v1;
	v2 =	vadd.s32 v2, v4;
	v1 =	vld [tilespmem:s18+$0x0]  }
0x335: {  	s5 =	simm.s32 $0x18800;
	s12 =	sor.u32 s13, s12;
	s30 =	sor.u32 s11, s17;
	[tilespmem:s10+$0x18800] =	vst v61;
	v4 =	vadd.s32 v31, v7;
	v7 =	vadd.s32 v56, v63;
	v3 =	vadd.s32 v3, v2;
	v2 =	vld [tilespmem:s16+$0x0]  }
0x336: {  	s14 =	sor.u32 s11, s24;
	s17 =	sor.u32 s11, s20;
	s31 =	sor.u32 s11, s31;
	[tilespmem:s5+$0x0] =	vst v4;
	v4 =	vadd.s32 v57, v7;
	v6 =	vadd.s32 v6, v3;
	v3 =	vld [tilespmem:s30+$0x0]  }
0x337: {  	s10 =	simm.s32 $0x200;
	s16 =	sor.u32 s11, s23;
	s11 =	simm.s32 $0x40;
	[tilespmem:s12+$0x18800] =	vst v4;
	v5 =	vadd.s32 v5, v6;
	v4 =	vld [tilespmem:s31+$0x0]  }
.LBB2_28:
0x338: {  	s15 =	sand.u32 $0x60, s11;
	s19 =	sand.u32 $0x3C00, s10;
	v0 =	vadd.s32 v0, v5;
	v5 =	vld [tilespmem:s16+$0x0]  }
0x339: {  	s9 =	sadd.s32 $0x2, s9;
	s16 =	sor.u32 $0x8000, s19;
	s13 =	sor.u32 $0x10, s15;
	v0 =	vadd.s32 v1, v0;
	v1 =	vld [tilespmem:s14+$0x0]  }
0x33a: {  	p0 =	slt.u32 s9, $0x7E;
	s12 =	sor.u32 s15, s16;
	s14 =	sor.u32 s13, s16;
	v0 =	vadd.s32 v2, v0;
	v2 =	vld [tilespmem:s17+$0x0]  }
0x33b: {  	v6 =	vld [tilespmem:s14+$0x0];
	v0 =	vadd.s32 v3, v0  }
0x33c: {  	v3 =	vld [tilespmem:s14+$0x80];
	v0 =	vadd.s32 v4, v0  }
0x33d: {  	v4 =	vld [tilespmem:s14+$0x100];
	v0 =	vadd.s32 v5, v0  }
0x33e: {  	v5 =	vld [tilespmem:s14+$0x180];
	v0 =	vadd.s32 v1, v0  }
0x33f: {  	s5 =	sadd.s32 $0x20, s5;
	v1 =	vld [tilespmem:s14+$0x200];
	v0 =	vadd.s32 v2, v0  }
0x340: {  	v2 =	vld [tilespmem:s14+$0x280];
	[tilespmem:s5+$0x0] =	vst v0  }
0x341: {  	s16 =	sadd.s32 $0xC400, s19;
	v0 =	vadd.s32 v6, v3;
	v3 =	vld [tilespmem:s14+$0x300]  }
0x342: {  	s17 =	sadd.s32 $0xC480, s19;
	s18 =	sor.u32 s15, s16;
	v0 =	vadd.s32 v4, v0;
	v4 =	vld [tilespmem:s14+$0x380];
	s14 =	sor.u32 s13, s16  }
0x343: {  	s20 =	sor.u32 s15, s17;
	s16 =	sadd.s32 $0xC500, s19;
	v0 =	vadd.s32 v5, v0;
	v5 =	vld [tilespmem:s14+$0x0];
	s14 =	sor.u32 s13, s17  }
0x344: {  	s21 =	sor.u32 s15, s16;
	s17 =	sadd.s32 $0xC580, s19;
	v0 =	vadd.s32 v1, v0;
	v1 =	vld [tilespmem:s14+$0x0];
	s14 =	sor.u32 s13, s16  }
0x345: {  	s22 =	sor.u32 s15, s17;
	s16 =	sadd.s32 $0xC600, s19;
	v0 =	vadd.s32 v2, v0;
	v2 =	vld [tilespmem:s14+$0x0];
	s14 =	sor.u32 s13, s17  }
0x346: {  	s23 =	sor.u32 s15, s16;
	s17 =	sadd.s32 $0xC680, s19;
	v0 =	vadd.s32 v3, v0;
	v3 =	vld [tilespmem:s14+$0x0];
	s14 =	sor.u32 s13, s16  }
0x347: {  	s24 =	sadd.s32 $0xC700, s19;
	s16 =	sor.u32 s15, s17;
	s17 =	sor.u32 s13, s17;
	v0 =	vadd.s32 v4, v0;
	v4 =	vld [tilespmem:s14+$0x0]  }
0x348: {  	s19 =	sadd.s32 $0xC780, s19;
	s14 =	sor.u32 s15, s24;
	s24 =	sor.u32 s13, s24;
	v0 =	vadd.s32 v5, v0;
	v5 =	vld [tilespmem:s17+$0x0]  }
0x349: {  	s17 =	sor.u32 s15, s19;
	s15 =	sor.u32 s13, s19;
	v0 =	vadd.s32 v1, v0;
	v1 =	vld [tilespmem:s24+$0x0]  }
0x34a: {  	v0 =	vadd.s32 v2, v0;
	v2 =	vld [tilespmem:s15+$0x0]  }
0x34b: {  	v6 =	vld [tilespmem:s12+$0x0];
	v0 =	vadd.s32 v3, v0  }
0x34c: {  	v3 =	vld [tilespmem:s12+$0x80];
	v0 =	vadd.s32 v4, v0  }
0x34d: {  	v4 =	vld [tilespmem:s12+$0x100];
	v0 =	vadd.s32 v5, v0  }
0x34e: {  	s15 =	sand.u32 $0x780, s11;
	v5 =	vld [tilespmem:s12+$0x180];
	v0 =	vadd.s32 v1, v0  }
0x34f: {  	s13 =	sor.u32 s13, s15;
	v1 =	vld [tilespmem:s12+$0x200];
	v0 =	vadd.s32 v2, v0  }
0x350: {  	v2 =	vld [tilespmem:s12+$0x280];
	[tilespmem:s13+$0x18800] =	vst v0  }
0x351: {  	v0 =	vadd.s32 v6, v3;
	v3 =	vld [tilespmem:s12+$0x300]  }
0x352: {  	v0 =	vadd.s32 v4, v0;
	v4 =	vld [tilespmem:s12+$0x380]  }
.Ltmp14:
0x353: {  	v5 =	vadd.s32 v5, v0;
	v0 =	vld [tilespmem:s18+$0x0];
	(pc) =	sbr.rel @p0 .LBB2_28-.Ltmp14, $4  }
0x354: {  	v5 =	vadd.s32 v1, v5;
	v1 =	vld [tilespmem:s20+$0x0]  }
0x355: {  	v5 =	vadd.s32 v2, v5;
	v2 =	vld [tilespmem:s21+$0x0]  }
0x356: {  	v5 =	vadd.s32 v3, v5;
	v3 =	vld [tilespmem:s22+$0x0]  }
0x357: {  	s10 =	sadd.s32 $0x100, s10;
	s11 =	sadd.s32 $0x20, s11;
	v5 =	vadd.s32 v4, v5;
	v4 =	vld [tilespmem:s23+$0x0]  }
0x358: {  	v0 =	vadd.s32 v0, v5;
	v49 =	vld [tilespmem:s16+$0x0]  }
0x359: {  	v0 =	vadd.s32 v1, v0;
	v1 =	vld [tilespmem:s14+$0x0]  }
0x35a: {  	v0 =	vadd.s32 v2, v0;
	v2 =	vld [tilespmem:s17+$0x0]  }
0x35b: {  	v0 =	vadd.s32 v3, v0  }
0x35c: {  	v0 =	vadd.s32 v4, v0  }
0x35d: {  	v0 =	vadd.s32 v49, v0  }
0x35e: {  	v0 =	vadd.s32 v1, v0  }
0x35f: {  	s5 =	sadd.s32 $0x20, s5;
	s9 =	simm.s32 $0x400;
	v0 =	vadd.s32 v2, v0  }
0x360: {  	s10 =	simm.s32 $0x18800;
	s18 =	simm.s32 $0x1;
	s17 =	simm.s32 $0x80;
	[tilespmem:s5+$0x0] =	vst v0  }
0x361: {  	[spmem:s4] =	stream.strided.scatter [tilespmem:s10], [sflag:$0x1], $0x800, s9, s17, $0x38;
	[tilespmem:$0x19880] =	vst v63  }
0x362: {  	_ =	swait.ge [sflag:s18], $0x800  }
0x363: {  	[sflag:s18] =	ssyncset.done $0x0  }
0x364: {  	[sflag:s18] =	ssyncadd.s32 $0xFFFFF800  }
0x365: {  	s19 =	simm.s32 $0x10800;
	[bflag:$0x0] =	sbarrier.arrive $0xFFFF  }
0x366: {  	[tilespmem:s19], [sflag:$0x1] =	stream.linear.gather [spmem:s3], $0x8000, $0x38;
	[tilespmem:$0x19880] =	vst v63  }
0x367: {  	_ =	swait.ge [sflag:s18], $0x8000  }
0x368: {  	s3 =	simm.s32 $0x0;
	[sflag:s18] =	ssyncset.done $0x0  }
0x369: {  	s20 =	sand.u32 $0x70, s3;
	s21 =	sand.u32 $0x3C00, s3;
	[sflag:s18] =	ssyncadd.s32 $0xFFFF8000  }
0x36a: {  	s4 =	sor.u32 s20, s21;
	[bflag:$0x0] =	sbarrier.arrive $0xFFFF  }
0x36b: {  	s5 =	sadd.s32 $0x10800, s4;
	v0 =	vld [tilespmem:s4+$0x10800]  }
0x36c: {  	v1 =	vld [tilespmem:s5+$0x80]  }
0x36d: {  	v2 =	vld [tilespmem:s5+$0x100]  }
0x36e: {  	s22 =	sand.u32 $0x7, s3;
	v3 =	vld [tilespmem:s5+$0x180]  }
0x36f: {  	s9 =	sshll.u32 s22, $0x4;
	v50 =	vld [tilespmem:s5+$0x200]  }
0x370: {  	s9 =	sadd.s32 $0x0, s9;
	v51 =	vld [tilespmem:s5+$0x280]  }
0x371: {  	s23 =	sor.u32 $0x380, s9;
	v0 =	vadd.s32 v0, v1;
	v1 =	vld [tilespmem:s5+$0x300]  }
0x372: {  	v0 =	vadd.s32 v2, v0;
	v2 =	vld [tilespmem:s23+$0x10800]  }
0x373: {  	v0 =	vadd.s32 v3, v0;
	v3 =	vld [tilespmem:s4+$0x14800]  }
0x374: {  	v52 =	vld [tilespmem:s4+$0x14880];
	v0 =	vadd.s32 v50, v0  }
0x375: {  	v53 =	vld [tilespmem:s4+$0x14900];
	v0 =	vadd.s32 v51, v0  }
0x376: {  	v0 =	vadd.s32 v1, v0;
	v1 =	vld [tilespmem:s4+$0x14980]  }
0x377: {  	v0 =	vadd.s32 v2, v0;
	v2 =	vld [tilespmem:s4+$0x14A00]  }
0x378: {  	v0 =	vadd.s32 v3, v0;
	v3 =	vld [tilespmem:s4+$0x14A80]  }
0x379: {  	v54 =	vld [tilespmem:s4+$0x14B00];
	v0 =	vadd.s32 v52, v0  }
0x37a: {  	s24 =	simm.s32 $0x10;
	s25 =	simm.s32 $0x80;
	v55 =	vld [tilespmem:s4+$0x14B80];
	v0 =	vadd.s32 v53, v0  }
0x37b: {  	s26 =	sand.u32 $0x70, s24;
	s28 =	sand.u32 $0x3C00, s25;
	v0 =	vadd.s32 v1, v0  }
0x37c: {  	s5 =	sor.u32 s26, s28;
	v0 =	vadd.s32 v2, v0  }
0x37d: {  	s29 =	sadd.s32 $0x10800, s5;
	v1 =	vld [tilespmem:s5+$0x10800];
	v0 =	vadd.s32 v3, v0  }
0x37e: {  	v2 =	vld [tilespmem:s29+$0x80];
	v0 =	vadd.s32 v54, v0  }
0x37f: {  	v3 =	vld [tilespmem:s29+$0x100];
	v0 =	vadd.s32 v55, v0  }
0x380: {  	v56 =	vld [tilespmem:s29+$0x180];
	s4 =	simm.s32 $0x1;
	(xrf0) =	vadd.scan.msk.s32 $0xffff, v0  }
0x381: {  	s30 =	sand.u32 $0x7, s4;
	v0 =	vld [tilespmem:s29+$0x200]  }
0x382: {  	v57 =	vld [tilespmem:s29+$0x280];
	s10 =	sshll.u32 s30, $0x4  }
0x383: {  	s10 =	sadd.s32 $0x80, s10;
	v1 =	vadd.s32 v1, v2  }
0x384: {  	s31 =	sor.u32 $0x380, s10;
	v2 =	vld [tilespmem:s29+$0x300];
	v1 =	vadd.s32 v3, v1  }
0x385: {  	v3 =	vld [tilespmem:s31+$0x10800];
	v1 =	vadd.s32 v56, v1  }
0x386: {  	s6 =	ssub.s32 s6, s8;
	v58 =	vld [tilespmem:s5+$0x14800];
	v1 =	vadd.s32 v0, v1;
	v7, _, _ =	vpop (xrf0)  }
0x387: {  	v6 =	vld [tilespmem:s5+$0x14880];
	v0 =	vmov s6;
	v5 =	vadd.s32 v57, v1;
	v7 =	vadd.s32 s3, v7  }
0x388: {  	v8 =	vld [tilespmem:s5+$0x14900];
	v1 =	vimm.s32 $0x0;
	vm0 =	vle.s32 v7, v0;
	v7 =	vxor.u32 $0x80000000, v7  }
0x389: {  	v59 =	vld [tilespmem:s5+$0x14980];
	v2 =	vadd.s32 v2, v5;
	v9 =	vsel vm0, $0x1, v1;
	(xrf0) =	vmax.scan.msk.u32 $0xffff, v7  }
0x38a: {  	v2 =	vadd.s32 v3, v2;
	v3 =	vld [tilespmem:s5+$0x14A00];
	(xrf0) =	vadd.scan.msk.s32 $0xffff, v9  }
0x38b: {  	v2 =	vadd.s32 v58, v2  }
0x38c: {  	v2 =	vadd.s32 v6, v2  }
0x38d: {  	v2 =	vadd.s32 v8, v2  }
0x38e: {  	v2 =	vadd.s32 v59, v2  }
0x38f: {  	v2 =	vadd.s32 v3, v2;
	v3, _, _ =	vpop (xrf0)  }
0x390: {  	v63, _, _ =	vpop (xrf0);
	(v2sf) =	vpush v3, $0xF  }
0x391: {  	(v2sf) =	vpush v63, $0xF  }
0x392: {  	v60 =	vld [tilespmem:s5+$0x14A80]  }
0x393: {  	v61 =	vld [tilespmem:s5+$0x14B00]  }
0x394: {  	v62 =	vld [tilespmem:s5+$0x14B80];
	_ =	sdelay $0x2  }
0x395: {  	v2 =	vadd.s32 v60, v2  }
0x396: {  	v2 =	vadd.s32 v61, v2  }
0x397: {  	v2 =	vadd.s32 v62, v2  }
0x398: {  	(xrf0) =	vadd.scan.msk.s32 $0xffff, v2;
	_ =	sdelay $0x1  }
0x399: {  	s8 =	simm.s32 $0x30;
	s6 =	simm.s32 $0x20;
	s5 =	simm.s32 $0x100  }
.LBB2_30:
0x39a: {  	p0 =	sne.s32 s8, $0x7F0;
	s6 =	sand.u32 $0x70, s6;
	s9 =	sand.u32 $0x3C00, s5  }
0x39b: {  	s9 =	sor.u32 s6, s9;
	s6 =	smov.u32 s8  }
0x39c: {  	s10 =	sadd.s32 $0x10800, s9;
	v2 =	vld [tilespmem:s9+$0x10800];
	s11 =	spop (v2sf)  }
0x39d: {  	v3 =	vld [tilespmem:s10+$0x80];
	v4, _, _ =	vpop (xrf0);
	s11 =	sxor.u32 $0x80000000, s11;
	s12 =	spop (v2sf)  }
0x39e: {  	s4 =	sadd.s32 $0x1, s4;
	v5 =	vld [tilespmem:s10+$0x100];
	v4 =	vadd.s32 s11, v4;
	s3 =	sadd.s32 s3, s12  }
0x39f: {  	s11 =	sand.u32 $0x7, s4;
	v6 =	vld [tilespmem:s10+$0x180];
	vm0 =	vle.s32 v4, v0;
	v4 =	vxor.u32 $0x80000000, v4  }
0x3a0: {  	s11 =	sshll.u32 s11, $0x4;
	v7 =	vld [tilespmem:s10+$0x200];
	v8 =	vsel vm0, $0x1, v1;
	(xrf0) =	vmax.scan.msk.u32 $0xffff, v4  }
0x3a1: {  	s11 =	sadd.s32 s11, s5;
	v4 =	vld [tilespmem:s10+$0x280];
	(xrf0) =	vadd.scan.msk.s32 $0xffff, v8  }
0x3a2: {  	v2 =	vadd.s32 v2, v3;
	v3 =	vld [tilespmem:s10+$0x300];
	s10 =	sor.u32 $0x380, s11  }
0x3a3: {  	v2 =	vadd.s32 v5, v2;
	v5 =	vld [tilespmem:s10+$0x10800]  }
0x3a4: {  	v2 =	vadd.s32 v6, v2;
	v6 =	vld [tilespmem:s9+$0x14800]  }
0x3a5: {  	v2 =	vadd.s32 v7, v2;
	v7 =	vld [tilespmem:s9+$0x14880]  }
0x3a6: {  	v2 =	vadd.s32 v4, v2;
	v4 =	vld [tilespmem:s9+$0x14900];
	v8, _, _ =	vpop (xrf0)  }
0x3a7: {  	v2 =	vadd.s32 v3, v2;
	v3 =	vld [tilespmem:s9+$0x14980];
	v9, _, _ =	vpop (xrf0);
	(v2sf) =	vpush v8, $0xF  }
0x3a8: {  	v2 =	vadd.s32 v5, v2;
	v5 =	vld [tilespmem:s9+$0x14A00];
	(v2sf) =	vpush v9, $0xF  }
0x3a9: {  	v2 =	vadd.s32 v6, v2;
	v6 =	vld [tilespmem:s9+$0x14A80]  }
0x3aa: {  	v2 =	vadd.s32 v7, v2;
	v7 =	vld [tilespmem:s9+$0x14B00]  }
0x3ab: {  	v2 =	vadd.s32 v4, v2;
	v4 =	vld [tilespmem:s9+$0x14B80]  }
0x3ac: {  	v2 =	vadd.s32 v3, v2  }
0x3ad: {  	v2 =	vadd.s32 v5, v2  }
0x3ae: {  	v2 =	vadd.s32 v6, v2  }
.Ltmp15:
0x3af: {  	v2 =	vadd.s32 v7, v2;
	(pc) =	sbr.rel @p0 .LBB2_30-.Ltmp15, $3  }
0x3b0: {  	v2 =	vadd.s32 v4, v2  }
0x3b1: {  	(xrf0) =	vadd.scan.msk.s32 $0xffff, v2;
	_ =	sdelay $0x1  }
0x3b2: {  	s8 =	sadd.s32 $0x10, s8;
	s5 =	sadd.s32 $0x80, s5  }
0x3b3: {  	s6 =	sand.u32 $0x70, s6;
	s8 =	sand.u32 $0x3C00, s5  }
0x3b4: {  	s6 =	sor.u32 s6, s8  }
0x3b5: {  	s8 =	sadd.s32 $0x10800, s6;
	v2 =	vld [tilespmem:s6+$0x10800];
	s9 =	spop (v2sf)  }
0x3b6: {  	v3 =	vld [tilespmem:s8+$0x80];
	v4, _, _ =	vpop (xrf0);
	s9 =	sxor.u32 $0x80000000, s9  }
0x3b7: {  	s4 =	sadd.s32 $0x1, s4;
	v5 =	vld [tilespmem:s8+$0x100];
	v4 =	vadd.s32 s9, v4  }
0x3b8: {  	s4 =	sand.u32 $0x7, s4;
	v6 =	vld [tilespmem:s8+$0x180];
	v7 =	vxor.u32 $0x80000000, v4  }
0x3b9: {  	s4 =	sshll.u32 s4, $0x4;
	v8 =	vld [tilespmem:s8+$0x200];
	(xrf0) =	vmax.scan.msk.u32 $0xffff, v7  }
0x3ba: {  	s4 =	sadd.s32 s4, s5;
	v48 =	vld [tilespmem:s8+$0x280]  }
0x3bb: {  	v49 =	vld [tilespmem:s8+$0x300];
	s4 =	sor.u32 $0x380, s4;
	v2 =	vadd.s32 v2, v3  }
0x3bc: {  	v50 =	vld [tilespmem:s4+$0x10800];
	v2 =	vadd.s32 v5, v2  }
0x3bd: {  	v51 =	vld [tilespmem:s6+$0x14800];
	v2 =	vadd.s32 v6, v2  }
0x3be: {  	v52 =	vld [tilespmem:s6+$0x14880];
	v2 =	vadd.s32 v8, v2  }
0x3bf: {  	v53 =	vld [tilespmem:s6+$0x14900];
	v2 =	vadd.s32 v48, v2;
	v9, _, _ =	vpop (xrf0)  }
0x3c0: {  	v54 =	vld [tilespmem:s6+$0x14980];
	v2 =	vadd.s32 v49, v2;
	(v2sf) =	vpush v9, $0xF  }
0x3c1: {  	v55 =	vld [tilespmem:s6+$0x14A00];
	v2 =	vadd.s32 v50, v2  }
0x3c2: {  	v56 =	vld [tilespmem:s6+$0x14A80];
	v2 =	vadd.s32 v51, v2  }
0x3c3: {  	v57 =	vld [tilespmem:s6+$0x14B00];
	v2 =	vadd.s32 v52, v2  }
0x3c4: {  	v58 =	vld [tilespmem:s6+$0x14B80];
	v2 =	vadd.s32 v53, v2  }
0x3c5: {  	v2 =	vadd.s32 v54, v2  }
0x3c6: {  	v2 =	vadd.s32 v55, v2  }
0x3c7: {  	vm0 =	vle.s32 v4, v0;
	v2 =	vadd.s32 v56, v2  }
0x3c8: {  	v59 =	vsel vm0, $0x1, v1;
	v2 =	vadd.s32 v57, v2  }
0x3c9: {  	(xrf0) =	vadd.scan.msk.s32 $0xffff, v59;
	v2 =	vadd.s32 v58, v2  }
0x3ca: {  	(xrf0) =	vadd.scan.msk.s32 $0xffff, v2;
	_ =	sdelay $0x3  }
0x3cb: {  	s28 =	spop (v2sf)  }
0x3cc: {  	v60, _, _ =	vpop (xrf0);
	s29 =	spop (v2sf)  }
0x3cd: {  	v61, _, _ =	vpop (xrf0);
	s5 =	sxor.u32 $0x80000000, s29  }
0x3ce: {  	v3 =	vadd.s32 s5, v61  }
0x3cf: {  	vm15 =	vle.s32 v3, v0;
	v62 =	vxor.u32 $0x80000000, v3  }
0x3d0: {  	v63 =	vsel vm15, $0x1, v1;
	(xrf0) =	vmax.scan.msk.u32 $0xffff, v62  }
0x3d1: {  	(xrf0) =	vadd.scan.msk.s32 $0xffff, v63;
	_ =	sdelay $0x4  }
0x3d2: {  	(v2sf) =	vpush v60, $0xF;
	v0, _, _ =	vpop (xrf0)  }
0x3d3: {  	v1, _, _ =	vpop (xrf0);
	(v2sf) =	vpush v0, $0xF  }
0x3d4: {  	(v2sf) =	vpush v1, $0xF;
	_ =	sdelay $0xc  }
0x3d5: {  	s30 =	spop (v2sf)  }
0x3d6: {  	s3 =	sadd.s32 s3, s28;
	s31 =	spop (v2sf)  }
0x3d7: {  	p0 =	sne.s32 s1, $0x0;
	s3 =	sadd.s32 s3, s30;
	s4 =	spop (v2sf)  }
0x3d8: {  	s3 =	sadd.s32 s3, s4;
	s4 =	sshll.u32 @!p0 s7, $0xA  }
0x3d9: {  	s3 =	sadd.s32 @!p0 s4, s3  }
0x3da: {  	v0 =	vmov @!p0 s3  }
0x3db: {  	s4 =	simm.s32 @!p0 $0x19000;
	s3 =	simm.s32 @!p0 $0x0;
	[tilespmem:$0x19000] =	vst @!p0 v0  }
0x3dc: {  	[hbm4b:s2+s3] =	stream.linear.scatter @!p0 [tilespmem:s4], [sflag:$0x1], $0x80, $0x38;
	[tilespmem:$0x19880] =	vst v63  }
0x3dd: {  	s2 =	simm.s32 @!p0 $0x1  }
0x3de: {  	_ =	swait.ge @!p0 [sflag:s2], $0x80  }
0x3df: {  	[sflag:s2] =	ssyncset.done @!p0 $0x0  }
0x3e0: {  	[sflag:s2] =	ssyncadd.s32 @!p0 $0xFFFFFF80  }
.LBB2_32:
0x3e1: {  	_ =	sfence.sel $0x180000  }
0x3e2: {  	[bflag:$0x0] =	sbarrier.arrive $0xFFFF  }
0x3e3: {  	p0 =	sne.s32 s1, $0x0;
	_ =	strace $0x90000047  }
0x3e4: {  	s0 =	sadd.s32 @!p0 $0x100000, s0;
	[bflag:$0x2] =	sbarrier.arrive $0xFFFF  }
0x3e5: {  	[sflag:s0] =	ssyncadd.tile.s32 @!p0 $0x1;
	_ =	shalt  }
.Lfunc_end2:
_tile_overlayer_lowered:
.L_overlay_start_2:
0x3e6: {  	(tag) =	ssettag $0x2  }
0x3e7: {  	s0 =	rddreg [dreg:$0x0];
	s2 =	stileid.u32  }
0x3e8: {  	s1 =	rddreg [dreg:$0x1];
	p0 =	sne.s32 s2, $0x0  }
0x3e9: {  	s3 =	rddreg [dreg:$0x2];
	[bflag:$0x3] =	sbarrier.arrive $0xFFFF;
	s2 =	simm.s32 @!p0 $0x1C01  }
0x3ea: {  	[timem:s3], [sflag:s2] =	dma.local @!p0 [hbm:s0], s1  }
0x3eb: {  	s0 =	simm.s32 @!p0 $0x1  }
0x3ec: {  	_ =	swait.ge @!p0 [sflag:s0], s1  }
0x3ed: {  	s1 =	ssub.s32 @!p0 $0x0, s1;
	[sflag:s0] =	ssyncset.done @!p0 $0x0  }
0x3ee: {  	[sflag:s0] =	ssyncadd.s32 @!p0 s1  }
0x3ef: {  	[bflag:$0x3] =	sbarrier.arrive $0xFFFF  }
0x3f0: {  	_ =	shalt  }

</sc_bundles>
